<compile_context>
chip_gen: v7x
topology: tpu7x:2x2x1
jax: 0.10.2.dev20260603
libtpu: 0.0.44.dev20260713+nightly
codegen_flags: <defaults>
</compile_context>

<pallas_src>
import functools

import jax
import jax.numpy as jnp
from jax import lax
from jax.experimental import pallas as pl
from jax.experimental.pallas import tpu as pltpu
from jax.experimental.pallas import tpu_sc as plsc

N = 100000
E = 6400000
NC = 2
NS = 16
NW = NC * NS
STR = 6272
N_PAD = NS * STR
EPT = E // NW
WD = 20000
NWIN_D = EPT // WD
WP = 10000
NWIN_P = EPT // WP
NB = 5
NBODY = NWIN_P // NB


def _mesh():
    return plsc.VectorSubcoreMesh(core_axis_name="c", subcore_axis_name="s")


def _zero_fill(buf, n):
    def body(i, _):
        buf[pl.ds(i * 16, 16)] = jnp.zeros((16,), jnp.float32)
        return 0
    lax.fori_loop(0, n // 16, body, 0)


def _sc_degree(dst):
    @functools.partial(
        pl.kernel,
        out_type=jax.ShapeDtypeStruct((NC, N_PAD), jnp.float32),
        mesh=_mesh(),
        scratch_types=[
            pltpu.VMEM_SHARED((N_PAD,), jnp.float32),
            pltpu.VMEM((WD,), jnp.int32),
            pltpu.VMEM((WD,), jnp.int32),
            pltpu.VMEM((WD,), jnp.float32),
            pltpu.SemaphoreType.DMA,
            pltpu.SemaphoreType.DMA,
            pltpu.SemaphoreType.DMA,
        ],
    )
    def k(dst_hbm, out_hbm, acc_sh, dbuf0, dbuf1, ones_v, sem0, sem1, semi):
        cid = lax.axis_index("c")
        sid = lax.axis_index("s")
        gwid = cid * NS + sid
        dbufs = (dbuf0, dbuf1)
        sems = (sem0, sem1)

        _zero_fill(ones_v, STR)
        pltpu.sync_copy(ones_v.at[pl.ds(0, STR)],
                        acc_sh.at[pl.ds(sid * STR, STR)])

        def init_ones(i, _):
            ones_v[pl.ds(i * 16, 16)] = jnp.ones((16,), jnp.float32)
            return 0
        lax.fori_loop(0, WD // 16, init_ones, 0)
        plsc.subcore_barrier()

        pend = [None, None]
        for w in range(NWIN_D):
            par = w % 2
            if pend[par] is not None:
                pend[par].wait()
            base = gwid * EPT + w * WD
            pltpu.async_copy(dst_hbm.at[pl.ds(base, WD)], dbufs[par], semi).wait()
            pend[par] = pltpu.async_copy(ones_v, acc_sh.at[dbufs[par]],
                                         sems[par], add=True)
        for d_ in pend:
            d_.wait()

        plsc.subcore_barrier()
        pltpu.sync_copy(acc_sh.at[pl.ds(sid * STR, STR)],
                        out_hbm.at[cid, pl.ds(sid * STR, STR)])

    return k(dst)


def _sc_gather_scatter(g, src, dst, d):
    scratch = (
        [pltpu.VMEM_SHARED((N_PAD,), jnp.float32) for _ in range(2 * d)]
        + [
            pltpu.VMEM((WP,), jnp.int32),
            pltpu.VMEM((WP,), jnp.int32),
            pltpu.VMEM((WP,), jnp.int32),
        ]
        + [pltpu.VMEM((WP,), jnp.float32) for _ in range(2 * d)]
        + [pltpu.SemaphoreType.DMA] * 4
    )

    @functools.partial(
        pl.kernel,
        out_type=jax.ShapeDtypeStruct((NC, d, N_PAD), jnp.float32),
        mesh=_mesh(),
        scratch_types=scratch,
    )
    def k(g_hbm, src_hbm, dst_hbm, out_hbm, *refs):
        tabs = refs[:d]
        accs = refs[d:2 * d]
        sbuf = refs[2 * d]
        dbufs = (refs[2 * d + 1], refs[2 * d + 2])
        vals = (refs[2 * d + 3:3 * d + 3], refs[3 * d + 3:4 * d + 3])
        sem_g, sem_s0, sem_s1, sem_i = refs[4 * d + 3:]
        sem_s = (sem_s0, sem_s1)
        cid = lax.axis_index("c")
        sid = lax.axis_index("s")
        gwid = cid * NS + sid

        zbuf = vals[0][0]
        _zero_fill(zbuf, STR)
        for p in range(d):
            pltpu.sync_copy(g_hbm.at[p, pl.ds(sid * STR, STR)],
                            tabs[p].at[pl.ds(sid * STR, STR)])
            pltpu.sync_copy(zbuf.at[pl.ds(0, STR)],
                            accs[p].at[pl.ds(sid * STR, STR)])
        plsc.subcore_barrier()

        def body(i, _):
            base0 = gwid * EPT + i * (NB * WP)
            pend = {}
            for kw in range(NB):
                par = kw % 2
                base = base0 + kw * WP
                pltpu.async_copy(src_hbm.at[pl.ds(base, WP)], sbuf,
                                 sem_i).wait()
                if kw - 2 in pend:
                    for d_ in pend.pop(kw - 2):
                        d_.wait()
                pltpu.async_copy(dst_hbm.at[pl.ds(base, WP)], dbufs[par],
                                 sem_i).wait()
                gds = [pltpu.async_copy(tabs[p].at[sbuf], vals[par][p], sem_g)
                       for p in range(d)]
                for d_ in gds:
                    d_.wait()
                pend[kw] = [pltpu.async_copy(vals[par][p],
                                             accs[p].at[dbufs[par]],
                                             sem_s[par], add=True)
                            for p in range(d)]
            for kw in sorted(pend):
                for d_ in pend[kw]:
                    d_.wait()
            return 0
        lax.fori_loop(0, NBODY, body, 0)

        plsc.subcore_barrier()
        for p in range(d):
            pltpu.sync_copy(accs[p].at[pl.ds(sid * STR, STR)],
                            out_hbm.at[cid, p, pl.ds(sid * STR, STR)])

    return k(g, src, dst)


def _sc_gather_scatter_packed(gpk, src, dst):
    scratch = [
        pltpu.VMEM_SHARED((N_PAD,), jnp.int32),
        pltpu.VMEM_SHARED((N_PAD,), jnp.float32),
        pltpu.VMEM_SHARED((N_PAD,), jnp.float32),
        pltpu.VMEM((WP,), jnp.int32),
        pltpu.VMEM((WP,), jnp.int32),
        pltpu.VMEM((WP,), jnp.int32),
        pltpu.VMEM((WP,), jnp.int32),
        pltpu.VMEM((WP,), jnp.int32),
        pltpu.VMEM((WP,), jnp.float32),
        pltpu.VMEM((WP,), jnp.float32),
        pltpu.VMEM((WP,), jnp.float32),
        pltpu.VMEM((WP,), jnp.float32),
        pltpu.SemaphoreType.DMA,
        pltpu.SemaphoreType.DMA,
        pltpu.SemaphoreType.DMA,
        pltpu.SemaphoreType.DMA,
    ]

    @functools.partial(
        pl.kernel,
        out_type=jax.ShapeDtypeStruct((NC, 2, N_PAD), jnp.float32),
        mesh=_mesh(),
        scratch_types=scratch,
    )
    def k(gpk_hbm, src_hbm, dst_hbm, out_hbm, tabu, acc0, acc1, sbuf,
          dbuf0, dbuf1, vu0, vu1, vf00, vf01, vf10, vf11,
          sem_g, sem_s0, sem_s1, sem_i):
        accs = (acc0, acc1)
        dbufs = (dbuf0, dbuf1)
        vus = (vu0, vu1)
        vfs = ((vf00, vf01), (vf10, vf11))
        sem_s = (sem_s0, sem_s1)
        cid = lax.axis_index("c")
        sid = lax.axis_index("s")
        gwid = cid * NS + sid
        stripe = pl.ds(sid * STR, STR)

        pltpu.sync_copy(gpk_hbm.at[stripe], tabu.at[stripe])
        _zero_fill(vf00, STR)
        pltpu.sync_copy(vf00.at[pl.ds(0, STR)], acc0.at[stripe])
        pltpu.sync_copy(vf00.at[pl.ds(0, STR)], acc1.at[stripe])
        plsc.subcore_barrier()

        def body(i, _):
            base0 = gwid * EPT + i * (NB * WP)
            pend = {}
            for kw in range(NB):
                par = kw % 2
                base = base0 + kw * WP
                pltpu.async_copy(src_hbm.at[pl.ds(base, WP)], sbuf,
                                 sem_i).wait()
                if kw - 2 in pend:
                    for d_ in pend.pop(kw - 2):
                        d_.wait()
                pltpu.async_copy(dst_hbm.at[pl.ds(base, WP)], dbufs[par],
                                 sem_i).wait()
                pltpu.async_copy(tabu.at[sbuf], vus[par], sem_g).wait()

                def unpack(j, _, par=par):
                    himask = jnp.full((16,), -65536, jnp.int32)
                    u = vus[par][pl.ds(j * 16, 16)]
                    vfs[par][0][pl.ds(j * 16, 16)] = lax.bitcast_convert_type(
                        u & himask, jnp.float32)
                    vfs[par][1][pl.ds(j * 16, 16)] = lax.bitcast_convert_type(
                        u << 16, jnp.float32)
                    return 0
                lax.fori_loop(0, WP // 16, unpack, 0)

                pend[kw] = [pltpu.async_copy(vfs[par][p],
                                             accs[p].at[dbufs[par]],
                                             sem_s[par], add=True)
                            for p in range(2)]
            for kw in sorted(pend):
                for d_ in pend[kw]:
                    d_.wait()
            return 0
        lax.fori_loop(0, NBODY, body, 0)

        plsc.subcore_barrier()
        for p in range(2):
            pltpu.sync_copy(accs[p].at[stripe],
                            out_hbm.at[cid, p, stripe])

    return k(gpk, src, dst)


def _pack_bf16_pair(a, b):
    ia = jax.lax.bitcast_convert_type(a, jnp.int32) + 0x8000
    ib = jax.lax.bitcast_convert_type(b, jnp.int32) + 0x8000
    return (ia & (-65536)) | ((ib >> 16) & 0xFFFF)


def _tc_prep(degp, xT):
    def body(degp_ref, xT_ref, dinv_ref, g1_ref, g1pk_ref):
        deg = degp_ref[0:1, :] + degp_ref[1:2, :] + 1.0
        dinv = lax.rsqrt(deg)
        dinv_ref[...] = dinv
        g1 = xT_ref[...] * dinv
        g1_ref[...] = g1
        g1pk_ref[...] = _pack_bf16_pair(g1[0:1, :], g1[1:2, :])

    return pl.pallas_call(
        body,
        out_shape=[
            jax.ShapeDtypeStruct((1, N_PAD), jnp.float32),
            jax.ShapeDtypeStruct((2, N_PAD), jnp.float32),
            jax.ShapeDtypeStruct((1, N_PAD), jnp.int32),
        ],
    )(degp, xT)


def _tc_mid(sp, g1, dinv, w1, b1, w2):
    def body(sp_ref, g_ref, dinv_ref, w1_ref, b1_ref, w2_ref, out_ref, pk_ref):
        t = sp_ref[0] + sp_ref[1] + g_ref[...]
        dinv = dinv_ref[...]
        h = []
        for i in range(4):
            acc = t[0:1, :] * w1_ref[0, i] + t[1:2, :] * w1_ref[1, i]
            h.append(jnp.maximum(dinv * acc + b1_ref[i], 0.0))
        rows = []
        for j in range(2):
            acc = h[0] * w2_ref[0, j]
            for i in range(1, 4):
                acc = acc + h[i] * w2_ref[i, j]
            rows.append(dinv * acc)
            out_ref[pl.ds(j, 1), :] = rows[j]
        pk_ref[...] = _pack_bf16_pair(rows[0], rows[1])

    return pl.pallas_call(
        body,
        in_specs=[
            pl.BlockSpec(),
            pl.BlockSpec(),
            pl.BlockSpec(),
            pl.BlockSpec(memory_space=pltpu.SMEM),
            pl.BlockSpec(memory_space=pltpu.SMEM),
            pl.BlockSpec(memory_space=pltpu.SMEM),
        ],
        out_shape=[
            jax.ShapeDtypeStruct((2, N_PAD), jnp.float32),
            jax.ShapeDtypeStruct((1, N_PAD), jnp.int32),
        ],
    )(sp, g1, dinv, w1, b1, w2)


def _tc_final(tp, g2p, dinv, b2):
    def body(tp_ref, g_ref, dinv_ref, b2_ref, out_ref):
        t = tp_ref[0] + tp_ref[1] + g_ref[...]
        dinv = dinv_ref[...]
        for j in range(2):
            out_ref[pl.ds(j, 1), :] = dinv * t[j:j + 1, :] + b2_ref[j]

    return pl.pallas_call(
        body,
        in_specs=[
            pl.BlockSpec(),
            pl.BlockSpec(),
            pl.BlockSpec(),
            pl.BlockSpec(memory_space=pltpu.SMEM),
        ],
        out_shape=jax.ShapeDtypeStruct((2, N_PAD), jnp.float32),
    )(tp, g2p, dinv, b2)


def kernel(x, edge_index, W1, b1, W2, b2):
    src = edge_index[0]
    dst = edge_index[1]
    xT = jnp.zeros((2, N_PAD), jnp.float32).at[:, :N].set(x.T)

    degp = _sc_degree(dst)
    dinv, g1, g1pk = _tc_prep(degp, xT)
    sp = _sc_gather_scatter_packed(g1pk.reshape(N_PAD), src, dst)
    g2p, g2pk = _tc_mid(sp, g1, dinv, W1, b1, W2)
    tp = _sc_gather_scatter_packed(g2pk.reshape(N_PAD), src, dst)
    outT = _tc_final(tp, g2p, dinv, b2)
    return outT[:, :N].T

# --- scband reference (transcript-rebuilt; emitter-appended) ---
"""Pipeline reference for scband-gcn-68401649156307 (READ-ONLY COPY).

The authoritative reference and input builder live on the scoring server;
editing this copy changes nothing except your own understanding.
"""

import jax, jax.numpy as jnp
import numpy as np

N = 100000
E = 6400000
D_IN = 2
D_HID = 4
D_OUT = 2


def setup_inputs(seed: int = 0) -> dict:
    key = jax.random.key(seed)
    k1, k2, k3, k4, k5, k6 = jax.random.split(key, 6)
    x = jax.random.normal(k1, (N, D_IN), dtype=jnp.float32)
    edge_index = jax.random.randint(k2, (2, E), 0, N).astype(jnp.int32)
    W1 = jax.random.normal(k3, (D_IN, D_HID), dtype=jnp.float32) * (1.0 / np.sqrt(D_IN))
    b1 = jnp.zeros((D_HID,), dtype=jnp.float32)
    W2 = jax.random.normal(k4, (D_HID, D_OUT), dtype=jnp.float32) * (1.0 / np.sqrt(D_HID))
    b2 = jnp.zeros((D_OUT,), dtype=jnp.float32)
    return {"x": x, "edge_index": edge_index, "W1": W1, "b1": b1, "W2": W2, "b2": b2}


def _gcn_norm(edge_index, num_nodes):
    # add self loops (PyG GCNConv default)
    loop = jnp.arange(num_nodes, dtype=edge_index.dtype)
    src = jnp.concatenate([edge_index[0], loop])
    dst = jnp.concatenate([edge_index[1], loop])
    deg = jnp.zeros((num_nodes,), dtype=jnp.float32).at[dst].add(1.0)
    dinv = jax.lax.rsqrt(deg)
    norm = dinv[src] * dinv[dst]
    return src, dst, norm


def _gcn_conv(x, src, dst, norm, W, b):
    h = x @ W
    msg = h[src] * norm[:, None]
    out = jnp.zeros((x.shape[0], W.shape[1]), dtype=x.dtype).at[dst].add(msg)
    return out + b


def reference(x, edge_index, W1, b1, W2, b2):
    src, dst, norm = _gcn_norm(edge_index, x.shape[0])
    h = _gcn_conv(x, src, dst, norm, W1, b1)
    h = jax.nn.relu(h)
    out = _gcn_conv(h, src, dst, norm, W2, b2)
    return out

if __name__ == "__main__":
    import jax
    _d = setup_inputs()
    print(jax.jit(kernel)(*tuple(_d.values())))

</pallas_src>

<mosaic_0001>
#map = affine_map<(d0, d1) -> (0)>
#map1 = affine_map<(d0, d1) -> (0, 0, 0)>
module attributes {stable_mosaic.version = 14 : i64} {
  func.func @k(%arg0: i32, %arg1: i32, %arg2: memref<100352xi32, #tpu.memory_space<hbm>>, %arg3: memref<6400000xi32, #tpu.memory_space<hbm>>, %arg4: memref<6400000xi32, #tpu.memory_space<hbm>>, %arg5: memref<2x2x100352xf32, #tpu.memory_space<hbm>>, %arg6: memref<100352xi32, #tpu.memory_space<vmem_shared>>, %arg7: memref<100352xf32, #tpu.memory_space<vmem_shared>>, %arg8: memref<100352xf32, #tpu.memory_space<vmem_shared>>, %arg9: memref<10000xi32, #tpu.memory_space<vmem>>, %arg10: memref<10000xi32, #tpu.memory_space<vmem>>, %arg11: memref<10000xi32, #tpu.memory_space<vmem>>, %arg12: memref<10000xi32, #tpu.memory_space<vmem>>, %arg13: memref<10000xi32, #tpu.memory_space<vmem>>, %arg14: memref<10000xf32, #tpu.memory_space<vmem>>, %arg15: memref<10000xf32, #tpu.memory_space<vmem>>, %arg16: memref<10000xf32, #tpu.memory_space<vmem>>, %arg17: memref<10000xf32, #tpu.memory_space<vmem>>, %arg18: memref<!tpu.dma_semaphore, #tpu.memory_space<semaphore_mem>>, %arg19: memref<!tpu.dma_semaphore, #tpu.memory_space<semaphore_mem>>, %arg20: memref<!tpu.dma_semaphore, #tpu.memory_space<semaphore_mem>>, %arg21: memref<!tpu.dma_semaphore, #tpu.memory_space<semaphore_mem>>) attributes {dimension_semantics = [#tpu.dimension_semantics<core_parallel>, #tpu.dimension_semantics<subcore_parallel>], iteration_bounds = array<i64: 2, 16>, scalar_prefetch = 0 : i64, scratch_operands = 16 : i64, tpu.core_type = #tpu.core_type<sc_vector_subcore>, window_params = [{transform_indices = #map}, {transform_indices = #map}, {transform_indices = #map}, {transform_indices = #map1}]} {
    %mul3A = arith.constant 16 : i32
    %mul3A_0 = arith.muli %arg0, %mul3A : i32
    %add3A = arith.addi %mul3A_0, %arg1 : i32
    %mul3A_1 = arith.constant 6272 : i32
    %mul3A_2 = arith.muli %arg1, %mul3A_1 : i32
    "tpu.region"() ({
      %run_scoped3A_18 = tpu.sem_alloc : memref<!tpu.dma_semaphore, #tpu.memory_space<semaphore_mem>>
      %dma_start3A = tpu.memref_slice %arg6[%mul3A_2] : memref<100352xi32, #tpu.memory_space<vmem_shared>> -> memref<6272xi32, #tpu.memory_space<vmem_shared>>
      %dma_start3A_19 = tpu.memref_slice %arg2[%mul3A_2] : memref<100352xi32, #tpu.memory_space<hbm>> -> memref<6272xi32, #tpu.memory_space<hbm>>
      tpu.enqueue_dma source(%dma_start3A_19 : memref<6272xi32, #tpu.memory_space<hbm>>) target(%dma_start3A : memref<6272xi32, #tpu.memory_space<vmem_shared>>) target_semaphore(%run_scoped3A_18 : memref<!tpu.dma_semaphore, #tpu.memory_space<semaphore_mem>>)
      %dma_wait3A = tpu.memref_slice %arg6[%mul3A_2] : memref<100352xi32, #tpu.memory_space<vmem_shared>> -> memref<6272xi32, #tpu.memory_space<vmem_shared>>
      %dma_wait3A_20 = tpu.memref_slice %arg2[%mul3A_2] : memref<100352xi32, #tpu.memory_space<hbm>> -> memref<6272xi32, #tpu.memory_space<hbm>>
      tpu.wait_dma2 semaphore(%run_scoped3A_18 : memref<!tpu.dma_semaphore, #tpu.memory_space<semaphore_mem>>) src(%dma_wait3A_20 : memref<6272xi32, #tpu.memory_space<hbm>>) dst(%dma_wait3A : memref<6272xi32, #tpu.memory_space<vmem_shared>>)
      tpu.yield
    }) : () -> ()
    %scan3A = arith.constant 0 : i32
    %scan3A_3 = arith.constant 0 : i32
    %scan3A_4 = arith.constant 392 : i32
    %scan3A_5 = arith.addi %scan3A_3, %scan3A_4 : i32
    %scan3A_6 = arith.constant 1 : i32
    %scan3A_7 = scf.for %scan3A_18 = %scan3A_3 to %scan3A_5 step %scan3A_6 iter_args(%scan3A_19 = %scan3A) -> (i32)  : i32 {
      %broadcast_in_dim3A = arith.constant 0.000000e+00 : f32
      %broadcast_in_dim3A_20 = vector.broadcast %broadcast_in_dim3A : f32 to vector<16xf32>
      %mul3A_21 = arith.constant 16 : i32
      %mul3A_22 = arith.muli %scan3A_18, %mul3A_21 : i32
      %swap3A = arith.index_cast %mul3A_22 : i32 to index
      %swap3A_23 = tpu.vector_load %arg14[%swap3A] {strides = array<i32>} : memref<10000xf32, #tpu.memory_space<vmem>>, vector<16xf32>,
      %swap3A_24 = vector.shape_cast %swap3A_23 : vector<16xf32> to vector<16xf32>
      %swap3A_25 = vector.shape_cast %broadcast_in_dim3A_20 : vector<16xf32> to vector<16xf32>
      tpu.vector_store %arg14[%swap3A], %swap3A_25 {strides = array<i32>} : memref<10000xf32, #tpu.memory_space<vmem>>, vector<16xf32>,
      %scan3A_26 = arith.constant 0 : i32
      scf.yield %scan3A_26 : i32
    }
    %scan3A_8 = arith.constant 392 : i32
    "tpu.region"() ({
      %run_scoped3A_18 = tpu.sem_alloc : memref<!tpu.dma_semaphore, #tpu.memory_space<semaphore_mem>>
      %dma_start3A = arith.constant 0 : i32
      %dma_start3A_19 = tpu.memref_slice %arg14[%dma_start3A] : memref<10000xf32, #tpu.memory_space<vmem>> -> memref<6272xf32, #tpu.memory_space<vmem>>
      %dma_start3A_20 = tpu.memref_slice %arg7[%mul3A_2] : memref<100352xf32, #tpu.memory_space<vmem_shared>> -> memref<6272xf32, #tpu.memory_space<vmem_shared>>
      %dma_start3A_21 = tpu.memref_slice %arg7[%mul3A_2] : memref<100352xf32, #tpu.memory_space<vmem_shared>> -> memref<6272xf32, #tpu.memory_space<vmem_shared>>
      %dma_start3A_22 = arith.constant 0 : i32
      %dma_start3A_23 = tpu.memref_slice %arg14[%dma_start3A_22] : memref<10000xf32, #tpu.memory_space<vmem>> -> memref<6272xf32, #tpu.memory_space<vmem>>
      tpu.enqueue_dma source(%dma_start3A_23 : memref<6272xf32, #tpu.memory_space<vmem>>) target(%dma_start3A_21 : memref<6272xf32, #tpu.memory_space<vmem_shared>>) target_semaphore(%run_scoped3A_18 : memref<!tpu.dma_semaphore, #tpu.memory_space<semaphore_mem>>)
      %dma_wait3A = arith.constant 0 : i32
      %dma_wait3A_24 = tpu.memref_slice %arg14[%dma_wait3A] : memref<10000xf32, #tpu.memory_space<vmem>> -> memref<6272xf32, #tpu.memory_space<vmem>>
      %dma_wait3A_25 = tpu.memref_slice %arg7[%mul3A_2] : memref<100352xf32, #tpu.memory_space<vmem_shared>> -> memref<6272xf32, #tpu.memory_space<vmem_shared>>
      %dma_wait3A_26 = tpu.memref_slice %arg7[%mul3A_2] : memref<100352xf32, #tpu.memory_space<vmem_shared>> -> memref<6272xf32, #tpu.memory_space<vmem_shared>>
      %dma_wait3A_27 = arith.constant 0 : i32
      %dma_wait3A_28 = tpu.memref_slice %arg14[%dma_wait3A_27] : memref<10000xf32, #tpu.memory_space<vmem>> -> memref<6272xf32, #tpu.memory_space<vmem>>
      tpu.wait_dma2 semaphore(%run_scoped3A_18 : memref<!tpu.dma_semaphore, #tpu.memory_space<semaphore_mem>>) src(%dma_wait3A_28 : memref<6272xf32, #tpu.memory_space<vmem>>) dst(%dma_wait3A_26 : memref<6272xf32, #tpu.memory_space<vmem_shared>>)
      tpu.yield
    }) : () -> ()
    "tpu.region"() ({
      %run_scoped3A_18 = tpu.sem_alloc : memref<!tpu.dma_semaphore, #tpu.memory_space<semaphore_mem>>
      %dma_start3A = arith.constant 0 : i32
      %dma_start3A_19 = tpu.memref_slice %arg14[%dma_start3A] : memref<10000xf32, #tpu.memory_space<vmem>> -> memref<6272xf32, #tpu.memory_space<vmem>>
      %dma_start3A_20 = tpu.memref_slice %arg8[%mul3A_2] : memref<100352xf32, #tpu.memory_space<vmem_shared>> -> memref<6272xf32, #tpu.memory_space<vmem_shared>>
      %dma_start3A_21 = tpu.memref_slice %arg8[%mul3A_2] : memref<100352xf32, #tpu.memory_space<vmem_shared>> -> memref<6272xf32, #tpu.memory_space<vmem_shared>>
      %dma_start3A_22 = arith.constant 0 : i32
      %dma_start3A_23 = tpu.memref_slice %arg14[%dma_start3A_22] : memref<10000xf32, #tpu.memory_space<vmem>> -> memref<6272xf32, #tpu.memory_space<vmem>>
      tpu.enqueue_dma source(%dma_start3A_23 : memref<6272xf32, #tpu.memory_space<vmem>>) target(%dma_start3A_21 : memref<6272xf32, #tpu.memory_space<vmem_shared>>) target_semaphore(%run_scoped3A_18 : memref<!tpu.dma_semaphore, #tpu.memory_space<semaphore_mem>>)
      %dma_wait3A = arith.constant 0 : i32
      %dma_wait3A_24 = tpu.memref_slice %arg14[%dma_wait3A] : memref<10000xf32, #tpu.memory_space<vmem>> -> memref<6272xf32, #tpu.memory_space<vmem>>
      %dma_wait3A_25 = tpu.memref_slice %arg8[%mul3A_2] : memref<100352xf32, #tpu.memory_space<vmem_shared>> -> memref<6272xf32, #tpu.memory_space<vmem_shared>>
      %dma_wait3A_26 = tpu.memref_slice %arg8[%mul3A_2] : memref<100352xf32, #tpu.memory_space<vmem_shared>> -> memref<6272xf32, #tpu.memory_space<vmem_shared>>
      %dma_wait3A_27 = arith.constant 0 : i32
      %dma_wait3A_28 = tpu.memref_slice %arg14[%dma_wait3A_27] : memref<10000xf32, #tpu.memory_space<vmem>> -> memref<6272xf32, #tpu.memory_space<vmem>>
      tpu.wait_dma2 semaphore(%run_scoped3A_18 : memref<!tpu.dma_semaphore, #tpu.memory_space<semaphore_mem>>) src(%dma_wait3A_28 : memref<6272xf32, #tpu.memory_space<vmem>>) dst(%dma_wait3A_26 : memref<6272xf32, #tpu.memory_space<vmem_shared>>)
      tpu.yield
    }) : () -> ()
    %barrier3A = arith.constant 0 : index
    tpu.barrier barrier_id(%barrier3A)
    %scan3A_9 = arith.constant 0 : i32
    %scan3A_10 = arith.constant 0 : i32
    %scan3A_11 = arith.constant 4 : i32
    %scan3A_12 = arith.addi %scan3A_10, %scan3A_11 : i32
    %scan3A_13 = arith.constant 1 : i32
    %scan3A_14 = scf.for %scan3A_18 = %scan3A_10 to %scan3A_12 step %scan3A_13 iter_args(%scan3A_19 = %scan3A_9) -> (i32)  : i32 {
      %mul3A_20 = arith.constant 200000 : i32
      %mul3A_21 = arith.muli %add3A, %mul3A_20 : i32
      %mul3A_22 = arith.constant 50000 : i32
      %mul3A_23 = arith.muli %scan3A_18, %mul3A_22 : i32
      %add3A_24 = arith.addi %mul3A_21, %mul3A_23 : i32
      %add3A_25 = arith.constant 0 : i32
      %add3A_26 = arith.addi %add3A_24, %add3A_25 : i32
      %dma_start3A = tpu.memref_slice %arg3[%add3A_26] : memref<6400000xi32, #tpu.memory_space<hbm>> -> memref<10000xi32, #tpu.memory_space<hbm>>
      %dma_start3A_27 = tpu.memref_slice %arg3[%add3A_26] : memref<6400000xi32, #tpu.memory_space<hbm>> -> memref<10000xi32, #tpu.memory_space<hbm>>
      tpu.enqueue_dma source(%dma_start3A_27 : memref<10000xi32, #tpu.memory_space<hbm>>) target(%arg9 : memref<10000xi32, #tpu.memory_space<vmem>>) target_semaphore(%arg21 : memref<!tpu.dma_semaphore, #tpu.memory_space<semaphore_mem>>)
      %dma_wait3A = tpu.memref_slice %arg3[%add3A_26] : memref<6400000xi32, #tpu.memory_space<hbm>> -> memref<10000xi32, #tpu.memory_space<hbm>>
      %dma_wait3A_28 = tpu.memref_slice %arg3[%add3A_26] : memref<6400000xi32, #tpu.memory_space<hbm>> -> memref<10000xi32, #tpu.memory_space<hbm>>
      tpu.wait_dma2 semaphore(%arg21 : memref<!tpu.dma_semaphore, #tpu.memory_space<semaphore_mem>>) src(%dma_wait3A_28 : memref<10000xi32, #tpu.memory_space<hbm>>) dst(%arg9 : memref<10000xi32, #tpu.memory_space<vmem>>)
      %dma_start3A_29 = tpu.memref_slice %arg4[%add3A_26] : memref<6400000xi32, #tpu.memory_space<hbm>> -> memref<10000xi32, #tpu.memory_space<hbm>>
      %dma_start3A_30 = tpu.memref_slice %arg4[%add3A_26] : memref<6400000xi32, #tpu.memory_space<hbm>> -> memref<10000xi32, #tpu.memory_space<hbm>>
      tpu.enqueue_dma source(%dma_start3A_30 : memref<10000xi32, #tpu.memory_space<hbm>>) target(%arg10 : memref<10000xi32, #tpu.memory_space<vmem>>) target_semaphore(%arg21 : memref<!tpu.dma_semaphore, #tpu.memory_space<semaphore_mem>>)
      %dma_wait3A_31 = tpu.memref_slice %arg4[%add3A_26] : memref<6400000xi32, #tpu.memory_space<hbm>> -> memref<10000xi32, #tpu.memory_space<hbm>>
      %dma_wait3A_32 = tpu.memref_slice %arg4[%add3A_26] : memref<6400000xi32, #tpu.memory_space<hbm>> -> memref<10000xi32, #tpu.memory_space<hbm>>
      tpu.wait_dma2 semaphore(%arg21 : memref<!tpu.dma_semaphore, #tpu.memory_space<semaphore_mem>>) src(%dma_wait3A_32 : memref<10000xi32, #tpu.memory_space<hbm>>) dst(%arg10 : memref<10000xi32, #tpu.memory_space<vmem>>)
      %dma_start3A_33 = arith.constant 0 : i32
      %dma_start3A_34 = tpu.memref_slice %arg6[%dma_start3A_33] : memref<100352xi32, #tpu.memory_space<vmem_shared>> -> memref<100352xi32, #tpu.memory_space<vmem_shared>>
      tpu.enqueue_indirect_dma source(%dma_start3A_34 : memref<100352xi32, #tpu.memory_space<vmem_shared>>) target(%arg12 : memref<10000xi32, #tpu.memory_space<vmem>>) offsets(%arg9 : memref<10000xi32, #tpu.memory_space<vmem>>) semaphore(%arg18 : memref<!tpu.dma_semaphore, #tpu.memory_space<semaphore_mem>>)
      %dma_wait3A_35 = arith.constant 0 : i32
      %dma_wait3A_36 = tpu.memref_slice %arg6[%dma_wait3A_35] : memref<100352xi32, #tpu.memory_space<vmem_shared>> -> memref<100352xi32, #tpu.memory_space<vmem_shared>>
      tpu.wait_indirect_dma semaphore(%arg18 : memref<!tpu.dma_semaphore, #tpu.memory_space<semaphore_mem>>) src(%dma_wait3A_36 : memref<100352xi32, #tpu.memory_space<vmem_shared>>) dst(%arg12 : memref<10000xi32, #tpu.memory_space<vmem>>)
      %scan3A_37 = arith.constant 0 : i32
      %scan3A_38 = arith.constant 0 : i32
      %scan3A_39 = arith.constant 625 : i32
      %scan3A_40 = arith.addi %scan3A_38, %scan3A_39 : i32
      %scan3A_41 = arith.constant 1 : i32
      %scan3A_42 = scf.for %scan3A_169 = %scan3A_38 to %scan3A_40 step %scan3A_41 iter_args(%scan3A_170 = %scan3A_37) -> (i32)  : i32 {
        %broadcast_in_dim3A = arith.constant -65536 : i32
        %broadcast_in_dim3A_171 = vector.broadcast %broadcast_in_dim3A : i32 to vector<16xi32>
        %mul3A_172 = arith.constant 16 : i32
        %mul3A_173 = arith.muli %scan3A_169, %mul3A_172 : i32
        %get3A = arith.index_cast %mul3A_173 : i32 to index
        %get3A_174 = tpu.vector_load %arg12[%get3A] {strides = array<i32>} : memref<10000xi32, #tpu.memory_space<vmem>>, vector<16xi32>,
        %get3A_175 = vector.shape_cast %get3A_174 : vector<16xi32> to vector<16xi32>
        %and3A = arith.andi %get3A_175, %broadcast_in_dim3A_171 : vector<16xi32>
        %bitcast_convert_type3A = tpu.bitcast %and3A : vector<16xi32> -> vector<16xf32>
        %mul3A_176 = arith.constant 16 : i32
        %mul3A_177 = arith.muli %scan3A_169, %mul3A_176 : i32
        %swap3A = arith.index_cast %mul3A_177 : i32 to index
        %swap3A_178 = tpu.vector_load %arg14[%swap3A] {strides = array<i32>} : memref<10000xf32, #tpu.memory_space<vmem>>, vector<16xf32>,
        %swap3A_179 = vector.shape_cast %swap3A_178 : vector<16xf32> to vector<16xf32>
        %swap3A_180 = vector.shape_cast %bitcast_convert_type3A : vector<16xf32> to vector<16xf32>
        tpu.vector_store %arg14[%swap3A], %swap3A_180 {strides = array<i32>} : memref<10000xf32, #tpu.memory_space<vmem>>, vector<16xf32>,
        %shift_left3A = arith.constant 16 : i32
        %shift_left3A_181 = vector.broadcast %shift_left3A : i32 to vector<16xi32>
        %shift_left3A_182 = arith.shli %get3A_175, %shift_left3A_181 : vector<16xi32>
        %bitcast_convert_type3A_183 = tpu.bitcast %shift_left3A_182 : vector<16xi32> -> vector<16xf32>
        %mul3A_184 = arith.constant 16 : i32
        %mul3A_185 = arith.muli %scan3A_169, %mul3A_184 : i32
        %swap3A_186 = arith.index_cast %mul3A_185 : i32 to index
        %swap3A_187 = tpu.vector_load %arg15[%swap3A_186] {strides = array<i32>} : memref<10000xf32, #tpu.memory_space<vmem>>, vector<16xf32>,
        %swap3A_188 = vector.shape_cast %swap3A_187 : vector<16xf32> to vector<16xf32>
        %swap3A_189 = vector.shape_cast %bitcast_convert_type3A_183 : vector<16xf32> to vector<16xf32>
        tpu.vector_store %arg15[%swap3A_186], %swap3A_189 {strides = array<i32>} : memref<10000xf32, #tpu.memory_space<vmem>>, vector<16xf32>,
        %scan3A_190 = arith.constant 0 : i32
        scf.yield %scan3A_190 : i32
      }
      %scan3A_43 = arith.constant 625 : i32
      %dma_start3A_44 = arith.constant 0 : i32
      %dma_start3A_45 = tpu.memref_slice %arg7[%dma_start3A_44] : memref<100352xf32, #tpu.memory_space<vmem_shared>> -> memref<100352xf32, #tpu.memory_space<vmem_shared>>
      tpu.enqueue_indirect_dma source(%arg14 : memref<10000xf32, #tpu.memory_space<vmem>>) target(%dma_start3A_45 : memref<100352xf32, #tpu.memory_space<vmem_shared>>) offsets(%arg10 : memref<10000xi32, #tpu.memory_space<vmem>>) semaphore(%arg19 : memref<!tpu.dma_semaphore, #tpu.memory_space<semaphore_mem>>) {add = true}
      %dma_start3A_46 = arith.constant 0 : i32
      %dma_start3A_47 = tpu.memref_slice %arg8[%dma_start3A_46] : memref<100352xf32, #tpu.memory_space<vmem_shared>> -> memref<100352xf32, #tpu.memory_space<vmem_shared>>
      tpu.enqueue_indirect_dma source(%arg15 : memref<10000xf32, #tpu.memory_space<vmem>>) target(%dma_start3A_47 : memref<100352xf32, #tpu.memory_space<vmem_shared>>) offsets(%arg10 : memref<10000xi32, #tpu.memory_space<vmem>>) semaphore(%arg19 : memref<!tpu.dma_semaphore, #tpu.memory_space<semaphore_mem>>) {add = true}
      %add3A_48 = arith.constant 10000 : i32
      %add3A_49 = arith.addi %add3A_24, %add3A_48 : i32
      %dma_start3A_50 = tpu.memref_slice %arg3[%add3A_49] : memref<6400000xi32, #tpu.memory_space<hbm>> -> memref<10000xi32, #tpu.memory_space<hbm>>
      %dma_start3A_51 = tpu.memref_slice %arg3[%add3A_49] : memref<6400000xi32, #tpu.memory_space<hbm>> -> memref<10000xi32, #tpu.memory_space<hbm>>
      tpu.enqueue_dma source(%dma_start3A_51 : memref<10000xi32, #tpu.memory_space<hbm>>) target(%arg9 : memref<10000xi32, #tpu.memory_space<vmem>>) target_semaphore(%arg21 : memref<!tpu.dma_semaphore, #tpu.memory_space<semaphore_mem>>)
      %dma_wait3A_52 = tpu.memref_slice %arg3[%add3A_49] : memref<6400000xi32, #tpu.memory_space<hbm>> -> memref<10000xi32, #tpu.memory_space<hbm>>
      %dma_wait3A_53 = tpu.memref_slice %arg3[%add3A_49] : memref<6400000xi32, #tpu.memory_space<hbm>> -> memref<10000xi32, #tpu.memory_space<hbm>>
      tpu.wait_dma2 semaphore(%arg21 : memref<!tpu.dma_semaphore, #tpu.memory_space<semaphore_mem>>) src(%dma_wait3A_53 : memref<10000xi32, #tpu.memory_space<hbm>>) dst(%arg9 : memref<10000xi32, #tpu.memory_space<vmem>>)
      %dma_start3A_54 = tpu.memref_slice %arg4[%add3A_49] : memref<6400000xi32, #tpu.memory_space<hbm>> -> memref<10000xi32, #tpu.memory_space<hbm>>
      %dma_start3A_55 = tpu.memref_slice %arg4[%add3A_49] : memref<6400000xi32, #tpu.memory_space<hbm>> -> memref<10000xi32, #tpu.memory_space<hbm>>
      tpu.enqueue_dma source(%dma_start3A_55 : memref<10000xi32, #tpu.memory_space<hbm>>) target(%arg11 : memref<10000xi32, #tpu.memory_space<vmem>>) target_semaphore(%arg21 : memref<!tpu.dma_semaphore, #tpu.memory_space<semaphore_mem>>)
      %dma_wait3A_56 = tpu.memref_slice %arg4[%add3A_49] : memref<6400000xi32, #tpu.memory_space<hbm>> -> memref<10000xi32, #tpu.memory_space<hbm>>
      %dma_wait3A_57 = tpu.memref_slice %arg4[%add3A_49] : memref<6400000xi32, #tpu.memory_space<hbm>> -> memref<10000xi32, #tpu.memory_space<hbm>>
      tpu.wait_dma2 semaphore(%arg21 : memref<!tpu.dma_semaphore, #tpu.memory_space<semaphore_mem>>) src(%dma_wait3A_57 : memref<10000xi32, #tpu.memory_space<hbm>>) dst(%arg11 : memref<10000xi32, #tpu.memory_space<vmem>>)
      %dma_start3A_58 = arith.constant 0 : i32
      %dma_start3A_59 = tpu.memref_slice %arg6[%dma_start3A_58] : memref<100352xi32, #tpu.memory_space<vmem_shared>> -> memref<100352xi32, #tpu.memory_space<vmem_shared>>
      tpu.enqueue_indirect_dma source(%dma_start3A_59 : memref<100352xi32, #tpu.memory_space<vmem_shared>>) target(%arg13 : memref<10000xi32, #tpu.memory_space<vmem>>) offsets(%arg9 : memref<10000xi32, #tpu.memory_space<vmem>>) semaphore(%arg18 : memref<!tpu.dma_semaphore, #tpu.memory_space<semaphore_mem>>)
      %dma_wait3A_60 = arith.constant 0 : i32
      %dma_wait3A_61 = tpu.memref_slice %arg6[%dma_wait3A_60] : memref<100352xi32, #tpu.memory_space<vmem_shared>> -> memref<100352xi32, #tpu.memory_space<vmem_shared>>
      tpu.wait_indirect_dma semaphore(%arg18 : memref<!tpu.dma_semaphore, #tpu.memory_space<semaphore_mem>>) src(%dma_wait3A_61 : memref<100352xi32, #tpu.memory_space<vmem_shared>>) dst(%arg13 : memref<10000xi32, #tpu.memory_space<vmem>>)
      %scan3A_62 = arith.constant 0 : i32
      %scan3A_63 = arith.constant 0 : i32
      %scan3A_64 = arith.constant 625 : i32
      %scan3A_65 = arith.addi %scan3A_63, %scan3A_64 : i32
      %scan3A_66 = arith.constant 1 : i32
      %scan3A_67 = scf.for %scan3A_169 = %scan3A_63 to %scan3A_65 step %scan3A_66 iter_args(%scan3A_170 = %scan3A_62) -> (i32)  : i32 {
        %broadcast_in_dim3A = arith.constant -65536 : i32
        %broadcast_in_dim3A_171 = vector.broadcast %broadcast_in_dim3A : i32 to vector<16xi32>
        %mul3A_172 = arith.constant 16 : i32
        %mul3A_173 = arith.muli %scan3A_169, %mul3A_172 : i32
        %get3A = arith.index_cast %mul3A_173 : i32 to index
        %get3A_174 = tpu.vector_load %arg13[%get3A] {strides = array<i32>} : memref<10000xi32, #tpu.memory_space<vmem>>, vector<16xi32>,
        %get3A_175 = vector.shape_cast %get3A_174 : vector<16xi32> to vector<16xi32>
        %and3A = arith.andi %get3A_175, %broadcast_in_dim3A_171 : vector<16xi32>
        %bitcast_convert_type3A = tpu.bitcast %and3A : vector<16xi32> -> vector<16xf32>
        %mul3A_176 = arith.constant 16 : i32
        %mul3A_177 = arith.muli %scan3A_169, %mul3A_176 : i32
        %swap3A = arith.index_cast %mul3A_177 : i32 to index
        %swap3A_178 = tpu.vector_load %arg16[%swap3A] {strides = array<i32>} : memref<10000xf32, #tpu.memory_space<vmem>>, vector<16xf32>,
        %swap3A_179 = vector.shape_cast %swap3A_178 : vector<16xf32> to vector<16xf32>
        %swap3A_180 = vector.shape_cast %bitcast_convert_type3A : vector<16xf32> to vector<16xf32>
        tpu.vector_store %arg16[%swap3A], %swap3A_180 {strides = array<i32>} : memref<10000xf32, #tpu.memory_space<vmem>>, vector<16xf32>,
        %shift_left3A = arith.constant 16 : i32
        %shift_left3A_181 = vector.broadcast %shift_left3A : i32 to vector<16xi32>
        %shift_left3A_182 = arith.shli %get3A_175, %shift_left3A_181 : vector<16xi32>
        %bitcast_convert_type3A_183 = tpu.bitcast %shift_left3A_182 : vector<16xi32> -> vector<16xf32>
        %mul3A_184 = arith.constant 16 : i32
        %mul3A_185 = arith.muli %scan3A_169, %mul3A_184 : i32
        %swap3A_186 = arith.index_cast %mul3A_185 : i32 to index
        %swap3A_187 = tpu.vector_load %arg17[%swap3A_186] {strides = array<i32>} : memref<10000xf32, #tpu.memory_space<vmem>>, vector<16xf32>,
        %swap3A_188 = vector.shape_cast %swap3A_187 : vector<16xf32> to vector<16xf32>
        %swap3A_189 = vector.shape_cast %bitcast_convert_type3A_183 : vector<16xf32> to vector<16xf32>
        tpu.vector_store %arg17[%swap3A_186], %swap3A_189 {strides = array<i32>} : memref<10000xf32, #tpu.memory_space<vmem>>, vector<16xf32>,
        %scan3A_190 = arith.constant 0 : i32
        scf.yield %scan3A_190 : i32
      }
      %scan3A_68 = arith.constant 625 : i32
      %dma_start3A_69 = arith.constant 0 : i32
      %dma_start3A_70 = tpu.memref_slice %arg7[%dma_start3A_69] : memref<100352xf32, #tpu.memory_space<vmem_shared>> -> memref<100352xf32, #tpu.memory_space<vmem_shared>>
      tpu.enqueue_indirect_dma source(%arg16 : memref<10000xf32, #tpu.memory_space<vmem>>) target(%dma_start3A_70 : memref<100352xf32, #tpu.memory_space<vmem_shared>>) offsets(%arg11 : memref<10000xi32, #tpu.memory_space<vmem>>) semaphore(%arg20 : memref<!tpu.dma_semaphore, #tpu.memory_space<semaphore_mem>>) {add = true}
      %dma_start3A_71 = arith.constant 0 : i32
      %dma_start3A_72 = tpu.memref_slice %arg8[%dma_start3A_71] : memref<100352xf32, #tpu.memory_space<vmem_shared>> -> memref<100352xf32, #tpu.memory_space<vmem_shared>>
      tpu.enqueue_indirect_dma source(%arg17 : memref<10000xf32, #tpu.memory_space<vmem>>) target(%dma_start3A_72 : memref<100352xf32, #tpu.memory_space<vmem_shared>>) offsets(%arg11 : memref<10000xi32, #tpu.memory_space<vmem>>) semaphore(%arg20 : memref<!tpu.dma_semaphore, #tpu.memory_space<semaphore_mem>>) {add = true}
      %add3A_73 = arith.constant 20000 : i32
      %add3A_74 = arith.addi %add3A_24, %add3A_73 : i32
      %dma_start3A_75 = tpu.memref_slice %arg3[%add3A_74] : memref<6400000xi32, #tpu.memory_space<hbm>> -> memref<10000xi32, #tpu.memory_space<hbm>>
      %dma_start3A_76 = tpu.memref_slice %arg3[%add3A_74] : memref<6400000xi32, #tpu.memory_space<hbm>> -> memref<10000xi32, #tpu.memory_space<hbm>>
      tpu.enqueue_dma source(%dma_start3A_76 : memref<10000xi32, #tpu.memory_space<hbm>>) target(%arg9 : memref<10000xi32, #tpu.memory_space<vmem>>) target_semaphore(%arg21 : memref<!tpu.dma_semaphore, #tpu.memory_space<semaphore_mem>>)
      %dma_wait3A_77 = tpu.memref_slice %arg3[%add3A_74] : memref<6400000xi32, #tpu.memory_space<hbm>> -> memref<10000xi32, #tpu.memory_space<hbm>>
      %dma_wait3A_78 = tpu.memref_slice %arg3[%add3A_74] : memref<6400000xi32, #tpu.memory_space<hbm>> -> memref<10000xi32, #tpu.memory_space<hbm>>
      tpu.wait_dma2 semaphore(%arg21 : memref<!tpu.dma_semaphore, #tpu.memory_space<semaphore_mem>>) src(%dma_wait3A_78 : memref<10000xi32, #tpu.memory_space<hbm>>) dst(%arg9 : memref<10000xi32, #tpu.memory_space<vmem>>)
      %dma_wait3A_79 = arith.constant 0 : i32
      %dma_wait3A_80 = tpu.memref_slice %arg7[%dma_wait3A_79] : memref<100352xf32, #tpu.memory_space<vmem_shared>> -> memref<100352xf32, #tpu.memory_space<vmem_shared>>
      tpu.wait_indirect_dma semaphore(%arg19 : memref<!tpu.dma_semaphore, #tpu.memory_space<semaphore_mem>>) src(%arg14 : memref<10000xf32, #tpu.memory_space<vmem>>) dst(%dma_wait3A_80 : memref<100352xf32, #tpu.memory_space<vmem_shared>>)
      %dma_wait3A_81 = arith.constant 0 : i32
      %dma_wait3A_82 = tpu.memref_slice %arg8[%dma_wait3A_81] : memref<100352xf32, #tpu.memory_space<vmem_shared>> -> memref<100352xf32, #tpu.memory_space<vmem_shared>>
      tpu.wait_indirect_dma semaphore(%arg19 : memref<!tpu.dma_semaphore, #tpu.memory_space<semaphore_mem>>) src(%arg15 : memref<10000xf32, #tpu.memory_space<vmem>>) dst(%dma_wait3A_82 : memref<100352xf32, #tpu.memory_space<vmem_shared>>)
      %dma_start3A_83 = tpu.memref_slice %arg4[%add3A_74] : memref<6400000xi32, #tpu.memory_space<hbm>> -> memref<10000xi32, #tpu.memory_space<hbm>>
      %dma_start3A_84 = tpu.memref_slice %arg4[%add3A_74] : memref<6400000xi32, #tpu.memory_space<hbm>> -> memref<10000xi32, #tpu.memory_space<hbm>>
      tpu.enqueue_dma source(%dma_start3A_84 : memref<10000xi32, #tpu.memory_space<hbm>>) target(%arg10 : memref<10000xi32, #tpu.memory_space<vmem>>) target_semaphore(%arg21 : memref<!tpu.dma_semaphore, #tpu.memory_space<semaphore_mem>>)
      %dma_wait3A_85 = tpu.memref_slice %arg4[%add3A_74] : memref<6400000xi32, #tpu.memory_space<hbm>> -> memref<10000xi32, #tpu.memory_space<hbm>>
      %dma_wait3A_86 = tpu.memref_slice %arg4[%add3A_74] : memref<6400000xi32, #tpu.memory_space<hbm>> -> memref<10000xi32, #tpu.memory_space<hbm>>
      tpu.wait_dma2 semaphore(%arg21 : memref<!tpu.dma_semaphore, #tpu.memory_space<semaphore_mem>>) src(%dma_wait3A_86 : memref<10000xi32, #tpu.memory_space<hbm>>) dst(%arg10 : memref<10000xi32, #tpu.memory_space<vmem>>)
      %dma_start3A_87 = arith.constant 0 : i32
      %dma_start3A_88 = tpu.memref_slice %arg6[%dma_start3A_87] : memref<100352xi32, #tpu.memory_space<vmem_shared>> -> memref<100352xi32, #tpu.memory_space<vmem_shared>>
      tpu.enqueue_indirect_dma source(%dma_start3A_88 : memref<100352xi32, #tpu.memory_space<vmem_shared>>) target(%arg12 : memref<10000xi32, #tpu.memory_space<vmem>>) offsets(%arg9 : memref<10000xi32, #tpu.memory_space<vmem>>) semaphore(%arg18 : memref<!tpu.dma_semaphore, #tpu.memory_space<semaphore_mem>>)
      %dma_wait3A_89 = arith.constant 0 : i32
      %dma_wait3A_90 = tpu.memref_slice %arg6[%dma_wait3A_89] : memref<100352xi32, #tpu.memory_space<vmem_shared>> -> memref<100352xi32, #tpu.memory_space<vmem_shared>>
      tpu.wait_indirect_dma semaphore(%arg18 : memref<!tpu.dma_semaphore, #tpu.memory_space<semaphore_mem>>) src(%dma_wait3A_90 : memref<100352xi32, #tpu.memory_space<vmem_shared>>) dst(%arg12 : memref<10000xi32, #tpu.memory_space<vmem>>)
      %scan3A_91 = arith.constant 0 : i32
      %scan3A_92 = arith.constant 0 : i32
      %scan3A_93 = arith.constant 625 : i32
      %scan3A_94 = arith.addi %scan3A_92, %scan3A_93 : i32
      %scan3A_95 = arith.constant 1 : i32
      %scan3A_96 = scf.for %scan3A_169 = %scan3A_92 to %scan3A_94 step %scan3A_95 iter_args(%scan3A_170 = %scan3A_91) -> (i32)  : i32 {
        %broadcast_in_dim3A = arith.constant -65536 : i32
        %broadcast_in_dim3A_171 = vector.broadcast %broadcast_in_dim3A : i32 to vector<16xi32>
        %mul3A_172 = arith.constant 16 : i32
        %mul3A_173 = arith.muli %scan3A_169, %mul3A_172 : i32
        %get3A = arith.index_cast %mul3A_173 : i32 to index
        %get3A_174 = tpu.vector_load %arg12[%get3A] {strides = array<i32>} : memref<10000xi32, #tpu.memory_space<vmem>>, vector<16xi32>,
        %get3A_175 = vector.shape_cast %get3A_174 : vector<16xi32> to vector<16xi32>
        %and3A = arith.andi %get3A_175, %broadcast_in_dim3A_171 : vector<16xi32>
        %bitcast_convert_type3A = tpu.bitcast %and3A : vector<16xi32> -> vector<16xf32>
        %mul3A_176 = arith.constant 16 : i32
        %mul3A_177 = arith.muli %scan3A_169, %mul3A_176 : i32
        %swap3A = arith.index_cast %mul3A_177 : i32 to index
        %swap3A_178 = tpu.vector_load %arg14[%swap3A] {strides = array<i32>} : memref<10000xf32, #tpu.memory_space<vmem>>, vector<16xf32>,
        %swap3A_179 = vector.shape_cast %swap3A_178 : vector<16xf32> to vector<16xf32>
        %swap3A_180 = vector.shape_cast %bitcast_convert_type3A : vector<16xf32> to vector<16xf32>
        tpu.vector_store %arg14[%swap3A], %swap3A_180 {strides = array<i32>} : memref<10000xf32, #tpu.memory_space<vmem>>, vector<16xf32>,
        %shift_left3A = arith.constant 16 : i32
        %shift_left3A_181 = vector.broadcast %shift_left3A : i32 to vector<16xi32>
        %shift_left3A_182 = arith.shli %get3A_175, %shift_left3A_181 : vector<16xi32>
        %bitcast_convert_type3A_183 = tpu.bitcast %shift_left3A_182 : vector<16xi32> -> vector<16xf32>
        %mul3A_184 = arith.constant 16 : i32
        %mul3A_185 = arith.muli %scan3A_169, %mul3A_184 : i32
        %swap3A_186 = arith.index_cast %mul3A_185 : i32 to index
        %swap3A_187 = tpu.vector_load %arg15[%swap3A_186] {strides = array<i32>} : memref<10000xf32, #tpu.memory_space<vmem>>, vector<16xf32>,
        %swap3A_188 = vector.shape_cast %swap3A_187 : vector<16xf32> to vector<16xf32>
        %swap3A_189 = vector.shape_cast %bitcast_convert_type3A_183 : vector<16xf32> to vector<16xf32>
        tpu.vector_store %arg15[%swap3A_186], %swap3A_189 {strides = array<i32>} : memref<10000xf32, #tpu.memory_space<vmem>>, vector<16xf32>,
        %scan3A_190 = arith.constant 0 : i32
        scf.yield %scan3A_190 : i32
      }
      %scan3A_97 = arith.constant 625 : i32
      %dma_start3A_98 = arith.constant 0 : i32
      %dma_start3A_99 = tpu.memref_slice %arg7[%dma_start3A_98] : memref<100352xf32, #tpu.memory_space<vmem_shared>> -> memref<100352xf32, #tpu.memory_space<vmem_shared>>
      tpu.enqueue_indirect_dma source(%arg14 : memref<10000xf32, #tpu.memory_space<vmem>>) target(%dma_start3A_99 : memref<100352xf32, #tpu.memory_space<vmem_shared>>) offsets(%arg10 : memref<10000xi32, #tpu.memory_space<vmem>>) semaphore(%arg19 : memref<!tpu.dma_semaphore, #tpu.memory_space<semaphore_mem>>) {add = true}
      %dma_start3A_100 = arith.constant 0 : i32
      %dma_start3A_101 = tpu.memref_slice %arg8[%dma_start3A_100] : memref<100352xf32, #tpu.memory_space<vmem_shared>> -> memref<100352xf32, #tpu.memory_space<vmem_shared>>
      tpu.enqueue_indirect_dma source(%arg15 : memref<10000xf32, #tpu.memory_space<vmem>>) target(%dma_start3A_101 : memref<100352xf32, #tpu.memory_space<vmem_shared>>) offsets(%arg10 : memref<10000xi32, #tpu.memory_space<vmem>>) semaphore(%arg19 : memref<!tpu.dma_semaphore, #tpu.memory_space<semaphore_mem>>) {add = true}
      %add3A_102 = arith.constant 30000 : i32
      %add3A_103 = arith.addi %add3A_24, %add3A_102 : i32
      %dma_start3A_104 = tpu.memref_slice %arg3[%add3A_103] : memref<6400000xi32, #tpu.memory_space<hbm>> -> memref<10000xi32, #tpu.memory_space<hbm>>
      %dma_start3A_105 = tpu.memref_slice %arg3[%add3A_103] : memref<6400000xi32, #tpu.memory_space<hbm>> -> memref<10000xi32, #tpu.memory_space<hbm>>
      tpu.enqueue_dma source(%dma_start3A_105 : memref<10000xi32, #tpu.memory_space<hbm>>) target(%arg9 : memref<10000xi32, #tpu.memory_space<vmem>>) target_semaphore(%arg21 : memref<!tpu.dma_semaphore, #tpu.memory_space<semaphore_mem>>)
      %dma_wait3A_106 = tpu.memref_slice %arg3[%add3A_103] : memref<6400000xi32, #tpu.memory_space<hbm>> -> memref<10000xi32, #tpu.memory_space<hbm>>
      %dma_wait3A_107 = tpu.memref_slice %arg3[%add3A_103] : memref<6400000xi32, #tpu.memory_space<hbm>> -> memref<10000xi32, #tpu.memory_space<hbm>>
      tpu.wait_dma2 semaphore(%arg21 : memref<!tpu.dma_semaphore, #tpu.memory_space<semaphore_mem>>) src(%dma_wait3A_107 : memref<10000xi32, #tpu.memory_space<hbm>>) dst(%arg9 : memref<10000xi32, #tpu.memory_space<vmem>>)
      %dma_wait3A_108 = arith.constant 0 : i32
      %dma_wait3A_109 = tpu.memref_slice %arg7[%dma_wait3A_108] : memref<100352xf32, #tpu.memory_space<vmem_shared>> -> memref<100352xf32, #tpu.memory_space<vmem_shared>>
      tpu.wait_indirect_dma semaphore(%arg20 : memref<!tpu.dma_semaphore, #tpu.memory_space<semaphore_mem>>) src(%arg16 : memref<10000xf32, #tpu.memory_space<vmem>>) dst(%dma_wait3A_109 : memref<100352xf32, #tpu.memory_space<vmem_shared>>)
      %dma_wait3A_110 = arith.constant 0 : i32
      %dma_wait3A_111 = tpu.memref_slice %arg8[%dma_wait3A_110] : memref<100352xf32, #tpu.memory_space<vmem_shared>> -> memref<100352xf32, #tpu.memory_space<vmem_shared>>
      tpu.wait_indirect_dma semaphore(%arg20 : memref<!tpu.dma_semaphore, #tpu.memory_space<semaphore_mem>>) src(%arg17 : memref<10000xf32, #tpu.memory_space<vmem>>) dst(%dma_wait3A_111 : memref<100352xf32, #tpu.memory_space<vmem_shared>>)
      %dma_start3A_112 = tpu.memref_slice %arg4[%add3A_103] : memref<6400000xi32, #tpu.memory_space<hbm>> -> memref<10000xi32, #tpu.memory_space<hbm>>
      %dma_start3A_113 = tpu.memref_slice %arg4[%add3A_103] : memref<6400000xi32, #tpu.memory_space<hbm>> -> memref<10000xi32, #tpu.memory_space<hbm>>
      tpu.enqueue_dma source(%dma_start3A_113 : memref<10000xi32, #tpu.memory_space<hbm>>) target(%arg11 : memref<10000xi32, #tpu.memory_space<vmem>>) target_semaphore(%arg21 : memref<!tpu.dma_semaphore, #tpu.memory_space<semaphore_mem>>)
      %dma_wait3A_114 = tpu.memref_slice %arg4[%add3A_103] : memref<6400000xi32, #tpu.memory_space<hbm>> -> memref<10000xi32, #tpu.memory_space<hbm>>
      %dma_wait3A_115 = tpu.memref_slice %arg4[%add3A_103] : memref<6400000xi32, #tpu.memory_space<hbm>> -> memref<10000xi32, #tpu.memory_space<hbm>>
      tpu.wait_dma2 semaphore(%arg21 : memref<!tpu.dma_semaphore, #tpu.memory_space<semaphore_mem>>) src(%dma_wait3A_115 : memref<10000xi32, #tpu.memory_space<hbm>>) dst(%arg11 : memref<10000xi32, #tpu.memory_space<vmem>>)
      %dma_start3A_116 = arith.constant 0 : i32
      %dma_start3A_117 = tpu.memref_slice %arg6[%dma_start3A_116] : memref<100352xi32, #tpu.memory_space<vmem_shared>> -> memref<100352xi32, #tpu.memory_space<vmem_shared>>
      tpu.enqueue_indirect_dma source(%dma_start3A_117 : memref<100352xi32, #tpu.memory_space<vmem_shared>>) target(%arg13 : memref<10000xi32, #tpu.memory_space<vmem>>) offsets(%arg9 : memref<10000xi32, #tpu.memory_space<vmem>>) semaphore(%arg18 : memref<!tpu.dma_semaphore, #tpu.memory_space<semaphore_mem>>)
      %dma_wait3A_118 = arith.constant 0 : i32
      %dma_wait3A_119 = tpu.memref_slice %arg6[%dma_wait3A_118] : memref<100352xi32, #tpu.memory_space<vmem_shared>> -> memref<100352xi32, #tpu.memory_space<vmem_shared>>
      tpu.wait_indirect_dma semaphore(%arg18 : memref<!tpu.dma_semaphore, #tpu.memory_space<semaphore_mem>>) src(%dma_wait3A_119 : memref<100352xi32, #tpu.memory_space<vmem_shared>>) dst(%arg13 : memref<10000xi32, #tpu.memory_space<vmem>>)
      %scan3A_120 = arith.constant 0 : i32
      %scan3A_121 = arith.constant 0 : i32
      %scan3A_122 = arith.constant 625 : i32
      %scan3A_123 = arith.addi %scan3A_121, %scan3A_122 : i32
      %scan3A_124 = arith.constant 1 : i32
      %scan3A_125 = scf.for %scan3A_169 = %scan3A_121 to %scan3A_123 step %scan3A_124 iter_args(%scan3A_170 = %scan3A_120) -> (i32)  : i32 {
        %broadcast_in_dim3A = arith.constant -65536 : i32
        %broadcast_in_dim3A_171 = vector.broadcast %broadcast_in_dim3A : i32 to vector<16xi32>
        %mul3A_172 = arith.constant 16 : i32
        %mul3A_173 = arith.muli %scan3A_169, %mul3A_172 : i32
        %get3A = arith.index_cast %mul3A_173 : i32 to index
        %get3A_174 = tpu.vector_load %arg13[%get3A] {strides = array<i32>} : memref<10000xi32, #tpu.memory_space<vmem>>, vector<16xi32>,
        %get3A_175 = vector.shape_cast %get3A_174 : vector<16xi32> to vector<16xi32>
        %and3A = arith.andi %get3A_175, %broadcast_in_dim3A_171 : vector<16xi32>
        %bitcast_convert_type3A = tpu.bitcast %and3A : vector<16xi32> -> vector<16xf32>
        %mul3A_176 = arith.constant 16 : i32
        %mul3A_177 = arith.muli %scan3A_169, %mul3A_176 : i32
        %swap3A = arith.index_cast %mul3A_177 : i32 to index
        %swap3A_178 = tpu.vector_load %arg16[%swap3A] {strides = array<i32>} : memref<10000xf32, #tpu.memory_space<vmem>>, vector<16xf32>,
        %swap3A_179 = vector.shape_cast %swap3A_178 : vector<16xf32> to vector<16xf32>
        %swap3A_180 = vector.shape_cast %bitcast_convert_type3A : vector<16xf32> to vector<16xf32>
        tpu.vector_store %arg16[%swap3A], %swap3A_180 {strides = array<i32>} : memref<10000xf32, #tpu.memory_space<vmem>>, vector<16xf32>,
        %shift_left3A = arith.constant 16 : i32
        %shift_left3A_181 = vector.broadcast %shift_left3A : i32 to vector<16xi32>
        %shift_left3A_182 = arith.shli %get3A_175, %shift_left3A_181 : vector<16xi32>
        %bitcast_convert_type3A_183 = tpu.bitcast %shift_left3A_182 : vector<16xi32> -> vector<16xf32>
        %mul3A_184 = arith.constant 16 : i32
        %mul3A_185 = arith.muli %scan3A_169, %mul3A_184 : i32
        %swap3A_186 = arith.index_cast %mul3A_185 : i32 to index
        %swap3A_187 = tpu.vector_load %arg17[%swap3A_186] {strides = array<i32>} : memref<10000xf32, #tpu.memory_space<vmem>>, vector<16xf32>,
        %swap3A_188 = vector.shape_cast %swap3A_187 : vector<16xf32> to vector<16xf32>
        %swap3A_189 = vector.shape_cast %bitcast_convert_type3A_183 : vector<16xf32> to vector<16xf32>
        tpu.vector_store %arg17[%swap3A_186], %swap3A_189 {strides = array<i32>} : memref<10000xf32, #tpu.memory_space<vmem>>, vector<16xf32>,
        %scan3A_190 = arith.constant 0 : i32
        scf.yield %scan3A_190 : i32
      }
      %scan3A_126 = arith.constant 625 : i32
      %dma_start3A_127 = arith.constant 0 : i32
      %dma_start3A_128 = tpu.memref_slice %arg7[%dma_start3A_127] : memref<100352xf32, #tpu.memory_space<vmem_shared>> -> memref<100352xf32, #tpu.memory_space<vmem_shared>>
      tpu.enqueue_indirect_dma source(%arg16 : memref<10000xf32, #tpu.memory_space<vmem>>) target(%dma_start3A_128 : memref<100352xf32, #tpu.memory_space<vmem_shared>>) offsets(%arg11 : memref<10000xi32, #tpu.memory_space<vmem>>) semaphore(%arg20 : memref<!tpu.dma_semaphore, #tpu.memory_space<semaphore_mem>>) {add = true}
      %dma_start3A_129 = arith.constant 0 : i32
      %dma_start3A_130 = tpu.memref_slice %arg8[%dma_start3A_129] : memref<100352xf32, #tpu.memory_space<vmem_shared>> -> memref<100352xf32, #tpu.memory_space<vmem_shared>>
      tpu.enqueue_indirect_dma source(%arg17 : memref<10000xf32, #tpu.memory_space<vmem>>) target(%dma_start3A_130 : memref<100352xf32, #tpu.memory_space<vmem_shared>>) offsets(%arg11 : memref<10000xi32, #tpu.memory_space<vmem>>) semaphore(%arg20 : memref<!tpu.dma_semaphore, #tpu.memory_space<semaphore_mem>>) {add = true}
      %add3A_131 = arith.constant 40000 : i32
      %add3A_132 = arith.addi %add3A_24, %add3A_131 : i32
      %dma_start3A_133 = tpu.memref_slice %arg3[%add3A_132] : memref<6400000xi32, #tpu.memory_space<hbm>> -> memref<10000xi32, #tpu.memory_space<hbm>>
      %dma_start3A_134 = tpu.memref_slice %arg3[%add3A_132] : memref<6400000xi32, #tpu.memory_space<hbm>> -> memref<10000xi32, #tpu.memory_space<hbm>>
      tpu.enqueue_dma source(%dma_start3A_134 : memref<10000xi32, #tpu.memory_space<hbm>>) target(%arg9 : memref<10000xi32, #tpu.memory_space<vmem>>) target_semaphore(%arg21 : memref<!tpu.dma_semaphore, #tpu.memory_space<semaphore_mem>>)
      %dma_wait3A_135 = tpu.memref_slice %arg3[%add3A_132] : memref<6400000xi32, #tpu.memory_space<hbm>> -> memref<10000xi32, #tpu.memory_space<hbm>>
      %dma_wait3A_136 = tpu.memref_slice %arg3[%add3A_132] : memref<6400000xi32, #tpu.memory_space<hbm>> -> memref<10000xi32, #tpu.memory_space<hbm>>
      tpu.wait_dma2 semaphore(%arg21 : memref<!tpu.dma_semaphore, #tpu.memory_space<semaphore_mem>>) src(%dma_wait3A_136 : memref<10000xi32, #tpu.memory_space<hbm>>) dst(%arg9 : memref<10000xi32, #tpu.memory_space<vmem>>)
      %dma_wait3A_137 = arith.constant 0 : i32
      %dma_wait3A_138 = tpu.memref_slice %arg7[%dma_wait3A_137] : memref<100352xf32, #tpu.memory_space<vmem_shared>> -> memref<100352xf32, #tpu.memory_space<vmem_shared>>
      tpu.wait_indirect_dma semaphore(%arg19 : memref<!tpu.dma_semaphore, #tpu.memory_space<semaphore_mem>>) src(%arg14 : memref<10000xf32, #tpu.memory_space<vmem>>) dst(%dma_wait3A_138 : memref<100352xf32, #tpu.memory_space<vmem_shared>>)
      %dma_wait3A_139 = arith.constant 0 : i32
      %dma_wait3A_140 = tpu.memref_slice %arg8[%dma_wait3A_139] : memref<100352xf32, #tpu.memory_space<vmem_shared>> -> memref<100352xf32, #tpu.memory_space<vmem_shared>>
      tpu.wait_indirect_dma semaphore(%arg19 : memref<!tpu.dma_semaphore, #tpu.memory_space<semaphore_mem>>) src(%arg15 : memref<10000xf32, #tpu.memory_space<vmem>>) dst(%dma_wait3A_140 : memref<100352xf32, #tpu.memory_space<vmem_shared>>)
      %dma_start3A_141 = tpu.memref_slice %arg4[%add3A_132] : memref<6400000xi32, #tpu.memory_space<hbm>> -> memref<10000xi32, #tpu.memory_space<hbm>>
      %dma_start3A_142 = tpu.memref_slice %arg4[%add3A_132] : memref<6400000xi32, #tpu.memory_space<hbm>> -> memref<10000xi32, #tpu.memory_space<hbm>>
      tpu.enqueue_dma source(%dma_start3A_142 : memref<10000xi32, #tpu.memory_space<hbm>>) target(%arg10 : memref<10000xi32, #tpu.memory_space<vmem>>) target_semaphore(%arg21 : memref<!tpu.dma_semaphore, #tpu.memory_space<semaphore_mem>>)
      %dma_wait3A_143 = tpu.memref_slice %arg4[%add3A_132] : memref<6400000xi32, #tpu.memory_space<hbm>> -> memref<10000xi32, #tpu.memory_space<hbm>>
      %dma_wait3A_144 = tpu.memref_slice %arg4[%add3A_132] : memref<6400000xi32, #tpu.memory_space<hbm>> -> memref<10000xi32, #tpu.memory_space<hbm>>
      tpu.wait_dma2 semaphore(%arg21 : memref<!tpu.dma_semaphore, #tpu.memory_space<semaphore_mem>>) src(%dma_wait3A_144 : memref<10000xi32, #tpu.memory_space<hbm>>) dst(%arg10 : memref<10000xi32, #tpu.memory_space<vmem>>)
      %dma_start3A_145 = arith.constant 0 : i32
      %dma_start3A_146 = tpu.memref_slice %arg6[%dma_start3A_145] : memref<100352xi32, #tpu.memory_space<vmem_shared>> -> memref<100352xi32, #tpu.memory_space<vmem_shared>>
      tpu.enqueue_indirect_dma source(%dma_start3A_146 : memref<100352xi32, #tpu.memory_space<vmem_shared>>) target(%arg12 : memref<10000xi32, #tpu.memory_space<vmem>>) offsets(%arg9 : memref<10000xi32, #tpu.memory_space<vmem>>) semaphore(%arg18 : memref<!tpu.dma_semaphore, #tpu.memory_space<semaphore_mem>>)
      %dma_wait3A_147 = arith.constant 0 : i32
      %dma_wait3A_148 = tpu.memref_slice %arg6[%dma_wait3A_147] : memref<100352xi32, #tpu.memory_space<vmem_shared>> -> memref<100352xi32, #tpu.memory_space<vmem_shared>>
      tpu.wait_indirect_dma semaphore(%arg18 : memref<!tpu.dma_semaphore, #tpu.memory_space<semaphore_mem>>) src(%dma_wait3A_148 : memref<100352xi32, #tpu.memory_space<vmem_shared>>) dst(%arg12 : memref<10000xi32, #tpu.memory_space<vmem>>)
      %scan3A_149 = arith.constant 0 : i32
      %scan3A_150 = arith.constant 0 : i32
      %scan3A_151 = arith.constant 625 : i32
      %scan3A_152 = arith.addi %scan3A_150, %scan3A_151 : i32
      %scan3A_153 = arith.constant 1 : i32
      %scan3A_154 = scf.for %scan3A_169 = %scan3A_150 to %scan3A_152 step %scan3A_153 iter_args(%scan3A_170 = %scan3A_149) -> (i32)  : i32 {
        %broadcast_in_dim3A = arith.constant -65536 : i32
        %broadcast_in_dim3A_171 = vector.broadcast %broadcast_in_dim3A : i32 to vector<16xi32>
        %mul3A_172 = arith.constant 16 : i32
        %mul3A_173 = arith.muli %scan3A_169, %mul3A_172 : i32
        %get3A = arith.index_cast %mul3A_173 : i32 to index
        %get3A_174 = tpu.vector_load %arg12[%get3A] {strides = array<i32>} : memref<10000xi32, #tpu.memory_space<vmem>>, vector<16xi32>,
        %get3A_175 = vector.shape_cast %get3A_174 : vector<16xi32> to vector<16xi32>
        %and3A = arith.andi %get3A_175, %broadcast_in_dim3A_171 : vector<16xi32>
        %bitcast_convert_type3A = tpu.bitcast %and3A : vector<16xi32> -> vector<16xf32>
        %mul3A_176 = arith.constant 16 : i32
        %mul3A_177 = arith.muli %scan3A_169, %mul3A_176 : i32
        %swap3A = arith.index_cast %mul3A_177 : i32 to index
        %swap3A_178 = tpu.vector_load %arg14[%swap3A] {strides = array<i32>} : memref<10000xf32, #tpu.memory_space<vmem>>, vector<16xf32>,
        %swap3A_179 = vector.shape_cast %swap3A_178 : vector<16xf32> to vector<16xf32>
        %swap3A_180 = vector.shape_cast %bitcast_convert_type3A : vector<16xf32> to vector<16xf32>
        tpu.vector_store %arg14[%swap3A], %swap3A_180 {strides = array<i32>} : memref<10000xf32, #tpu.memory_space<vmem>>, vector<16xf32>,
        %shift_left3A = arith.constant 16 : i32
        %shift_left3A_181 = vector.broadcast %shift_left3A : i32 to vector<16xi32>
        %shift_left3A_182 = arith.shli %get3A_175, %shift_left3A_181 : vector<16xi32>
        %bitcast_convert_type3A_183 = tpu.bitcast %shift_left3A_182 : vector<16xi32> -> vector<16xf32>
        %mul3A_184 = arith.constant 16 : i32
        %mul3A_185 = arith.muli %scan3A_169, %mul3A_184 : i32
        %swap3A_186 = arith.index_cast %mul3A_185 : i32 to index
        %swap3A_187 = tpu.vector_load %arg15[%swap3A_186] {strides = array<i32>} : memref<10000xf32, #tpu.memory_space<vmem>>, vector<16xf32>,
        %swap3A_188 = vector.shape_cast %swap3A_187 : vector<16xf32> to vector<16xf32>
        %swap3A_189 = vector.shape_cast %bitcast_convert_type3A_183 : vector<16xf32> to vector<16xf32>
        tpu.vector_store %arg15[%swap3A_186], %swap3A_189 {strides = array<i32>} : memref<10000xf32, #tpu.memory_space<vmem>>, vector<16xf32>,
        %scan3A_190 = arith.constant 0 : i32
        scf.yield %scan3A_190 : i32
      }
      %scan3A_155 = arith.constant 625 : i32
      %dma_start3A_156 = arith.constant 0 : i32
      %dma_start3A_157 = tpu.memref_slice %arg7[%dma_start3A_156] : memref<100352xf32, #tpu.memory_space<vmem_shared>> -> memref<100352xf32, #tpu.memory_space<vmem_shared>>
      tpu.enqueue_indirect_dma source(%arg14 : memref<10000xf32, #tpu.memory_space<vmem>>) target(%dma_start3A_157 : memref<100352xf32, #tpu.memory_space<vmem_shared>>) offsets(%arg10 : memref<10000xi32, #tpu.memory_space<vmem>>) semaphore(%arg19 : memref<!tpu.dma_semaphore, #tpu.memory_space<semaphore_mem>>) {add = true}
      %dma_start3A_158 = arith.constant 0 : i32
      %dma_start3A_159 = tpu.memref_slice %arg8[%dma_start3A_158] : memref<100352xf32, #tpu.memory_space<vmem_shared>> -> memref<100352xf32, #tpu.memory_space<vmem_shared>>
      tpu.enqueue_indirect_dma source(%arg15 : memref<10000xf32, #tpu.memory_space<vmem>>) target(%dma_start3A_159 : memref<100352xf32, #tpu.memory_space<vmem_shared>>) offsets(%arg10 : memref<10000xi32, #tpu.memory_space<vmem>>) semaphore(%arg19 : memref<!tpu.dma_semaphore, #tpu.memory_space<semaphore_mem>>) {add = true}
      %dma_wait3A_160 = arith.constant 0 : i32
      %dma_wait3A_161 = tpu.memref_slice %arg7[%dma_wait3A_160] : memref<100352xf32, #tpu.memory_space<vmem_shared>> -> memref<100352xf32, #tpu.memory_space<vmem_shared>>
      tpu.wait_indirect_dma semaphore(%arg20 : memref<!tpu.dma_semaphore, #tpu.memory_space<semaphore_mem>>) src(%arg16 : memref<10000xf32, #tpu.memory_space<vmem>>) dst(%dma_wait3A_161 : memref<100352xf32, #tpu.memory_space<vmem_shared>>)
      %dma_wait3A_162 = arith.constant 0 : i32
      %dma_wait3A_163 = tpu.memref_slice %arg8[%dma_wait3A_162] : memref<100352xf32, #tpu.memory_space<vmem_shared>> -> memref<100352xf32, #tpu.memory_space<vmem_shared>>
      tpu.wait_indirect_dma semaphore(%arg20 : memref<!tpu.dma_semaphore, #tpu.memory_space<semaphore_mem>>) src(%arg17 : memref<10000xf32, #tpu.memory_space<vmem>>) dst(%dma_wait3A_163 : memref<100352xf32, #tpu.memory_space<vmem_shared>>)
      %dma_wait3A_164 = arith.constant 0 : i32
      %dma_wait3A_165 = tpu.memref_slice %arg7[%dma_wait3A_164] : memref<100352xf32, #tpu.memory_space<vmem_shared>> -> memref<100352xf32, #tpu.memory_space<vmem_shared>>
      tpu.wait_indirect_dma semaphore(%arg19 : memref<!tpu.dma_semaphore, #tpu.memory_space<semaphore_mem>>) src(%arg14 : memref<10000xf32, #tpu.memory_space<vmem>>) dst(%dma_wait3A_165 : memref<100352xf32, #tpu.memory_space<vmem_shared>>)
      %dma_wait3A_166 = arith.constant 0 : i32
      %dma_wait3A_167 = tpu.memref_slice %arg8[%dma_wait3A_166] : memref<100352xf32, #tpu.memory_space<vmem_shared>> -> memref<100352xf32, #tpu.memory_space<vmem_shared>>
      tpu.wait_indirect_dma semaphore(%arg19 : memref<!tpu.dma_semaphore, #tpu.memory_space<semaphore_mem>>) src(%arg15 : memref<10000xf32, #tpu.memory_space<vmem>>) dst(%dma_wait3A_167 : memref<100352xf32, #tpu.memory_space<vmem_shared>>)
      %scan3A_168 = arith.constant 0 : i32
      scf.yield %scan3A_168 : i32
    }
    %scan3A_15 = arith.constant 4 : i32
    %barrier3A_16 = arith.constant 0 : index
    tpu.barrier barrier_id(%barrier3A_16)
    %run_scoped3A = arith.constant 0 : i32
    "tpu.region"() ({
      %run_scoped3A_18 = tpu.sem_alloc : memref<!tpu.dma_semaphore, #tpu.memory_space<semaphore_mem>>
      %dma_start3A = tpu.memref_slice %arg5[%arg0, %run_scoped3A, %mul3A_2] : memref<2x2x100352xf32, #tpu.memory_space<hbm>> -> memref<1x1x6272xf32, #tpu.memory_space<hbm>>
      %dma_start3A_19 = tpu.memref_squeeze %dma_start3A : memref<1x1x6272xf32, #tpu.memory_space<hbm>> -> memref<6272xf32, #tpu.memory_space<hbm>>
      %dma_start3A_20 = tpu.memref_slice %arg7[%mul3A_2] : memref<100352xf32, #tpu.memory_space<vmem_shared>> -> memref<6272xf32, #tpu.memory_space<vmem_shared>>
      tpu.enqueue_dma source(%dma_start3A_20 : memref<6272xf32, #tpu.memory_space<vmem_shared>>) target(%dma_start3A_19 : memref<6272xf32, #tpu.memory_space<hbm>>) target_semaphore(%run_scoped3A_18 : memref<!tpu.dma_semaphore, #tpu.memory_space<semaphore_mem>>)
      %dma_wait3A = tpu.memref_slice %arg5[%arg0, %run_scoped3A, %mul3A_2] : memref<2x2x100352xf32, #tpu.memory_space<hbm>> -> memref<1x1x6272xf32, #tpu.memory_space<hbm>>
      %dma_wait3A_21 = tpu.memref_squeeze %dma_wait3A : memref<1x1x6272xf32, #tpu.memory_space<hbm>> -> memref<6272xf32, #tpu.memory_space<hbm>>
      %dma_wait3A_22 = tpu.memref_slice %arg7[%mul3A_2] : memref<100352xf32, #tpu.memory_space<vmem_shared>> -> memref<6272xf32, #tpu.memory_space<vmem_shared>>
      tpu.wait_dma2 semaphore(%run_scoped3A_18 : memref<!tpu.dma_semaphore, #tpu.memory_space<semaphore_mem>>) src(%dma_wait3A_22 : memref<6272xf32, #tpu.memory_space<vmem_shared>>) dst(%dma_wait3A_21 : memref<6272xf32, #tpu.memory_space<hbm>>)
      tpu.yield
    }) : () -> ()
    %run_scoped3A_17 = arith.constant 1 : i32
    "tpu.region"() ({
      %run_scoped3A_18 = tpu.sem_alloc : memref<!tpu.dma_semaphore, #tpu.memory_space<semaphore_mem>>
      %dma_start3A = tpu.memref_slice %arg5[%arg0, %run_scoped3A_17, %mul3A_2] : memref<2x2x100352xf32, #tpu.memory_space<hbm>> -> memref<1x1x6272xf32, #tpu.memory_space<hbm>>
      %dma_start3A_19 = tpu.memref_squeeze %dma_start3A : memref<1x1x6272xf32, #tpu.memory_space<hbm>> -> memref<6272xf32, #tpu.memory_space<hbm>>
      %dma_start3A_20 = tpu.memref_slice %arg8[%mul3A_2] : memref<100352xf32, #tpu.memory_space<vmem_shared>> -> memref<6272xf32, #tpu.memory_space<vmem_shared>>
      tpu.enqueue_dma source(%dma_start3A_20 : memref<6272xf32, #tpu.memory_space<vmem_shared>>) target(%dma_start3A_19 : memref<6272xf32, #tpu.memory_space<hbm>>) target_semaphore(%run_scoped3A_18 : memref<!tpu.dma_semaphore, #tpu.memory_space<semaphore_mem>>)
      %dma_wait3A = tpu.memref_slice %arg5[%arg0, %run_scoped3A_17, %mul3A_2] : memref<2x2x100352xf32, #tpu.memory_space<hbm>> -> memref<1x1x6272xf32, #tpu.memory_space<hbm>>
      %dma_wait3A_21 = tpu.memref_squeeze %dma_wait3A : memref<1x1x6272xf32, #tpu.memory_space<hbm>> -> memref<6272xf32, #tpu.memory_space<hbm>>
      %dma_wait3A_22 = tpu.memref_slice %arg8[%mul3A_2] : memref<100352xf32, #tpu.memory_space<vmem_shared>> -> memref<6272xf32, #tpu.memory_space<vmem_shared>>
      tpu.wait_dma2 semaphore(%run_scoped3A_18 : memref<!tpu.dma_semaphore, #tpu.memory_space<semaphore_mem>>) src(%dma_wait3A_22 : memref<6272xf32, #tpu.memory_space<vmem_shared>>) dst(%dma_wait3A_21 : memref<6272xf32, #tpu.memory_space<hbm>>)
      tpu.yield
    }) : () -> ()
    return
  }
}

#map = affine_map<(d0, d1) -> (0)>
#map1 = affine_map<(d0, d1) -> (0, 0, 0)>
module attributes {stable_mosaic.version = 14 : i64} {
  func.func @k(%arg0: i32, %arg1: i32, %arg2: memref<100352xi32, #tpu.memory_space<hbm>>, %arg3: memref<6400000xi32, #tpu.memory_space<hbm>>, %arg4: memref<6400000xi32, #tpu.memory_space<hbm>>, %arg5: memref<2x2x100352xf32, #tpu.memory_space<hbm>>, %arg6: memref<100352xi32, #tpu.memory_space<vmem_shared>>, %arg7: memref<100352xf32, #tpu.memory_space<vmem_shared>>, %arg8: memref<100352xf32, #tpu.memory_space<vmem_shared>>, %arg9: memref<10000xi32, #tpu.memory_space<vmem>>, %arg10: memref<10000xi32, #tpu.memory_space<vmem>>, %arg11: memref<10000xi32, #tpu.memory_space<vmem>>, %arg12: memref<10000xi32, #tpu.memory_space<vmem>>, %arg13: memref<10000xi32, #tpu.memory_space<vmem>>, %arg14: memref<10000xf32, #tpu.memory_space<vmem>>, %arg15: memref<10000xf32, #tpu.memory_space<vmem>>, %arg16: memref<10000xf32, #tpu.memory_space<vmem>>, %arg17: memref<10000xf32, #tpu.memory_space<vmem>>, %arg18: memref<!tpu.dma_semaphore, #tpu.memory_space<semaphore_mem>>, %arg19: memref<!tpu.dma_semaphore, #tpu.memory_space<semaphore_mem>>, %arg20: memref<!tpu.dma_semaphore, #tpu.memory_space<semaphore_mem>>, %arg21: memref<!tpu.dma_semaphore, #tpu.memory_space<semaphore_mem>>) attributes {dimension_semantics = [#tpu.dimension_semantics<core_parallel>, #tpu.dimension_semantics<subcore_parallel>], iteration_bounds = array<i64: 2, 16>, scalar_prefetch = 0 : i64, scratch_operands = 16 : i64, tpu.core_type = #tpu.core_type<sc_vector_subcore>, window_params = [{transform_indices = #map}, {transform_indices = #map}, {transform_indices = #map}, {transform_indices = #map1}]} {
    %mul3A = arith.constant 16 : i32
    %mul3A_0 = arith.muli %arg0, %mul3A : i32
    %add3A = arith.addi %mul3A_0, %arg1 : i32
    %mul3A_1 = arith.constant 6272 : i32
    %mul3A_2 = arith.muli %arg1, %mul3A_1 : i32
    "tpu.region"() ({
      %run_scoped3A_18 = tpu.sem_alloc : memref<!tpu.dma_semaphore, #tpu.memory_space<semaphore_mem>>
      %dma_start3A = tpu.memref_slice %arg6[%mul3A_2] : memref<100352xi32, #tpu.memory_space<vmem_shared>> -> memref<6272xi32, #tpu.memory_space<vmem_shared>>
      %dma_start3A_19 = tpu.memref_slice %arg2[%mul3A_2] : memref<100352xi32, #tpu.memory_space<hbm>> -> memref<6272xi32, #tpu.memory_space<hbm>>
      tpu.enqueue_dma source(%dma_start3A_19 : memref<6272xi32, #tpu.memory_space<hbm>>) target(%dma_start3A : memref<6272xi32, #tpu.memory_space<vmem_shared>>) target_semaphore(%run_scoped3A_18 : memref<!tpu.dma_semaphore, #tpu.memory_space<semaphore_mem>>)
      %dma_wait3A = tpu.memref_slice %arg6[%mul3A_2] : memref<100352xi32, #tpu.memory_space<vmem_shared>> -> memref<6272xi32, #tpu.memory_space<vmem_shared>>
      %dma_wait3A_20 = tpu.memref_slice %arg2[%mul3A_2] : memref<100352xi32, #tpu.memory_space<hbm>> -> memref<6272xi32, #tpu.memory_space<hbm>>
      tpu.wait_dma2 semaphore(%run_scoped3A_18 : memref<!tpu.dma_semaphore, #tpu.memory_space<semaphore_mem>>) src(%dma_wait3A_20 : memref<6272xi32, #tpu.memory_space<hbm>>) dst(%dma_wait3A : memref<6272xi32, #tpu.memory_space<vmem_shared>>)
      tpu.yield
    }) : () -> ()
    %scan3A = arith.constant 0 : i32
    %scan3A_3 = arith.constant 0 : i32
    %scan3A_4 = arith.constant 392 : i32
    %scan3A_5 = arith.addi %scan3A_3, %scan3A_4 : i32
    %scan3A_6 = arith.constant 1 : i32
    %scan3A_7 = scf.for %scan3A_18 = %scan3A_3 to %scan3A_5 step %scan3A_6 iter_args(%scan3A_19 = %scan3A) -> (i32)  : i32 {
      %broadcast_in_dim3A = arith.constant 0.000000e+00 : f32
      %broadcast_in_dim3A_20 = vector.broadcast %broadcast_in_dim3A : f32 to vector<16xf32>
      %mul3A_21 = arith.constant 16 : i32
      %mul3A_22 = arith.muli %scan3A_18, %mul3A_21 : i32
      %swap3A = arith.index_cast %mul3A_22 : i32 to index
      %swap3A_23 = tpu.vector_load %arg14[%swap3A] {strides = array<i32>} : memref<10000xf32, #tpu.memory_space<vmem>>, vector<16xf32>,
      %swap3A_24 = vector.shape_cast %swap3A_23 : vector<16xf32> to vector<16xf32>
      %swap3A_25 = vector.shape_cast %broadcast_in_dim3A_20 : vector<16xf32> to vector<16xf32>
      tpu.vector_store %arg14[%swap3A], %swap3A_25 {strides = array<i32>} : memref<10000xf32, #tpu.memory_space<vmem>>, vector<16xf32>,
      %scan3A_26 = arith.constant 0 : i32
      scf.yield %scan3A_26 : i32
    }
    %scan3A_8 = arith.constant 392 : i32
    "tpu.region"() ({
      %run_scoped3A_18 = tpu.sem_alloc : memref<!tpu.dma_semaphore, #tpu.memory_space<semaphore_mem>>
      %dma_start3A = arith.constant 0 : i32
      %dma_start3A_19 = tpu.memref_slice %arg14[%dma_start3A] : memref<10000xf32, #tpu.memory_space<vmem>> -> memref<6272xf32, #tpu.memory_space<vmem>>
      %dma_start3A_20 = tpu.memref_slice %arg7[%mul3A_2] : memref<100352xf32, #tpu.memory_space<vmem_shared>> -> memref<6272xf32, #tpu.memory_space<vmem_shared>>
      %dma_start3A_21 = tpu.memref_slice %arg7[%mul3A_2] : memref<100352xf32, #tpu.memory_space<vmem_shared>> -> memref<6272xf32, #tpu.memory_space<vmem_shared>>
      %dma_start3A_22 = arith.constant 0 : i32
      %dma_start3A_23 = tpu.memref_slice %arg14[%dma_start3A_22] : memref<10000xf32, #tpu.memory_space<vmem>> -> memref<6272xf32, #tpu.memory_space<vmem>>
      tpu.enqueue_dma source(%dma_start3A_23 : memref<6272xf32, #tpu.memory_space<vmem>>) target(%dma_start3A_21 : memref<6272xf32, #tpu.memory_space<vmem_shared>>) target_semaphore(%run_scoped3A_18 : memref<!tpu.dma_semaphore, #tpu.memory_space<semaphore_mem>>)
      %dma_wait3A = arith.constant 0 : i32
      %dma_wait3A_24 = tpu.memref_slice %arg14[%dma_wait3A] : memref<10000xf32, #tpu.memory_space<vmem>> -> memref<6272xf32, #tpu.memory_space<vmem>>
      %dma_wait3A_25 = tpu.memref_slice %arg7[%mul3A_2] : memref<100352xf32, #tpu.memory_space<vmem_shared>> -> memref<6272xf32, #tpu.memory_space<vmem_shared>>
      %dma_wait3A_26 = tpu.memref_slice %arg7[%mul3A_2] : memref<100352xf32, #tpu.memory_space<vmem_shared>> -> memref<6272xf32, #tpu.memory_space<vmem_shared>>
      %dma_wait3A_27 = arith.constant 0 : i32
      %dma_wait3A_28 = tpu.memref_slice %arg14[%dma_wait3A_27] : memref<10000xf32, #tpu.memory_space<vmem>> -> memref<6272xf32, #tpu.memory_space<vmem>>
      tpu.wait_dma2 semaphore(%run_scoped3A_18 : memref<!tpu.dma_semaphore, #tpu.memory_space<semaphore_mem>>) src(%dma_wait3A_28 : memref<6272xf32, #tpu.memory_space<vmem>>) dst(%dma_wait3A_26 : memref<6272xf32, #tpu.memory_space<vmem_shared>>)
      tpu.yield
    }) : () -> ()
    "tpu.region"() ({
      %run_scoped3A_18 = tpu.sem_alloc : memref<!tpu.dma_semaphore, #tpu.memory_space<semaphore_mem>>
      %dma_start3A = arith.constant 0 : i32
      %dma_start3A_19 = tpu.memref_slice %arg14[%dma_start3A] : memref<10000xf32, #tpu.memory_space<vmem>> -> memref<6272xf32, #tpu.memory_space<vmem>>
      %dma_start3A_20 = tpu.memref_slice %arg8[%mul3A_2] : memref<100352xf32, #tpu.memory_space<vmem_shared>> -> memref<6272xf32, #tpu.memory_space<vmem_shared>>
      %dma_start3A_21 = tpu.memref_slice %arg8[%mul3A_2] : memref<100352xf32, #tpu.memory_space<vmem_shared>> -> memref<6272xf32, #tpu.memory_space<vmem_shared>>
      %dma_start3A_22 = arith.constant 0 : i32
      %dma_start3A_23 = tpu.memref_slice %arg14[%dma_start3A_22] : memref<10000xf32, #tpu.memory_space<vmem>> -> memref<6272xf32, #tpu.memory_space<vmem>>
      tpu.enqueue_dma source(%dma_start3A_23 : memref<6272xf32, #tpu.memory_space<vmem>>) target(%dma_start3A_21 : memref<6272xf32, #tpu.memory_space<vmem_shared>>) target_semaphore(%run_scoped3A_18 : memref<!tpu.dma_semaphore, #tpu.memory_space<semaphore_mem>>)
      %dma_wait3A = arith.constant 0 : i32
      %dma_wait3A_24 = tpu.memref_slice %arg14[%dma_wait3A] : memref<10000xf32, #tpu.memory_space<vmem>> -> memref<6272xf32, #tpu.memory_space<vmem>>
      %dma_wait3A_25 = tpu.memref_slice %arg8[%mul3A_2] : memref<100352xf32, #tpu.memory_space<vmem_shared>> -> memref<6272xf32, #tpu.memory_space<vmem_shared>>
      %dma_wait3A_26 = tpu.memref_slice %arg8[%mul3A_2] : memref<100352xf32, #tpu.memory_space<vmem_shared>> -> memref<6272xf32, #tpu.memory_space<vmem_shared>>
      %dma_wait3A_27 = arith.constant 0 : i32
      %dma_wait3A_28 = tpu.memref_slice %arg14[%dma_wait3A_27] : memref<10000xf32, #tpu.memory_space<vmem>> -> memref<6272xf32, #tpu.memory_space<vmem>>
      tpu.wait_dma2 semaphore(%run_scoped3A_18 : memref<!tpu.dma_semaphore, #tpu.memory_space<semaphore_mem>>) src(%dma_wait3A_28 : memref<6272xf32, #tpu.memory_space<vmem>>) dst(%dma_wait3A_26 : memref<6272xf32, #tpu.memory_space<vmem_shared>>)
      tpu.yield
    }) : () -> ()
    %barrier3A = arith.constant 0 : index
    tpu.barrier barrier_id(%barrier3A)
    %scan3A_9 = arith.constant 0 : i32
    %scan3A_10 = arith.constant 0 : i32
    %scan3A_11 = arith.constant 4 : i32
    %scan3A_12 = arith.addi %scan3A_10, %scan3A_11 : i32
    %scan3A_13 = arith.constant 1 : i32
    %scan3A_14 = scf.for %scan3A_18 = %scan3A_10 to %scan3A_12 step %scan3A_13 iter_args(%scan3A_19 = %scan3A_9) -> (i32)  : i32 {
      %mul3A_20 = arith.constant 200000 : i32
      %mul3A_21 = arith.muli %add3A, %mul3A_20 : i32
      %mul3A_22 = arith.constant 50000 : i32
      %mul3A_23 = arith.muli %scan3A_18, %mul3A_22 : i32
      %add3A_24 = arith.addi %mul3A_21, %mul3A_23 : i32
      %add3A_25 = arith.constant 0 : i32
      %add3A_26 = arith.addi %add3A_24, %add3A_25 : i32
      %dma_start3A = tpu.memref_slice %arg3[%add3A_26] : memref<6400000xi32, #tpu.memory_space<hbm>> -> memref<10000xi32, #tpu.memory_space<hbm>>
      %dma_start3A_27 = tpu.memref_slice %arg3[%add3A_26] : memref<6400000xi32, #tpu.memory_space<hbm>> -> memref<10000xi32, #tpu.memory_space<hbm>>
      tpu.enqueue_dma source(%dma_start3A_27 : memref<10000xi32, #tpu.memory_space<hbm>>) target(%arg9 : memref<10000xi32, #tpu.memory_space<vmem>>) target_semaphore(%arg21 : memref<!tpu.dma_semaphore, #tpu.memory_space<semaphore_mem>>)
      %dma_wait3A = tpu.memref_slice %arg3[%add3A_26] : memref<6400000xi32, #tpu.memory_space<hbm>> -> memref<10000xi32, #tpu.memory_space<hbm>>
      %dma_wait3A_28 = tpu.memref_slice %arg3[%add3A_26] : memref<6400000xi32, #tpu.memory_space<hbm>> -> memref<10000xi32, #tpu.memory_space<hbm>>
      tpu.wait_dma2 semaphore(%arg21 : memref<!tpu.dma_semaphore, #tpu.memory_space<semaphore_mem>>) src(%dma_wait3A_28 : memref<10000xi32, #tpu.memory_space<hbm>>) dst(%arg9 : memref<10000xi32, #tpu.memory_space<vmem>>)
      %dma_start3A_29 = tpu.memref_slice %arg4[%add3A_26] : memref<6400000xi32, #tpu.memory_space<hbm>> -> memref<10000xi32, #tpu.memory_space<hbm>>
      %dma_start3A_30 = tpu.memref_slice %arg4[%add3A_26] : memref<6400000xi32, #tpu.memory_space<hbm>> -> memref<10000xi32, #tpu.memory_space<hbm>>
      tpu.enqueue_dma source(%dma_start3A_30 : memref<10000xi32, #tpu.memory_space<hbm>>) target(%arg10 : memref<10000xi32, #tpu.memory_space<vmem>>) target_semaphore(%arg21 : memref<!tpu.dma_semaphore, #tpu.memory_space<semaphore_mem>>)
      %dma_wait3A_31 = tpu.memref_slice %arg4[%add3A_26] : memref<6400000xi32, #tpu.memory_space<hbm>> -> memref<10000xi32, #tpu.memory_space<hbm>>
      %dma_wait3A_32 = tpu.memref_slice %arg4[%add3A_26] : memref<6400000xi32, #tpu.memory_space<hbm>> -> memref<10000xi32, #tpu.memory_space<hbm>>
      tpu.wait_dma2 semaphore(%arg21 : memref<!tpu.dma_semaphore, #tpu.memory_space<semaphore_mem>>) src(%dma_wait3A_32 : memref<10000xi32, #tpu.memory_space<hbm>>) dst(%arg10 : memref<10000xi32, #tpu.memory_space<vmem>>)
      %dma_start3A_33 = arith.constant 0 : i32
      %dma_start3A_34 = tpu.memref_slice %arg6[%dma_start3A_33] : memref<100352xi32, #tpu.memory_space<vmem_shared>> -> memref<100352xi32, #tpu.memory_space<vmem_shared>>
      tpu.enqueue_indirect_dma source(%dma_start3A_34 : memref<100352xi32, #tpu.memory_space<vmem_shared>>) target(%arg12 : memref<10000xi32, #tpu.memory_space<vmem>>) offsets(%arg9 : memref<10000xi32, #tpu.memory_space<vmem>>) semaphore(%arg18 : memref<!tpu.dma_semaphore, #tpu.memory_space<semaphore_mem>>)
      %dma_wait3A_35 = arith.constant 0 : i32
      %dma_wait3A_36 = tpu.memref_slice %arg6[%dma_wait3A_35] : memref<100352xi32, #tpu.memory_space<vmem_shared>> -> memref<100352xi32, #tpu.memory_space<vmem_shared>>
      tpu.wait_indirect_dma semaphore(%arg18 : memref<!tpu.dma_semaphore, #tpu.memory_space<semaphore_mem>>) src(%dma_wait3A_36 : memref<100352xi32, #tpu.memory_space<vmem_shared>>) dst(%arg12 : memref<10000xi32, #tpu.memory_space<vmem>>)
      %scan3A_37 = arith.constant 0 : i32
      %scan3A_38 = arith.constant 0 : i32
      %scan3A_39 = arith.constant 625 : i32
      %scan3A_40 = arith.addi %scan3A_38, %scan3A_39 : i32
      %scan3A_41 = arith.constant 1 : i32
      %scan3A_42 = scf.for %scan3A_169 = %scan3A_38 to %scan3A_40 step %scan3A_41 iter_args(%scan3A_170 = %scan3A_37) -> (i32)  : i32 {
        %broadcast_in_dim3A = arith.constant -65536 : i32
        %broadcast_in_dim3A_171 = vector.broadcast %broadcast_in_dim3A : i32 to vector<16xi32>
        %mul3A_172 = arith.constant 16 : i32
        %mul3A_173 = arith.muli %scan3A_169, %mul3A_172 : i32
        %get3A = arith.index_cast %mul3A_173 : i32 to index
        %get3A_174 = tpu.vector_load %arg12[%get3A] {strides = array<i32>} : memref<10000xi32, #tpu.memory_space<vmem>>, vector<16xi32>,
        %get3A_175 = vector.shape_cast %get3A_174 : vector<16xi32> to vector<16xi32>
        %and3A = arith.andi %get3A_175, %broadcast_in_dim3A_171 : vector<16xi32>
        %bitcast_convert_type3A = tpu.bitcast %and3A : vector<16xi32> -> vector<16xf32>
        %mul3A_176 = arith.constant 16 : i32
        %mul3A_177 = arith.muli %scan3A_169, %mul3A_176 : i32
        %swap3A = arith.index_cast %mul3A_177 : i32 to index
        %swap3A_178 = tpu.vector_load %arg14[%swap3A] {strides = array<i32>} : memref<10000xf32, #tpu.memory_space<vmem>>, vector<16xf32>,
        %swap3A_179 = vector.shape_cast %swap3A_178 : vector<16xf32> to vector<16xf32>
        %swap3A_180 = vector.shape_cast %bitcast_convert_type3A : vector<16xf32> to vector<16xf32>
        tpu.vector_store %arg14[%swap3A], %swap3A_180 {strides = array<i32>} : memref<10000xf32, #tpu.memory_space<vmem>>, vector<16xf32>,
        %shift_left3A = arith.constant 16 : i32
        %shift_left3A_181 = vector.broadcast %shift_left3A : i32 to vector<16xi32>
        %shift_left3A_182 = arith.shli %get3A_175, %shift_left3A_181 : vector<16xi32>
        %bitcast_convert_type3A_183 = tpu.bitcast %shift_left3A_182 : vector<16xi32> -> vector<16xf32>
        %mul3A_184 = arith.constant 16 : i32
        %mul3A_185 = arith.muli %scan3A_169, %mul3A_184 : i32
        %swap3A_186 = arith.index_cast %mul3A_185 : i32 to index
        %swap3A_187 = tpu.vector_load %arg15[%swap3A_186] {strides = array<i32>} : memref<10000xf32, #tpu.memory_space<vmem>>, vector<16xf32>,
        %swap3A_188 = vector.shape_cast %swap3A_187 : vector<16xf32> to vector<16xf32>
        %swap3A_189 = vector.shape_cast %bitcast_convert_type3A_183 : vector<16xf32> to vector<16xf32>
        tpu.vector_store %arg15[%swap3A_186], %swap3A_189 {strides = array<i32>} : memref<10000xf32, #tpu.memory_space<vmem>>, vector<16xf32>,
        %scan3A_190 = arith.constant 0 : i32
        scf.yield %scan3A_190 : i32
      }
      %scan3A_43 = arith.constant 625 : i32
      %dma_start3A_44 = arith.constant 0 : i32
      %dma_start3A_45 = tpu.memref_slice %arg7[%dma_start3A_44] : memref<100352xf32, #tpu.memory_space<vmem_shared>> -> memref<100352xf32, #tpu.memory_space<vmem_shared>>
      tpu.enqueue_indirect_dma source(%arg14 : memref<10000xf32, #tpu.memory_space<vmem>>) target(%dma_start3A_45 : memref<100352xf32, #tpu.memory_space<vmem_shared>>) offsets(%arg10 : memref<10000xi32, #tpu.memory_space<vmem>>) semaphore(%arg19 : memref<!tpu.dma_semaphore, #tpu.memory_space<semaphore_mem>>) {add = true}
      %dma_start3A_46 = arith.constant 0 : i32
      %dma_start3A_47 = tpu.memref_slice %arg8[%dma_start3A_46] : memref<100352xf32, #tpu.memory_space<vmem_shared>> -> memref<100352xf32, #tpu.memory_space<vmem_shared>>
      tpu.enqueue_indirect_dma source(%arg15 : memref<10000xf32, #tpu.memory_space<vmem>>) target(%dma_start3A_47 : memref<100352xf32, #tpu.memory_space<vmem_shared>>) offsets(%arg10 : memref<10000xi32, #tpu.memory_space<vmem>>) semaphore(%arg19 : memref<!tpu.dma_semaphore, #tpu.memory_space<semaphore_mem>>) {add = true}
      %add3A_48 = arith.constant 10000 : i32
      %add3A_49 = arith.addi %add3A_24, %add3A_48 : i32
      %dma_start3A_50 = tpu.memref_slice %arg3[%add3A_49] : memref<6400000xi32, #tpu.memory_space<hbm>> -> memref<10000xi32, #tpu.memory_space<hbm>>
      %dma_start3A_51 = tpu.memref_slice %arg3[%add3A_49] : memref<6400000xi32, #tpu.memory_space<hbm>> -> memref<10000xi32, #tpu.memory_space<hbm>>
      tpu.enqueue_dma source(%dma_start3A_51 : memref<10000xi32, #tpu.memory_space<hbm>>) target(%arg9 : memref<10000xi32, #tpu.memory_space<vmem>>) target_semaphore(%arg21 : memref<!tpu.dma_semaphore, #tpu.memory_space<semaphore_mem>>)
      %dma_wait3A_52 = tpu.memref_slice %arg3[%add3A_49] : memref<6400000xi32, #tpu.memory_space<hbm>> -> memref<10000xi32, #tpu.memory_space<hbm>>
      %dma_wait3A_53 = tpu.memref_slice %arg3[%add3A_49] : memref<6400000xi32, #tpu.memory_space<hbm>> -> memref<10000xi32, #tpu.memory_space<hbm>>
      tpu.wait_dma2 semaphore(%arg21 : memref<!tpu.dma_semaphore, #tpu.memory_space<semaphore_mem>>) src(%dma_wait3A_53 : memref<10000xi32, #tpu.memory_space<hbm>>) dst(%arg9 : memref<10000xi32, #tpu.memory_space<vmem>>)
      %dma_start3A_54 = tpu.memref_slice %arg4[%add3A_49] : memref<6400000xi32, #tpu.memory_space<hbm>> -> memref<10000xi32, #tpu.memory_space<hbm>>
      %dma_start3A_55 = tpu.memref_slice %arg4[%add3A_49] : memref<6400000xi32, #tpu.memory_space<hbm>> -> memref<10000xi32, #tpu.memory_space<hbm>>
      tpu.enqueue_dma source(%dma_start3A_55 : memref<10000xi32, #tpu.memory_space<hbm>>) target(%arg11 : memref<10000xi32, #tpu.memory_space<vmem>>) target_semaphore(%arg21 : memref<!tpu.dma_semaphore, #tpu.memory_space<semaphore_mem>>)
      %dma_wait3A_56 = tpu.memref_slice %arg4[%add3A_49] : memref<6400000xi32, #tpu.memory_space<hbm>> -> memref<10000xi32, #tpu.memory_space<hbm>>
      %dma_wait3A_57 = tpu.memref_slice %arg4[%add3A_49] : memref<6400000xi32, #tpu.memory_space<hbm>> -> memref<10000xi32, #tpu.memory_space<hbm>>
      tpu.wait_dma2 semaphore(%arg21 : memref<!tpu.dma_semaphore, #tpu.memory_space<semaphore_mem>>) src(%dma_wait3A_57 : memref<10000xi32, #tpu.memory_space<hbm>>) dst(%arg11 : memref<10000xi32, #tpu.memory_space<vmem>>)
      %dma_start3A_58 = arith.constant 0 : i32
      %dma_start3A_59 = tpu.memref_slice %arg6[%dma_start3A_58] : memref<100352xi32, #tpu.memory_space<vmem_shared>> -> memref<100352xi32, #tpu.memory_space<vmem_shared>>
      tpu.enqueue_indirect_dma source(%dma_start3A_59 : memref<100352xi32, #tpu.memory_space<vmem_shared>>) target(%arg13 : memref<10000xi32, #tpu.memory_space<vmem>>) offsets(%arg9 : memref<10000xi32, #tpu.memory_space<vmem>>) semaphore(%arg18 : memref<!tpu.dma_semaphore, #tpu.memory_space<semaphore_mem>>)
      %dma_wait3A_60 = arith.constant 0 : i32
      %dma_wait3A_61 = tpu.memref_slice %arg6[%dma_wait3A_60] : memref<100352xi32, #tpu.memory_space<vmem_shared>> -> memref<100352xi32, #tpu.memory_space<vmem_shared>>
      tpu.wait_indirect_dma semaphore(%arg18 : memref<!tpu.dma_semaphore, #tpu.memory_space<semaphore_mem>>) src(%dma_wait3A_61 : memref<100352xi32, #tpu.memory_space<vmem_shared>>) dst(%arg13 : memref<10000xi32, #tpu.memory_space<vmem>>)
      %scan3A_62 = arith.constant 0 : i32
      %scan3A_63 = arith.constant 0 : i32
      %scan3A_64 = arith.constant 625 : i32
      %scan3A_65 = arith.addi %scan3A_63, %scan3A_64 : i32
      %scan3A_66 = arith.constant 1 : i32
      %scan3A_67 = scf.for %scan3A_169 = %scan3A_63 to %scan3A_65 step %scan3A_66 iter_args(%scan3A_170 = %scan3A_62) -> (i32)  : i32 {
        %broadcast_in_dim3A = arith.constant -65536 : i32
        %broadcast_in_dim3A_171 = vector.broadcast %broadcast_in_dim3A : i32 to vector<16xi32>
        %mul3A_172 = arith.constant 16 : i32
        %mul3A_173 = arith.muli %scan3A_169, %mul3A_172 : i32
        %get3A = arith.index_cast %mul3A_173 : i32 to index
        %get3A_174 = tpu.vector_load %arg13[%get3A] {strides = array<i32>} : memref<10000xi32, #tpu.memory_space<vmem>>, vector<16xi32>,
        %get3A_175 = vector.shape_cast %get3A_174 : vector<16xi32> to vector<16xi32>
        %and3A = arith.andi %get3A_175, %broadcast_in_dim3A_171 : vector<16xi32>
        %bitcast_convert_type3A = tpu.bitcast %and3A : vector<16xi32> -> vector<16xf32>
        %mul3A_176 = arith.constant 16 : i32
        %mul3A_177 = arith.muli %scan3A_169, %mul3A_176 : i32
        %swap3A = arith.index_cast %mul3A_177 : i32 to index
        %swap3A_178 = tpu.vector_load %arg16[%swap3A] {strides = array<i32>} : memref<10000xf32, #tpu.memory_space<vmem>>, vector<16xf32>,
        %swap3A_179 = vector.shape_cast %swap3A_178 : vector<16xf32> to vector<16xf32>
        %swap3A_180 = vector.shape_cast %bitcast_convert_type3A : vector<16xf32> to vector<16xf32>
        tpu.vector_store %arg16[%swap3A], %swap3A_180 {strides = array<i32>} : memref<10000xf32, #tpu.memory_space<vmem>>, vector<16xf32>,
        %shift_left3A = arith.constant 16 : i32
        %shift_left3A_181 = vector.broadcast %shift_left3A : i32 to vector<16xi32>
        %shift_left3A_182 = arith.shli %get3A_175, %shift_left3A_181 : vector<16xi32>
        %bitcast_convert_type3A_183 = tpu.bitcast %shift_left3A_182 : vector<16xi32> -> vector<16xf32>
        %mul3A_184 = arith.constant 16 : i32
        %mul3A_185 = arith.muli %scan3A_169, %mul3A_184 : i32
        %swap3A_186 = arith.index_cast %mul3A_185 : i32 to index
        %swap3A_187 = tpu.vector_load %arg17[%swap3A_186] {strides = array<i32>} : memref<10000xf32, #tpu.memory_space<vmem>>, vector<16xf32>,
        %swap3A_188 = vector.shape_cast %swap3A_187 : vector<16xf32> to vector<16xf32>
        %swap3A_189 = vector.shape_cast %bitcast_convert_type3A_183 : vector<16xf32> to vector<16xf32>
        tpu.vector_store %arg17[%swap3A_186], %swap3A_189 {strides = array<i32>} : memref<10000xf32, #tpu.memory_space<vmem>>, vector<16xf32>,
        %scan3A_190 = arith.constant 0 : i32
        scf.yield %scan3A_190 : i32
      }
      %scan3A_68 = arith.constant 625 : i32
      %dma_start3A_69 = arith.constant 0 : i32
      %dma_start3A_70 = tpu.memref_slice %arg7[%dma_start3A_69] : memref<100352xf32, #tpu.memory_space<vmem_shared>> -> memref<100352xf32, #tpu.memory_space<vmem_shared>>
      tpu.enqueue_indirect_dma source(%arg16 : memref<10000xf32, #tpu.memory_space<vmem>>) target(%dma_start3A_70 : memref<100352xf32, #tpu.memory_space<vmem_shared>>) offsets(%arg11 : memref<10000xi32, #tpu.memory_space<vmem>>) semaphore(%arg20 : memref<!tpu.dma_semaphore, #tpu.memory_space<semaphore_mem>>) {add = true}
      %dma_start3A_71 = arith.constant 0 : i32
      %dma_start3A_72 = tpu.memref_slice %arg8[%dma_start3A_71] : memref<100352xf32, #tpu.memory_space<vmem_shared>> -> memref<100352xf32, #tpu.memory_space<vmem_shared>>
      tpu.enqueue_indirect_dma source(%arg17 : memref<10000xf32, #tpu.memory_space<vmem>>) target(%dma_start3A_72 : memref<100352xf32, #tpu.memory_space<vmem_shared>>) offsets(%arg11 : memref<10000xi32, #tpu.memory_space<vmem>>) semaphore(%arg20 : memref<!tpu.dma_semaphore, #tpu.memory_space<semaphore_mem>>) {add = true}
      %add3A_73 = arith.constant 20000 : i32
      %add3A_74 = arith.addi %add3A_24, %add3A_73 : i32
      %dma_start3A_75 = tpu.memref_slice %arg3[%add3A_74] : memref<6400000xi32, #tpu.memory_space<hbm>> -> memref<10000xi32, #tpu.memory_space<hbm>>
      %dma_start3A_76 = tpu.memref_slice %arg3[%add3A_74] : memref<6400000xi32, #tpu.memory_space<hbm>> -> memref<10000xi32, #tpu.memory_space<hbm>>
      tpu.enqueue_dma source(%dma_start3A_76 : memref<10000xi32, #tpu.memory_space<hbm>>) target(%arg9 : memref<10000xi32, #tpu.memory_space<vmem>>) target_semaphore(%arg21 : memref<!tpu.dma_semaphore, #tpu.memory_space<semaphore_mem>>)
      %dma_wait3A_77 = tpu.memref_slice %arg3[%add3A_74] : memref<6400000xi32, #tpu.memory_space<hbm>> -> memref<10000xi32, #tpu.memory_space<hbm>>
      %dma_wait3A_78 = tpu.memref_slice %arg3[%add3A_74] : memref<6400000xi32, #tpu.memory_space<hbm>> -> memref<10000xi32, #tpu.memory_space<hbm>>
      tpu.wait_dma2 semaphore(%arg21 : memref<!tpu.dma_semaphore, #tpu.memory_space<semaphore_mem>>) src(%dma_wait3A_78 : memref<10000xi32, #tpu.memory_space<hbm>>) dst(%arg9 : memref<10000xi32, #tpu.memory_space<vmem>>)
      %dma_wait3A_79 = arith.constant 0 : i32
      %dma_wait3A_80 = tpu.memref_slice %arg7[%dma_wait3A_79] : memref<100352xf32, #tpu.memory_space<vmem_shared>> -> memref<100352xf32, #tpu.memory_space<vmem_shared>>
      tpu.wait_indirect_dma semaphore(%arg19 : memref<!tpu.dma_semaphore, #tpu.memory_space<semaphore_mem>>) src(%arg14 : memref<10000xf32, #tpu.memory_space<vmem>>) dst(%dma_wait3A_80 : memref<100352xf32, #tpu.memory_space<vmem_shared>>)
      %dma_wait3A_81 = arith.constant 0 : i32
      %dma_wait3A_82 = tpu.memref_slice %arg8[%dma_wait3A_81] : memref<100352xf32, #tpu.memory_space<vmem_shared>> -> memref<100352xf32, #tpu.memory_space<vmem_shared>>
      tpu.wait_indirect_dma semaphore(%arg19 : memref<!tpu.dma_semaphore, #tpu.memory_space<semaphore_mem>>) src(%arg15 : memref<10000xf32, #tpu.memory_space<vmem>>) dst(%dma_wait3A_82 : memref<100352xf32, #tpu.memory_space<vmem_shared>>)
      %dma_start3A_83 = tpu.memref_slice %arg4[%add3A_74] : memref<6400000xi32, #tpu.memory_space<hbm>> -> memref<10000xi32, #tpu.memory_space<hbm>>
      %dma_start3A_84 = tpu.memref_slice %arg4[%add3A_74] : memref<6400000xi32, #tpu.memory_space<hbm>> -> memref<10000xi32, #tpu.memory_space<hbm>>
      tpu.enqueue_dma source(%dma_start3A_84 : memref<10000xi32, #tpu.memory_space<hbm>>) target(%arg10 : memref<10000xi32, #tpu.memory_space<vmem>>) target_semaphore(%arg21 : memref<!tpu.dma_semaphore, #tpu.memory_space<semaphore_mem>>)
      %dma_wait3A_85 = tpu.memref_slice %arg4[%add3A_74] : memref<6400000xi32, #tpu.memory_space<hbm>> -> memref<10000xi32, #tpu.memory_space<hbm>>
      %dma_wait3A_86 = tpu.memref_slice %arg4[%add3A_74] : memref<6400000xi32, #tpu.memory_space<hbm>> -> memref<10000xi32, #tpu.memory_space<hbm>>
      tpu.wait_dma2 semaphore(%arg21 : memref<!tpu.dma_semaphore, #tpu.memory_space<semaphore_mem>>) src(%dma_wait3A_86 : memref<10000xi32, #tpu.memory_space<hbm>>) dst(%arg10 : memref<10000xi32, #tpu.memory_space<vmem>>)
      %dma_start3A_87 = arith.constant 0 : i32
      %dma_start3A_88 = tpu.memref_slice %arg6[%dma_start3A_87] : memref<100352xi32, #tpu.memory_space<vmem_shared>> -> memref<100352xi32, #tpu.memory_space<vmem_shared>>
      tpu.enqueue_indirect_dma source(%dma_start3A_88 : memref<100352xi32, #tpu.memory_space<vmem_shared>>) target(%arg12 : memref<10000xi32, #tpu.memory_space<vmem>>) offsets(%arg9 : memref<10000xi32, #tpu.memory_space<vmem>>) semaphore(%arg18 : memref<!tpu.dma_semaphore, #tpu.memory_space<semaphore_mem>>)
      %dma_wait3A_89 = arith.constant 0 : i32
      %dma_wait3A_90 = tpu.memref_slice %arg6[%dma_wait3A_89] : memref<100352xi32, #tpu.memory_space<vmem_shared>> -> memref<100352xi32, #tpu.memory_space<vmem_shared>>
      tpu.wait_indirect_dma semaphore(%arg18 : memref<!tpu.dma_semaphore, #tpu.memory_space<semaphore_mem>>) src(%dma_wait3A_90 : memref<100352xi32, #tpu.memory_space<vmem_shared>>) dst(%arg12 : memref<10000xi32, #tpu.memory_space<vmem>>)
      %scan3A_91 = arith.constant 0 : i32
      %scan3A_92 = arith.constant 0 : i32
      %scan3A_93 = arith.constant 625 : i32
      %scan3A_94 = arith.addi %scan3A_92, %scan3A_93 : i32
      %scan3A_95 = arith.constant 1 : i32
      %scan3A_96 = scf.for %scan3A_169 = %scan3A_92 to %scan3A_94 step %scan3A_95 iter_args(%scan3A_170 = %scan3A_91) -> (i32)  : i32 {
        %broadcast_in_dim3A = arith.constant -65536 : i32
        %broadcast_in_dim3A_171 = vector.broadcast %broadcast_in_dim3A : i32 to vector<16xi32>
        %mul3A_172 = arith.constant 16 : i32
        %mul3A_173 = arith.muli %scan3A_169, %mul3A_172 : i32
        %get3A = arith.index_cast %mul3A_173 : i32 to index
        %get3A_174 = tpu.vector_load %arg12[%get3A] {strides = array<i32>} : memref<10000xi32, #tpu.memory_space<vmem>>, vector<16xi32>,
        %get3A_175 = vector.shape_cast %get3A_174 : vector<16xi32> to vector<16xi32>
        %and3A = arith.andi %get3A_175, %broadcast_in_dim3A_171 : vector<16xi32>
        %bitcast_convert_type3A = tpu.bitcast %and3A : vector<16xi32> -> vector<16xf32>
        %mul3A_176 = arith.constant 16 : i32
        %mul3A_177 = arith.muli %scan3A_169, %mul3A_176 : i32
        %swap3A = arith.index_cast %mul3A_177 : i32 to index
        %swap3A_178 = tpu.vector_load %arg14[%swap3A] {strides = array<i32>} : memref<10000xf32, #tpu.memory_space<vmem>>, vector<16xf32>,
        %swap3A_179 = vector.shape_cast %swap3A_178 : vector<16xf32> to vector<16xf32>
        %swap3A_180 = vector.shape_cast %bitcast_convert_type3A : vector<16xf32> to vector<16xf32>
        tpu.vector_store %arg14[%swap3A], %swap3A_180 {strides = array<i32>} : memref<10000xf32, #tpu.memory_space<vmem>>, vector<16xf32>,
        %shift_left3A = arith.constant 16 : i32
        %shift_left3A_181 = vector.broadcast %shift_left3A : i32 to vector<16xi32>
        %shift_left3A_182 = arith.shli %get3A_175, %shift_left3A_181 : vector<16xi32>
        %bitcast_convert_type3A_183 = tpu.bitcast %shift_left3A_182 : vector<16xi32> -> vector<16xf32>
        %mul3A_184 = arith.constant 16 : i32
        %mul3A_185 = arith.muli %scan3A_169, %mul3A_184 : i32
        %swap3A_186 = arith.index_cast %mul3A_185 : i32 to index
        %swap3A_187 = tpu.vector_load %arg15[%swap3A_186] {strides = array<i32>} : memref<10000xf32, #tpu.memory_space<vmem>>, vector<16xf32>,
        %swap3A_188 = vector.shape_cast %swap3A_187 : vector<16xf32> to vector<16xf32>
        %swap3A_189 = vector.shape_cast %bitcast_convert_type3A_183 : vector<16xf32> to vector<16xf32>
        tpu.vector_store %arg15[%swap3A_186], %swap3A_189 {strides = array<i32>} : memref<10000xf32, #tpu.memory_space<vmem>>, vector<16xf32>,
        %scan3A_190 = arith.constant 0 : i32
        scf.yield %scan3A_190 : i32
      }
      %scan3A_97 = arith.constant 625 : i32
      %dma_start3A_98 = arith.constant 0 : i32
      %dma_start3A_99 = tpu.memref_slice %arg7[%dma_start3A_98] : memref<100352xf32, #tpu.memory_space<vmem_shared>> -> memref<100352xf32, #tpu.memory_space<vmem_shared>>
      tpu.enqueue_indirect_dma source(%arg14 : memref<10000xf32, #tpu.memory_space<vmem>>) target(%dma_start3A_99 : memref<100352xf32, #tpu.memory_space<vmem_shared>>) offsets(%arg10 : memref<10000xi32, #tpu.memory_space<vmem>>) semaphore(%arg19 : memref<!tpu.dma_semaphore, #tpu.memory_space<semaphore_mem>>) {add = true}
      %dma_start3A_100 = arith.constant 0 : i32
      %dma_start3A_101 = tpu.memref_slice %arg8[%dma_start3A_100] : memref<100352xf32, #tpu.memory_space<vmem_shared>> -> memref<100352xf32, #tpu.memory_space<vmem_shared>>
      tpu.enqueue_indirect_dma source(%arg15 : memref<10000xf32, #tpu.memory_space<vmem>>) target(%dma_start3A_101 : memref<100352xf32, #tpu.memory_space<vmem_shared>>) offsets(%arg10 : memref<10000xi32, #tpu.memory_space<vmem>>) semaphore(%arg19 : memref<!tpu.dma_semaphore, #tpu.memory_space<semaphore_mem>>) {add = true}
      %add3A_102 = arith.constant 30000 : i32
      %add3A_103 = arith.addi %add3A_24, %add3A_102 : i32
      %dma_start3A_104 = tpu.memref_slice %arg3[%add3A_103] : memref<6400000xi32, #tpu.memory_space<hbm>> -> memref<10000xi32, #tpu.memory_space<hbm>>
      %dma_start3A_105 = tpu.memref_slice %arg3[%add3A_103] : memref<6400000xi32, #tpu.memory_space<hbm>> -> memref<10000xi32, #tpu.memory_space<hbm>>
      tpu.enqueue_dma source(%dma_start3A_105 : memref<10000xi32, #tpu.memory_space<hbm>>) target(%arg9 : memref<10000xi32, #tpu.memory_space<vmem>>) target_semaphore(%arg21 : memref<!tpu.dma_semaphore, #tpu.memory_space<semaphore_mem>>)
      %dma_wait3A_106 = tpu.memref_slice %arg3[%add3A_103] : memref<6400000xi32, #tpu.memory_space<hbm>> -> memref<10000xi32, #tpu.memory_space<hbm>>
      %dma_wait3A_107 = tpu.memref_slice %arg3[%add3A_103] : memref<6400000xi32, #tpu.memory_space<hbm>> -> memref<10000xi32, #tpu.memory_space<hbm>>
      tpu.wait_dma2 semaphore(%arg21 : memref<!tpu.dma_semaphore, #tpu.memory_space<semaphore_mem>>) src(%dma_wait3A_107 : memref<10000xi32, #tpu.memory_space<hbm>>) dst(%arg9 : memref<10000xi32, #tpu.memory_space<vmem>>)
      %dma_wait3A_108 = arith.constant 0 : i32
      %dma_wait3A_109 = tpu.memref_slice %arg7[%dma_wait3A_108] : memref<100352xf32, #tpu.memory_space<vmem_shared>> -> memref<100352xf32, #tpu.memory_space<vmem_shared>>
      tpu.wait_indirect_dma semaphore(%arg20 : memref<!tpu.dma_semaphore, #tpu.memory_space<semaphore_mem>>) src(%arg16 : memref<10000xf32, #tpu.memory_space<vmem>>) dst(%dma_wait3A_109 : memref<100352xf32, #tpu.memory_space<vmem_shared>>)
      %dma_wait3A_110 = arith.constant 0 : i32
      %dma_wait3A_111 = tpu.memref_slice %arg8[%dma_wait3A_110] : memref<100352xf32, #tpu.memory_space<vmem_shared>> -> memref<100352xf32, #tpu.memory_space<vmem_shared>>
      tpu.wait_indirect_dma semaphore(%arg20 : memref<!tpu.dma_semaphore, #tpu.memory_space<semaphore_mem>>) src(%arg17 : memref<10000xf32, #tpu.memory_space<vmem>>) dst(%dma_wait3A_111 : memref<100352xf32, #tpu.memory_space<vmem_shared>>)
      %dma_start3A_112 = tpu.memref_slice %arg4[%add3A_103] : memref<6400000xi32, #tpu.memory_space<hbm>> -> memref<10000xi32, #tpu.memory_space<hbm>>
      %dma_start3A_113 = tpu.memref_slice %arg4[%add3A_103] : memref<6400000xi32, #tpu.memory_space<hbm>> -> memref<10000xi32, #tpu.memory_space<hbm>>
      tpu.enqueue_dma source(%dma_start3A_113 : memref<10000xi32, #tpu.memory_space<hbm>>) target(%arg11 : memref<10000xi32, #tpu.memory_space<vmem>>) target_semaphore(%arg21 : memref<!tpu.dma_semaphore, #tpu.memory_space<semaphore_mem>>)
      %dma_wait3A_114 = tpu.memref_slice %arg4[%add3A_103] : memref<6400000xi32, #tpu.memory_space<hbm>> -> memref<10000xi32, #tpu.memory_space<hbm>>
      %dma_wait3A_115 = tpu.memref_slice %arg4[%add3A_103] : memref<6400000xi32, #tpu.memory_space<hbm>> -> memref<10000xi32, #tpu.memory_space<hbm>>
      tpu.wait_dma2 semaphore(%arg21 : memref<!tpu.dma_semaphore, #tpu.memory_space<semaphore_mem>>) src(%dma_wait3A_115 : memref<10000xi32, #tpu.memory_space<hbm>>) dst(%arg11 : memref<10000xi32, #tpu.memory_space<vmem>>)
      %dma_start3A_116 = arith.constant 0 : i32
      %dma_start3A_117 = tpu.memref_slice %arg6[%dma_start3A_116] : memref<100352xi32, #tpu.memory_space<vmem_shared>> -> memref<100352xi32, #tpu.memory_space<vmem_shared>>
      tpu.enqueue_indirect_dma source(%dma_start3A_117 : memref<100352xi32, #tpu.memory_space<vmem_shared>>) target(%arg13 : memref<10000xi32, #tpu.memory_space<vmem>>) offsets(%arg9 : memref<10000xi32, #tpu.memory_space<vmem>>) semaphore(%arg18 : memref<!tpu.dma_semaphore, #tpu.memory_space<semaphore_mem>>)
      %dma_wait3A_118 = arith.constant 0 : i32
      %dma_wait3A_119 = tpu.memref_slice %arg6[%dma_wait3A_118] : memref<100352xi32, #tpu.memory_space<vmem_shared>> -> memref<100352xi32, #tpu.memory_space<vmem_shared>>
      tpu.wait_indirect_dma semaphore(%arg18 : memref<!tpu.dma_semaphore, #tpu.memory_space<semaphore_mem>>) src(%dma_wait3A_119 : memref<100352xi32, #tpu.memory_space<vmem_shared>>) dst(%arg13 : memref<10000xi32, #tpu.memory_space<vmem>>)
      %scan3A_120 = arith.constant 0 : i32
      %scan3A_121 = arith.constant 0 : i32
      %scan3A_122 = arith.constant 625 : i32
      %scan3A_123 = arith.addi %scan3A_121, %scan3A_122 : i32
      %scan3A_124 = arith.constant 1 : i32
      %scan3A_125 = scf.for %scan3A_169 = %scan3A_121 to %scan3A_123 step %scan3A_124 iter_args(%scan3A_170 = %scan3A_120) -> (i32)  : i32 {
        %broadcast_in_dim3A = arith.constant -65536 : i32
        %broadcast_in_dim3A_171 = vector.broadcast %broadcast_in_dim3A : i32 to vector<16xi32>
        %mul3A_172 = arith.constant 16 : i32
        %mul3A_173 = arith.muli %scan3A_169, %mul3A_172 : i32
        %get3A = arith.index_cast %mul3A_173 : i32 to index
        %get3A_174 = tpu.vector_load %arg13[%get3A] {strides = array<i32>} : memref<10000xi32, #tpu.memory_space<vmem>>, vector<16xi32>,
        %get3A_175 = vector.shape_cast %get3A_174 : vector<16xi32> to vector<16xi32>
        %and3A = arith.andi %get3A_175, %broadcast_in_dim3A_171 : vector<16xi32>
        %bitcast_convert_type3A = tpu.bitcast %and3A : vector<16xi32> -> vector<16xf32>
        %mul3A_176 = arith.constant 16 : i32
        %mul3A_177 = arith.muli %scan3A_169, %mul3A_176 : i32
        %swap3A = arith.index_cast %mul3A_177 : i32 to index
        %swap3A_178 = tpu.vector_load %arg16[%swap3A] {strides = array<i32>} : memref<10000xf32, #tpu.memory_space<vmem>>, vector<16xf32>,
        %swap3A_179 = vector.shape_cast %swap3A_178 : vector<16xf32> to vector<16xf32>
        %swap3A_180 = vector.shape_cast %bitcast_convert_type3A : vector<16xf32> to vector<16xf32>
        tpu.vector_store %arg16[%swap3A], %swap3A_180 {strides = array<i32>} : memref<10000xf32, #tpu.memory_space<vmem>>, vector<16xf32>,
        %shift_left3A = arith.constant 16 : i32
        %shift_left3A_181 = vector.broadcast %shift_left3A : i32 to vector<16xi32>
        %shift_left3A_182 = arith.shli %get3A_175, %shift_left3A_181 : vector<16xi32>
        %bitcast_convert_type3A_183 = tpu.bitcast %shift_left3A_182 : vector<16xi32> -> vector<16xf32>
        %mul3A_184 = arith.constant 16 : i32
        %mul3A_185 = arith.muli %scan3A_169, %mul3A_184 : i32
        %swap3A_186 = arith.index_cast %mul3A_185 : i32 to index
        %swap3A_187 = tpu.vector_load %arg17[%swap3A_186] {strides = array<i32>} : memref<10000xf32, #tpu.memory_space<vmem>>, vector<16xf32>,
        %swap3A_188 = vector.shape_cast %swap3A_187 : vector<16xf32> to vector<16xf32>
        %swap3A_189 = vector.shape_cast %bitcast_convert_type3A_183 : vector<16xf32> to vector<16xf32>
        tpu.vector_store %arg17[%swap3A_186], %swap3A_189 {strides = array<i32>} : memref<10000xf32, #tpu.memory_space<vmem>>, vector<16xf32>,
        %scan3A_190 = arith.constant 0 : i32
        scf.yield %scan3A_190 : i32
      }
      %scan3A_126 = arith.constant 625 : i32
      %dma_start3A_127 = arith.constant 0 : i32
      %dma_start3A_128 = tpu.memref_slice %arg7[%dma_start3A_127] : memref<100352xf32, #tpu.memory_space<vmem_shared>> -> memref<100352xf32, #tpu.memory_space<vmem_shared>>
      tpu.enqueue_indirect_dma source(%arg16 : memref<10000xf32, #tpu.memory_space<vmem>>) target(%dma_start3A_128 : memref<100352xf32, #tpu.memory_space<vmem_shared>>) offsets(%arg11 : memref<10000xi32, #tpu.memory_space<vmem>>) semaphore(%arg20 : memref<!tpu.dma_semaphore, #tpu.memory_space<semaphore_mem>>) {add = true}
      %dma_start3A_129 = arith.constant 0 : i32
      %dma_start3A_130 = tpu.memref_slice %arg8[%dma_start3A_129] : memref<100352xf32, #tpu.memory_space<vmem_shared>> -> memref<100352xf32, #tpu.memory_space<vmem_shared>>
      tpu.enqueue_indirect_dma source(%arg17 : memref<10000xf32, #tpu.memory_space<vmem>>) target(%dma_start3A_130 : memref<100352xf32, #tpu.memory_space<vmem_shared>>) offsets(%arg11 : memref<10000xi32, #tpu.memory_space<vmem>>) semaphore(%arg20 : memref<!tpu.dma_semaphore, #tpu.memory_space<semaphore_mem>>) {add = true}
      %add3A_131 = arith.constant 40000 : i32
      %add3A_132 = arith.addi %add3A_24, %add3A_131 : i32
      %dma_start3A_133 = tpu.memref_slice %arg3[%add3A_132] : memref<6400000xi32, #tpu.memory_space<hbm>> -> memref<10000xi32, #tpu.memory_space<hbm>>
      %dma_start3A_134 = tpu.memref_slice %arg3[%add3A_132] : memref<6400000xi32, #tpu.memory_space<hbm>> -> memref<10000xi32, #tpu.memory_space<hbm>>
      tpu.enqueue_dma source(%dma_start3A_134 : memref<10000xi32, #tpu.memory_space<hbm>>) target(%arg9 : memref<10000xi32, #tpu.memory_space<vmem>>) target_semaphore(%arg21 : memref<!tpu.dma_semaphore, #tpu.memory_space<semaphore_mem>>)
      %dma_wait3A_135 = tpu.memref_slice %arg3[%add3A_132] : memref<6400000xi32, #tpu.memory_space<hbm>> -> memref<10000xi32, #tpu.memory_space<hbm>>
      %dma_wait3A_136 = tpu.memref_slice %arg3[%add3A_132] : memref<6400000xi32, #tpu.memory_space<hbm>> -> memref<10000xi32, #tpu.memory_space<hbm>>
      tpu.wait_dma2 semaphore(%arg21 : memref<!tpu.dma_semaphore, #tpu.memory_space<semaphore_mem>>) src(%dma_wait3A_136 : memref<10000xi32, #tpu.memory_space<hbm>>) dst(%arg9 : memref<10000xi32, #tpu.memory_space<vmem>>)
      %dma_wait3A_137 = arith.constant 0 : i32
      %dma_wait3A_138 = tpu.memref_slice %arg7[%dma_wait3A_137] : memref<100352xf32, #tpu.memory_space<vmem_shared>> -> memref<100352xf32, #tpu.memory_space<vmem_shared>>
      tpu.wait_indirect_dma semaphore(%arg19 : memref<!tpu.dma_semaphore, #tpu.memory_space<semaphore_mem>>) src(%arg14 : memref<10000xf32, #tpu.memory_space<vmem>>) dst(%dma_wait3A_138 : memref<100352xf32, #tpu.memory_space<vmem_shared>>)
      %dma_wait3A_139 = arith.constant 0 : i32
      %dma_wait3A_140 = tpu.memref_slice %arg8[%dma_wait3A_139] : memref<100352xf32, #tpu.memory_space<vmem_shared>> -> memref<100352xf32, #tpu.memory_space<vmem_shared>>
      tpu.wait_indirect_dma semaphore(%arg19 : memref<!tpu.dma_semaphore, #tpu.memory_space<semaphore_mem>>) src(%arg15 : memref<10000xf32, #tpu.memory_space<vmem>>) dst(%dma_wait3A_140 : memref<100352xf32, #tpu.memory_space<vmem_shared>>)
      %dma_start3A_141 = tpu.memref_slice %arg4[%add3A_132] : memref<6400000xi32, #tpu.memory_space<hbm>> -> memref<10000xi32, #tpu.memory_space<hbm>>
      %dma_start3A_142 = tpu.memref_slice %arg4[%add3A_132] : memref<6400000xi32, #tpu.memory_space<hbm>> -> memref<10000xi32, #tpu.memory_space<hbm>>
      tpu.enqueue_dma source(%dma_start3A_142 : memref<10000xi32, #tpu.memory_space<hbm>>) target(%arg10 : memref<10000xi32, #tpu.memory_space<vmem>>) target_semaphore(%arg21 : memref<!tpu.dma_semaphore, #tpu.memory_space<semaphore_mem>>)
      %dma_wait3A_143 = tpu.memref_slice %arg4[%add3A_132] : memref<6400000xi32, #tpu.memory_space<hbm>> -> memref<10000xi32, #tpu.memory_space<hbm>>
      %dma_wait3A_144 = tpu.memref_slice %arg4[%add3A_132] : memref<6400000xi32, #tpu.memory_space<hbm>> -> memref<10000xi32, #tpu.memory_space<hbm>>
      tpu.wait_dma2 semaphore(%arg21 : memref<!tpu.dma_semaphore, #tpu.memory_space<semaphore_mem>>) src(%dma_wait3A_144 : memref<10000xi32, #tpu.memory_space<hbm>>) dst(%arg10 : memref<10000xi32, #tpu.memory_space<vmem>>)
      %dma_start3A_145 = arith.constant 0 : i32
      %dma_start3A_146 = tpu.memref_slice %arg6[%dma_start3A_145] : memref<100352xi32, #tpu.memory_space<vmem_shared>> -> memref<100352xi32, #tpu.memory_space<vmem_shared>>
      tpu.enqueue_indirect_dma source(%dma_start3A_146 : memref<100352xi32, #tpu.memory_space<vmem_shared>>) target(%arg12 : memref<10000xi32, #tpu.memory_space<vmem>>) offsets(%arg9 : memref<10000xi32, #tpu.memory_space<vmem>>) semaphore(%arg18 : memref<!tpu.dma_semaphore, #tpu.memory_space<semaphore_mem>>)
      %dma_wait3A_147 = arith.constant 0 : i32
      %dma_wait3A_148 = tpu.memref_slice %arg6[%dma_wait3A_147] : memref<100352xi32, #tpu.memory_space<vmem_shared>> -> memref<100352xi32, #tpu.memory_space<vmem_shared>>
      tpu.wait_indirect_dma semaphore(%arg18 : memref<!tpu.dma_semaphore, #tpu.memory_space<semaphore_mem>>) src(%dma_wait3A_148 : memref<100352xi32, #tpu.memory_space<vmem_shared>>) dst(%arg12 : memref<10000xi32, #tpu.memory_space<vmem>>)
      %scan3A_149 = arith.constant 0 : i32
      %scan3A_150 = arith.constant 0 : i32
      %scan3A_151 = arith.constant 625 : i32
      %scan3A_152 = arith.addi %scan3A_150, %scan3A_151 : i32
      %scan3A_153 = arith.constant 1 : i32
      %scan3A_154 = scf.for %scan3A_169 = %scan3A_150 to %scan3A_152 step %scan3A_153 iter_args(%scan3A_170 = %scan3A_149) -> (i32)  : i32 {
        %broadcast_in_dim3A = arith.constant -65536 : i32
        %broadcast_in_dim3A_171 = vector.broadcast %broadcast_in_dim3A : i32 to vector<16xi32>
        %mul3A_172 = arith.constant 16 : i32
        %mul3A_173 = arith.muli %scan3A_169, %mul3A_172 : i32
        %get3A = arith.index_cast %mul3A_173 : i32 to index
        %get3A_174 = tpu.vector_load %arg12[%get3A] {strides = array<i32>} : memref<10000xi32, #tpu.memory_space<vmem>>, vector<16xi32>,
        %get3A_175 = vector.shape_cast %get3A_174 : vector<16xi32> to vector<16xi32>
        %and3A = arith.andi %get3A_175, %broadcast_in_dim3A_171 : vector<16xi32>
        %bitcast_convert_type3A = tpu.bitcast %and3A : vector<16xi32> -> vector<16xf32>
        %mul3A_176 = arith.constant 16 : i32
        %mul3A_177 = arith.muli %scan3A_169, %mul3A_176 : i32
        %swap3A = arith.index_cast %mul3A_177 : i32 to index
        %swap3A_178 = tpu.vector_load %arg14[%swap3A] {strides = array<i32>} : memref<10000xf32, #tpu.memory_space<vmem>>, vector<16xf32>,
        %swap3A_179 = vector.shape_cast %swap3A_178 : vector<16xf32> to vector<16xf32>
        %swap3A_180 = vector.shape_cast %bitcast_convert_type3A : vector<16xf32> to vector<16xf32>
        tpu.vector_store %arg14[%swap3A], %swap3A_180 {strides = array<i32>} : memref<10000xf32, #tpu.memory_space<vmem>>, vector<16xf32>,
        %shift_left3A = arith.constant 16 : i32
        %shift_left3A_181 = vector.broadcast %shift_left3A : i32 to vector<16xi32>
        %shift_left3A_182 = arith.shli %get3A_175, %shift_left3A_181 : vector<16xi32>
        %bitcast_convert_type3A_183 = tpu.bitcast %shift_left3A_182 : vector<16xi32> -> vector<16xf32>
        %mul3A_184 = arith.constant 16 : i32
        %mul3A_185 = arith.muli %scan3A_169, %mul3A_184 : i32
        %swap3A_186 = arith.index_cast %mul3A_185 : i32 to index
        %swap3A_187 = tpu.vector_load %arg15[%swap3A_186] {strides = array<i32>} : memref<10000xf32, #tpu.memory_space<vmem>>, vector<16xf32>,
        %swap3A_188 = vector.shape_cast %swap3A_187 : vector<16xf32> to vector<16xf32>
        %swap3A_189 = vector.shape_cast %bitcast_convert_type3A_183 : vector<16xf32> to vector<16xf32>
        tpu.vector_store %arg15[%swap3A_186], %swap3A_189 {strides = array<i32>} : memref<10000xf32, #tpu.memory_space<vmem>>, vector<16xf32>,
        %scan3A_190 = arith.constant 0 : i32
        scf.yield %scan3A_190 : i32
      }
      %scan3A_155 = arith.constant 625 : i32
      %dma_start3A_156 = arith.constant 0 : i32
      %dma_start3A_157 = tpu.memref_slice %arg7[%dma_start3A_156] : memref<100352xf32, #tpu.memory_space<vmem_shared>> -> memref<100352xf32, #tpu.memory_space<vmem_shared>>
      tpu.enqueue_indirect_dma source(%arg14 : memref<10000xf32, #tpu.memory_space<vmem>>) target(%dma_start3A_157 : memref<100352xf32, #tpu.memory_space<vmem_shared>>) offsets(%arg10 : memref<10000xi32, #tpu.memory_space<vmem>>) semaphore(%arg19 : memref<!tpu.dma_semaphore, #tpu.memory_space<semaphore_mem>>) {add = true}
      %dma_start3A_158 = arith.constant 0 : i32
      %dma_start3A_159 = tpu.memref_slice %arg8[%dma_start3A_158] : memref<100352xf32, #tpu.memory_space<vmem_shared>> -> memref<100352xf32, #tpu.memory_space<vmem_shared>>
      tpu.enqueue_indirect_dma source(%arg15 : memref<10000xf32, #tpu.memory_space<vmem>>) target(%dma_start3A_159 : memref<100352xf32, #tpu.memory_space<vmem_shared>>) offsets(%arg10 : memref<10000xi32, #tpu.memory_space<vmem>>) semaphore(%arg19 : memref<!tpu.dma_semaphore, #tpu.memory_space<semaphore_mem>>) {add = true}
      %dma_wait3A_160 = arith.constant 0 : i32
      %dma_wait3A_161 = tpu.memref_slice %arg7[%dma_wait3A_160] : memref<100352xf32, #tpu.memory_space<vmem_shared>> -> memref<100352xf32, #tpu.memory_space<vmem_shared>>
      tpu.wait_indirect_dma semaphore(%arg20 : memref<!tpu.dma_semaphore, #tpu.memory_space<semaphore_mem>>) src(%arg16 : memref<10000xf32, #tpu.memory_space<vmem>>) dst(%dma_wait3A_161 : memref<100352xf32, #tpu.memory_space<vmem_shared>>)
      %dma_wait3A_162 = arith.constant 0 : i32
      %dma_wait3A_163 = tpu.memref_slice %arg8[%dma_wait3A_162] : memref<100352xf32, #tpu.memory_space<vmem_shared>> -> memref<100352xf32, #tpu.memory_space<vmem_shared>>
      tpu.wait_indirect_dma semaphore(%arg20 : memref<!tpu.dma_semaphore, #tpu.memory_space<semaphore_mem>>) src(%arg17 : memref<10000xf32, #tpu.memory_space<vmem>>) dst(%dma_wait3A_163 : memref<100352xf32, #tpu.memory_space<vmem_shared>>)
      %dma_wait3A_164 = arith.constant 0 : i32
      %dma_wait3A_165 = tpu.memref_slice %arg7[%dma_wait3A_164] : memref<100352xf32, #tpu.memory_space<vmem_shared>> -> memref<100352xf32, #tpu.memory_space<vmem_shared>>
      tpu.wait_indirect_dma semaphore(%arg19 : memref<!tpu.dma_semaphore, #tpu.memory_space<semaphore_mem>>) src(%arg14 : memref<10000xf32, #tpu.memory_space<vmem>>) dst(%dma_wait3A_165 : memref<100352xf32, #tpu.memory_space<vmem_shared>>)
      %dma_wait3A_166 = arith.constant 0 : i32
      %dma_wait3A_167 = tpu.memref_slice %arg8[%dma_wait3A_166] : memref<100352xf32, #tpu.memory_space<vmem_shared>> -> memref<100352xf32, #tpu.memory_space<vmem_shared>>
      tpu.wait_indirect_dma semaphore(%arg19 : memref<!tpu.dma_semaphore, #tpu.memory_space<semaphore_mem>>) src(%arg15 : memref<10000xf32, #tpu.memory_space<vmem>>) dst(%dma_wait3A_167 : memref<100352xf32, #tpu.memory_space<vmem_shared>>)
      %scan3A_168 = arith.constant 0 : i32
      scf.yield %scan3A_168 : i32
    }
    %scan3A_15 = arith.constant 4 : i32
    %barrier3A_16 = arith.constant 0 : index
    tpu.barrier barrier_id(%barrier3A_16)
    %run_scoped3A = arith.constant 0 : i32
    "tpu.region"() ({
      %run_scoped3A_18 = tpu.sem_alloc : memref<!tpu.dma_semaphore, #tpu.memory_space<semaphore_mem>>
      %dma_start3A = tpu.memref_slice %arg5[%arg0, %run_scoped3A, %mul3A_2] : memref<2x2x100352xf32, #tpu.memory_space<hbm>> -> memref<1x1x6272xf32, #tpu.memory_space<hbm>>
      %dma_start3A_19 = tpu.memref_squeeze %dma_start3A : memref<1x1x6272xf32, #tpu.memory_space<hbm>> -> memref<6272xf32, #tpu.memory_space<hbm>>
      %dma_start3A_20 = tpu.memref_slice %arg7[%mul3A_2] : memref<100352xf32, #tpu.memory_space<vmem_shared>> -> memref<6272xf32, #tpu.memory_space<vmem_shared>>
      tpu.enqueue_dma source(%dma_start3A_20 : memref<6272xf32, #tpu.memory_space<vmem_shared>>) target(%dma_start3A_19 : memref<6272xf32, #tpu.memory_space<hbm>>) target_semaphore(%run_scoped3A_18 : memref<!tpu.dma_semaphore, #tpu.memory_space<semaphore_mem>>)
      %dma_wait3A = tpu.memref_slice %arg5[%arg0, %run_scoped3A, %mul3A_2] : memref<2x2x100352xf32, #tpu.memory_space<hbm>> -> memref<1x1x6272xf32, #tpu.memory_space<hbm>>
      %dma_wait3A_21 = tpu.memref_squeeze %dma_wait3A : memref<1x1x6272xf32, #tpu.memory_space<hbm>> -> memref<6272xf32, #tpu.memory_space<hbm>>
      %dma_wait3A_22 = tpu.memref_slice %arg7[%mul3A_2] : memref<100352xf32, #tpu.memory_space<vmem_shared>> -> memref<6272xf32, #tpu.memory_space<vmem_shared>>
      tpu.wait_dma2 semaphore(%run_scoped3A_18 : memref<!tpu.dma_semaphore, #tpu.memory_space<semaphore_mem>>) src(%dma_wait3A_22 : memref<6272xf32, #tpu.memory_space<vmem_shared>>) dst(%dma_wait3A_21 : memref<6272xf32, #tpu.memory_space<hbm>>)
      tpu.yield
    }) : () -> ()
    %run_scoped3A_17 = arith.constant 1 : i32
    "tpu.region"() ({
      %run_scoped3A_18 = tpu.sem_alloc : memref<!tpu.dma_semaphore, #tpu.memory_space<semaphore_mem>>
      %dma_start3A = tpu.memref_slice %arg5[%arg0, %run_scoped3A_17, %mul3A_2] : memref<2x2x100352xf32, #tpu.memory_space<hbm>> -> memref<1x1x6272xf32, #tpu.memory_space<hbm>>
      %dma_start3A_19 = tpu.memref_squeeze %dma_start3A : memref<1x1x6272xf32, #tpu.memory_space<hbm>> -> memref<6272xf32, #tpu.memory_space<hbm>>
      %dma_start3A_20 = tpu.memref_slice %arg8[%mul3A_2] : memref<100352xf32, #tpu.memory_space<vmem_shared>> -> memref<6272xf32, #tpu.memory_space<vmem_shared>>
      tpu.enqueue_dma source(%dma_start3A_20 : memref<6272xf32, #tpu.memory_space<vmem_shared>>) target(%dma_start3A_19 : memref<6272xf32, #tpu.memory_space<hbm>>) target_semaphore(%run_scoped3A_18 : memref<!tpu.dma_semaphore, #tpu.memory_space<semaphore_mem>>)
      %dma_wait3A = tpu.memref_slice %arg5[%arg0, %run_scoped3A_17, %mul3A_2] : memref<2x2x100352xf32, #tpu.memory_space<hbm>> -> memref<1x1x6272xf32, #tpu.memory_space<hbm>>
      %dma_wait3A_21 = tpu.memref_squeeze %dma_wait3A : memref<1x1x6272xf32, #tpu.memory_space<hbm>> -> memref<6272xf32, #tpu.memory_space<hbm>>
      %dma_wait3A_22 = tpu.memref_slice %arg8[%mul3A_2] : memref<100352xf32, #tpu.memory_space<vmem_shared>> -> memref<6272xf32, #tpu.memory_space<vmem_shared>>
      tpu.wait_dma2 semaphore(%run_scoped3A_18 : memref<!tpu.dma_semaphore, #tpu.memory_space<semaphore_mem>>) src(%dma_wait3A_22 : memref<6272xf32, #tpu.memory_space<vmem_shared>>) dst(%dma_wait3A_21 : memref<6272xf32, #tpu.memory_space<hbm>>)
      tpu.yield
    }) : () -> ()
    return
  }
}

#map = affine_map<(d0, d1) -> (0)>
#map1 = affine_map<(d0, d1) -> (0, 0)>
module attributes {stable_mosaic.version = 14 : i64} {
  func.func @k(%arg0: i32, %arg1: i32, %arg2: memref<6400000xi32, #tpu.memory_space<hbm>>, %arg3: memref<2x100352xf32, #tpu.memory_space<hbm>>, %arg4: memref<100352xf32, #tpu.memory_space<vmem_shared>>, %arg5: memref<20000xi32, #tpu.memory_space<vmem>>, %arg6: memref<20000xi32, #tpu.memory_space<vmem>>, %arg7: memref<20000xf32, #tpu.memory_space<vmem>>, %arg8: memref<!tpu.dma_semaphore, #tpu.memory_space<semaphore_mem>>, %arg9: memref<!tpu.dma_semaphore, #tpu.memory_space<semaphore_mem>>, %arg10: memref<!tpu.dma_semaphore, #tpu.memory_space<semaphore_mem>>) attributes {dimension_semantics = [#tpu.dimension_semantics<core_parallel>, #tpu.dimension_semantics<subcore_parallel>], iteration_bounds = array<i64: 2, 16>, scalar_prefetch = 0 : i64, scratch_operands = 7 : i64, tpu.core_type = #tpu.core_type<sc_vector_subcore>, window_params = [{transform_indices = #map}, {transform_indices = #map1}]} {
    %mul3A = arith.constant 16 : i32
    %mul3A_0 = arith.muli %arg0, %mul3A : i32
    %add3A = arith.addi %mul3A_0, %arg1 : i32
    %scan3A = arith.constant 0 : i32
    %scan3A_1 = arith.constant 0 : i32
    %scan3A_2 = arith.constant 392 : i32
    %scan3A_3 = arith.addi %scan3A_1, %scan3A_2 : i32
    %scan3A_4 = arith.constant 1 : i32
    %scan3A_5 = scf.for %scan3A_139 = %scan3A_1 to %scan3A_3 step %scan3A_4 iter_args(%scan3A_140 = %scan3A) -> (i32)  : i32 {
      %broadcast_in_dim3A = arith.constant 0.000000e+00 : f32
      %broadcast_in_dim3A_141 = vector.broadcast %broadcast_in_dim3A : f32 to vector<16xf32>
      %mul3A_142 = arith.constant 16 : i32
      %mul3A_143 = arith.muli %scan3A_139, %mul3A_142 : i32
      %swap3A = arith.index_cast %mul3A_143 : i32 to index
      %swap3A_144 = tpu.vector_load %arg7[%swap3A] {strides = array<i32>} : memref<20000xf32, #tpu.memory_space<vmem>>, vector<16xf32>,
      %swap3A_145 = vector.shape_cast %swap3A_144 : vector<16xf32> to vector<16xf32>
      %swap3A_146 = vector.shape_cast %broadcast_in_dim3A_141 : vector<16xf32> to vector<16xf32>
      tpu.vector_store %arg7[%swap3A], %swap3A_146 {strides = array<i32>} : memref<20000xf32, #tpu.memory_space<vmem>>, vector<16xf32>,
      %scan3A_147 = arith.constant 0 : i32
      scf.yield %scan3A_147 : i32
    }
    %scan3A_6 = arith.constant 392 : i32
    %mul3A_7 = arith.constant 6272 : i32
    %mul3A_8 = arith.muli %arg1, %mul3A_7 : i32
    "tpu.region"() ({
      %run_scoped3A = tpu.sem_alloc : memref<!tpu.dma_semaphore, #tpu.memory_space<semaphore_mem>>
      %dma_start3A_139 = arith.constant 0 : i32
      %dma_start3A_140 = tpu.memref_slice %arg7[%dma_start3A_139] : memref<20000xf32, #tpu.memory_space<vmem>> -> memref<6272xf32, #tpu.memory_space<vmem>>
      %dma_start3A_141 = tpu.memref_slice %arg4[%mul3A_8] : memref<100352xf32, #tpu.memory_space<vmem_shared>> -> memref<6272xf32, #tpu.memory_space<vmem_shared>>
      %dma_start3A_142 = tpu.memref_slice %arg4[%mul3A_8] : memref<100352xf32, #tpu.memory_space<vmem_shared>> -> memref<6272xf32, #tpu.memory_space<vmem_shared>>
      %dma_start3A_143 = arith.constant 0 : i32
      %dma_start3A_144 = tpu.memref_slice %arg7[%dma_start3A_143] : memref<20000xf32, #tpu.memory_space<vmem>> -> memref<6272xf32, #tpu.memory_space<vmem>>
      tpu.enqueue_dma source(%dma_start3A_144 : memref<6272xf32, #tpu.memory_space<vmem>>) target(%dma_start3A_142 : memref<6272xf32, #tpu.memory_space<vmem_shared>>) target_semaphore(%run_scoped3A : memref<!tpu.dma_semaphore, #tpu.memory_space<semaphore_mem>>)
      %dma_wait3A_145 = arith.constant 0 : i32
      %dma_wait3A_146 = tpu.memref_slice %arg7[%dma_wait3A_145] : memref<20000xf32, #tpu.memory_space<vmem>> -> memref<6272xf32, #tpu.memory_space<vmem>>
      %dma_wait3A_147 = tpu.memref_slice %arg4[%mul3A_8] : memref<100352xf32, #tpu.memory_space<vmem_shared>> -> memref<6272xf32, #tpu.memory_space<vmem_shared>>
      %dma_wait3A_148 = tpu.memref_slice %arg4[%mul3A_8] : memref<100352xf32, #tpu.memory_space<vmem_shared>> -> memref<6272xf32, #tpu.memory_space<vmem_shared>>
      %dma_wait3A_149 = arith.constant 0 : i32
      %dma_wait3A_150 = tpu.memref_slice %arg7[%dma_wait3A_149] : memref<20000xf32, #tpu.memory_space<vmem>> -> memref<6272xf32, #tpu.memory_space<vmem>>
      tpu.wait_dma2 semaphore(%run_scoped3A : memref<!tpu.dma_semaphore, #tpu.memory_space<semaphore_mem>>) src(%dma_wait3A_150 : memref<6272xf32, #tpu.memory_space<vmem>>) dst(%dma_wait3A_148 : memref<6272xf32, #tpu.memory_space<vmem_shared>>)
      tpu.yield
    }) : () -> ()
    %scan3A_9 = arith.constant 0 : i32
    %scan3A_10 = arith.constant 0 : i32
    %scan3A_11 = arith.constant 1250 : i32
    %scan3A_12 = arith.addi %scan3A_10, %scan3A_11 : i32
    %scan3A_13 = arith.constant 1 : i32
    %scan3A_14 = scf.for %scan3A_139 = %scan3A_10 to %scan3A_12 step %scan3A_13 iter_args(%scan3A_140 = %scan3A_9) -> (i32)  : i32 {
      %broadcast_in_dim3A = arith.constant 1.000000e+00 : f32
      %broadcast_in_dim3A_141 = vector.broadcast %broadcast_in_dim3A : f32 to vector<16xf32>
      %mul3A_142 = arith.constant 16 : i32
      %mul3A_143 = arith.muli %scan3A_139, %mul3A_142 : i32
      %swap3A = arith.index_cast %mul3A_143 : i32 to index
      %swap3A_144 = tpu.vector_load %arg7[%swap3A] {strides = array<i32>} : memref<20000xf32, #tpu.memory_space<vmem>>, vector<16xf32>,
      %swap3A_145 = vector.shape_cast %swap3A_144 : vector<16xf32> to vector<16xf32>
      %swap3A_146 = vector.shape_cast %broadcast_in_dim3A_141 : vector<16xf32> to vector<16xf32>
      tpu.vector_store %arg7[%swap3A], %swap3A_146 {strides = array<i32>} : memref<20000xf32, #tpu.memory_space<vmem>>, vector<16xf32>,
      %scan3A_147 = arith.constant 0 : i32
      scf.yield %scan3A_147 : i32
    }
    %scan3A_15 = arith.constant 1250 : i32
    %barrier3A = arith.constant 0 : index
    tpu.barrier barrier_id(%barrier3A)
    %mul3A_16 = arith.constant 200000 : i32
    %mul3A_17 = arith.muli %add3A, %mul3A_16 : i32
    %add3A_18 = arith.constant 0 : i32
    %add3A_19 = arith.addi %mul3A_17, %add3A_18 : i32
    %dma_start3A = tpu.memref_slice %arg2[%add3A_19] : memref<6400000xi32, #tpu.memory_space<hbm>> -> memref<20000xi32, #tpu.memory_space<hbm>>
    %dma_start3A_20 = tpu.memref_slice %arg2[%add3A_19] : memref<6400000xi32, #tpu.memory_space<hbm>> -> memref<20000xi32, #tpu.memory_space<hbm>>
    tpu.enqueue_dma source(%dma_start3A_20 : memref<20000xi32, #tpu.memory_space<hbm>>) target(%arg5 : memref<20000xi32, #tpu.memory_space<vmem>>) target_semaphore(%arg10 : memref<!tpu.dma_semaphore, #tpu.memory_space<semaphore_mem>>)
    %dma_wait3A = tpu.memref_slice %arg2[%add3A_19] : memref<6400000xi32, #tpu.memory_space<hbm>> -> memref<20000xi32, #tpu.memory_space<hbm>>
    %dma_wait3A_21 = tpu.memref_slice %arg2[%add3A_19] : memref<6400000xi32, #tpu.memory_space<hbm>> -> memref<20000xi32, #tpu.memory_space<hbm>>
    tpu.wait_dma2 semaphore(%arg10 : memref<!tpu.dma_semaphore, #tpu.memory_space<semaphore_mem>>) src(%dma_wait3A_21 : memref<20000xi32, #tpu.memory_space<hbm>>) dst(%arg5 : memref<20000xi32, #tpu.memory_space<vmem>>)
    %dma_start3A_22 = arith.constant 0 : i32
    %dma_start3A_23 = tpu.memref_slice %arg4[%dma_start3A_22] : memref<100352xf32, #tpu.memory_space<vmem_shared>> -> memref<100352xf32, #tpu.memory_space<vmem_shared>>
    tpu.enqueue_indirect_dma source(%arg7 : memref<20000xf32, #tpu.memory_space<vmem>>) target(%dma_start3A_23 : memref<100352xf32, #tpu.memory_space<vmem_shared>>) offsets(%arg5 : memref<20000xi32, #tpu.memory_space<vmem>>) semaphore(%arg8 : memref<!tpu.dma_semaphore, #tpu.memory_space<semaphore_mem>>) {add = true}
    %mul3A_24 = arith.constant 200000 : i32
    %mul3A_25 = arith.muli %add3A, %mul3A_24 : i32
    %add3A_26 = arith.constant 20000 : i32
    %add3A_27 = arith.addi %mul3A_25, %add3A_26 : i32
    %dma_start3A_28 = tpu.memref_slice %arg2[%add3A_27] : memref<6400000xi32, #tpu.memory_space<hbm>> -> memref<20000xi32, #tpu.memory_space<hbm>>
    %dma_start3A_29 = tpu.memref_slice %arg2[%add3A_27] : memref<6400000xi32, #tpu.memory_space<hbm>> -> memref<20000xi32, #tpu.memory_space<hbm>>
    tpu.enqueue_dma source(%dma_start3A_29 : memref<20000xi32, #tpu.memory_space<hbm>>) target(%arg6 : memref<20000xi32, #tpu.memory_space<vmem>>) target_semaphore(%arg10 : memref<!tpu.dma_semaphore, #tpu.memory_space<semaphore_mem>>)
    %dma_wait3A_30 = tpu.memref_slice %arg2[%add3A_27] : memref<6400000xi32, #tpu.memory_space<hbm>> -> memref<20000xi32, #tpu.memory_space<hbm>>
    %dma_wait3A_31 = tpu.memref_slice %arg2[%add3A_27] : memref<6400000xi32, #tpu.memory_space<hbm>> -> memref<20000xi32, #tpu.memory_space<hbm>>
    tpu.wait_dma2 semaphore(%arg10 : memref<!tpu.dma_semaphore, #tpu.memory_space<semaphore_mem>>) src(%dma_wait3A_31 : memref<20000xi32, #tpu.memory_space<hbm>>) dst(%arg6 : memref<20000xi32, #tpu.memory_space<vmem>>)
    %dma_start3A_32 = arith.constant 0 : i32
    %dma_start3A_33 = tpu.memref_slice %arg4[%dma_start3A_32] : memref<100352xf32, #tpu.memory_space<vmem_shared>> -> memref<100352xf32, #tpu.memory_space<vmem_shared>>
    tpu.enqueue_indirect_dma source(%arg7 : memref<20000xf32, #tpu.memory_space<vmem>>) target(%dma_start3A_33 : memref<100352xf32, #tpu.memory_space<vmem_shared>>) offsets(%arg6 : memref<20000xi32, #tpu.memory_space<vmem>>) semaphore(%arg9 : memref<!tpu.dma_semaphore, #tpu.memory_space<semaphore_mem>>) {add = true}
    %dma_wait3A_34 = arith.constant 0 : i32
    %dma_wait3A_35 = tpu.memref_slice %arg4[%dma_wait3A_34] : memref<100352xf32, #tpu.memory_space<vmem_shared>> -> memref<100352xf32, #tpu.memory_space<vmem_shared>>
    tpu.wait_indirect_dma semaphore(%arg8 : memref<!tpu.dma_semaphore, #tpu.memory_space<semaphore_mem>>) src(%arg7 : memref<20000xf32, #tpu.memory_space<vmem>>) dst(%dma_wait3A_35 : memref<100352xf32, #tpu.memory_space<vmem_shared>>)
    %mul3A_36 = arith.constant 200000 : i32
    %mul3A_37 = arith.muli %add3A, %mul3A_36 : i32
    %add3A_38 = arith.constant 40000 : i32
    %add3A_39 = arith.addi %mul3A_37, %add3A_38 : i32
    %dma_start3A_40 = tpu.memref_slice %arg2[%add3A_39] : memref<6400000xi32, #tpu.memory_space<hbm>> -> memref<20000xi32, #tpu.memory_space<hbm>>
    %dma_start3A_41 = tpu.memref_slice %arg2[%add3A_39] : memref<6400000xi32, #tpu.memory_space<hbm>> -> memref<20000xi32, #tpu.memory_space<hbm>>
    tpu.enqueue_dma source(%dma_start3A_41 : memref<20000xi32, #tpu.memory_space<hbm>>) target(%arg5 : memref<20000xi32, #tpu.memory_space<vmem>>) target_semaphore(%arg10 : memref<!tpu.dma_semaphore, #tpu.memory_space<semaphore_mem>>)
    %dma_wait3A_42 = tpu.memref_slice %arg2[%add3A_39] : memref<6400000xi32, #tpu.memory_space<hbm>> -> memref<20000xi32, #tpu.memory_space<hbm>>
    %dma_wait3A_43 = tpu.memref_slice %arg2[%add3A_39] : memref<6400000xi32, #tpu.memory_space<hbm>> -> memref<20000xi32, #tpu.memory_space<hbm>>
    tpu.wait_dma2 semaphore(%arg10 : memref<!tpu.dma_semaphore, #tpu.memory_space<semaphore_mem>>) src(%dma_wait3A_43 : memref<20000xi32, #tpu.memory_space<hbm>>) dst(%arg5 : memref<20000xi32, #tpu.memory_space<vmem>>)
    %dma_start3A_44 = arith.constant 0 : i32
    %dma_start3A_45 = tpu.memref_slice %arg4[%dma_start3A_44] : memref<100352xf32, #tpu.memory_space<vmem_shared>> -> memref<100352xf32, #tpu.memory_space<vmem_shared>>
    tpu.enqueue_indirect_dma source(%arg7 : memref<20000xf32, #tpu.memory_space<vmem>>) target(%dma_start3A_45 : memref<100352xf32, #tpu.memory_space<vmem_shared>>) offsets(%arg5 : memref<20000xi32, #tpu.memory_space<vmem>>) semaphore(%arg8 : memref<!tpu.dma_semaphore, #tpu.memory_space<semaphore_mem>>) {add = true}
    %dma_wait3A_46 = arith.constant 0 : i32
    %dma_wait3A_47 = tpu.memref_slice %arg4[%dma_wait3A_46] : memref<100352xf32, #tpu.memory_space<vmem_shared>> -> memref<100352xf32, #tpu.memory_space<vmem_shared>>
    tpu.wait_indirect_dma semaphore(%arg9 : memref<!tpu.dma_semaphore, #tpu.memory_space<semaphore_mem>>) src(%arg7 : memref<20000xf32, #tpu.memory_space<vmem>>) dst(%dma_wait3A_47 : memref<100352xf32, #tpu.memory_space<vmem_shared>>)
    %mul3A_48 = arith.constant 200000 : i32
    %mul3A_49 = arith.muli %add3A, %mul3A_48 : i32
    %add3A_50 = arith.constant 60000 : i32
    %add3A_51 = arith.addi %mul3A_49, %add3A_50 : i32
    %dma_start3A_52 = tpu.memref_slice %arg2[%add3A_51] : memref<6400000xi32, #tpu.memory_space<hbm>> -> memref<20000xi32, #tpu.memory_space<hbm>>
    %dma_start3A_53 = tpu.memref_slice %arg2[%add3A_51] : memref<6400000xi32, #tpu.memory_space<hbm>> -> memref<20000xi32, #tpu.memory_space<hbm>>
    tpu.enqueue_dma source(%dma_start3A_53 : memref<20000xi32, #tpu.memory_space<hbm>>) target(%arg6 : memref<20000xi32, #tpu.memory_space<vmem>>) target_semaphore(%arg10 : memref<!tpu.dma_semaphore, #tpu.memory_space<semaphore_mem>>)
    %dma_wait3A_54 = tpu.memref_slice %arg2[%add3A_51] : memref<6400000xi32, #tpu.memory_space<hbm>> -> memref<20000xi32, #tpu.memory_space<hbm>>
    %dma_wait3A_55 = tpu.memref_slice %arg2[%add3A_51] : memref<6400000xi32, #tpu.memory_space<hbm>> -> memref<20000xi32, #tpu.memory_space<hbm>>
    tpu.wait_dma2 semaphore(%arg10 : memref<!tpu.dma_semaphore, #tpu.memory_space<semaphore_mem>>) src(%dma_wait3A_55 : memref<20000xi32, #tpu.memory_space<hbm>>) dst(%arg6 : memref<20000xi32, #tpu.memory_space<vmem>>)
    %dma_start3A_56 = arith.constant 0 : i32
    %dma_start3A_57 = tpu.memref_slice %arg4[%dma_start3A_56] : memref<100352xf32, #tpu.memory_space<vmem_shared>> -> memref<100352xf32, #tpu.memory_space<vmem_shared>>
    tpu.enqueue_indirect_dma source(%arg7 : memref<20000xf32, #tpu.memory_space<vmem>>) target(%dma_start3A_57 : memref<100352xf32, #tpu.memory_space<vmem_shared>>) offsets(%arg6 : memref<20000xi32, #tpu.memory_space<vmem>>) semaphore(%arg9 : memref<!tpu.dma_semaphore, #tpu.memory_space<semaphore_mem>>) {add = true}
    %dma_wait3A_58 = arith.constant 0 : i32
    %dma_wait3A_59 = tpu.memref_slice %arg4[%dma_wait3A_58] : memref<100352xf32, #tpu.memory_space<vmem_shared>> -> memref<100352xf32, #tpu.memory_space<vmem_shared>>
    tpu.wait_indirect_dma semaphore(%arg8 : memref<!tpu.dma_semaphore, #tpu.memory_space<semaphore_mem>>) src(%arg7 : memref<20000xf32, #tpu.memory_space<vmem>>) dst(%dma_wait3A_59 : memref<100352xf32, #tpu.memory_space<vmem_shared>>)
    %mul3A_60 = arith.constant 200000 : i32
    %mul3A_61 = arith.muli %add3A, %mul3A_60 : i32
    %add3A_62 = arith.constant 80000 : i32
    %add3A_63 = arith.addi %mul3A_61, %add3A_62 : i32
    %dma_start3A_64 = tpu.memref_slice %arg2[%add3A_63] : memref<6400000xi32, #tpu.memory_space<hbm>> -> memref<20000xi32, #tpu.memory_space<hbm>>
    %dma_start3A_65 = tpu.memref_slice %arg2[%add3A_63] : memref<6400000xi32, #tpu.memory_space<hbm>> -> memref<20000xi32, #tpu.memory_space<hbm>>
    tpu.enqueue_dma source(%dma_start3A_65 : memref<20000xi32, #tpu.memory_space<hbm>>) target(%arg5 : memref<20000xi32, #tpu.memory_space<vmem>>) target_semaphore(%arg10 : memref<!tpu.dma_semaphore, #tpu.memory_space<semaphore_mem>>)
    %dma_wait3A_66 = tpu.memref_slice %arg2[%add3A_63] : memref<6400000xi32, #tpu.memory_space<hbm>> -> memref<20000xi32, #tpu.memory_space<hbm>>
    %dma_wait3A_67 = tpu.memref_slice %arg2[%add3A_63] : memref<6400000xi32, #tpu.memory_space<hbm>> -> memref<20000xi32, #tpu.memory_space<hbm>>
    tpu.wait_dma2 semaphore(%arg10 : memref<!tpu.dma_semaphore, #tpu.memory_space<semaphore_mem>>) src(%dma_wait3A_67 : memref<20000xi32, #tpu.memory_space<hbm>>) dst(%arg5 : memref<20000xi32, #tpu.memory_space<vmem>>)
    %dma_start3A_68 = arith.constant 0 : i32
    %dma_start3A_69 = tpu.memref_slice %arg4[%dma_start3A_68] : memref<100352xf32, #tpu.memory_space<vmem_shared>> -> memref<100352xf32, #tpu.memory_space<vmem_shared>>
    tpu.enqueue_indirect_dma source(%arg7 : memref<20000xf32, #tpu.memory_space<vmem>>) target(%dma_start3A_69 : memref<100352xf32, #tpu.memory_space<vmem_shared>>) offsets(%arg5 : memref<20000xi32, #tpu.memory_space<vmem>>) semaphore(%arg8 : memref<!tpu.dma_semaphore, #tpu.memory_space<semaphore_mem>>) {add = true}
    %dma_wait3A_70 = arith.constant 0 : i32
    %dma_wait3A_71 = tpu.memref_slice %arg4[%dma_wait3A_70] : memref<100352xf32, #tpu.memory_space<vmem_shared>> -> memref<100352xf32, #tpu.memory_space<vmem_shared>>
    tpu.wait_indirect_dma semaphore(%arg9 : memref<!tpu.dma_semaphore, #tpu.memory_space<semaphore_mem>>) src(%arg7 : memref<20000xf32, #tpu.memory_space<vmem>>) dst(%dma_wait3A_71 : memref<100352xf32, #tpu.memory_space<vmem_shared>>)
    %mul3A_72 = arith.constant 200000 : i32
    %mul3A_73 = arith.muli %add3A, %mul3A_72 : i32
    %add3A_74 = arith.constant 100000 : i32
    %add3A_75 = arith.addi %mul3A_73, %add3A_74 : i32
    %dma_start3A_76 = tpu.memref_slice %arg2[%add3A_75] : memref<6400000xi32, #tpu.memory_space<hbm>> -> memref<20000xi32, #tpu.memory_space<hbm>>
    %dma_start3A_77 = tpu.memref_slice %arg2[%add3A_75] : memref<6400000xi32, #tpu.memory_space<hbm>> -> memref<20000xi32, #tpu.memory_space<hbm>>
    tpu.enqueue_dma source(%dma_start3A_77 : memref<20000xi32, #tpu.memory_space<hbm>>) target(%arg6 : memref<20000xi32, #tpu.memory_space<vmem>>) target_semaphore(%arg10 : memref<!tpu.dma_semaphore, #tpu.memory_space<semaphore_mem>>)
    %dma_wait3A_78 = tpu.memref_slice %arg2[%add3A_75] : memref<6400000xi32, #tpu.memory_space<hbm>> -> memref<20000xi32, #tpu.memory_space<hbm>>
    %dma_wait3A_79 = tpu.memref_slice %arg2[%add3A_75] : memref<6400000xi32, #tpu.memory_space<hbm>> -> memref<20000xi32, #tpu.memory_space<hbm>>
    tpu.wait_dma2 semaphore(%arg10 : memref<!tpu.dma_semaphore, #tpu.memory_space<semaphore_mem>>) src(%dma_wait3A_79 : memref<20000xi32, #tpu.memory_space<hbm>>) dst(%arg6 : memref<20000xi32, #tpu.memory_space<vmem>>)
    %dma_start3A_80 = arith.constant 0 : i32
    %dma_start3A_81 = tpu.memref_slice %arg4[%dma_start3A_80] : memref<100352xf32, #tpu.memory_space<vmem_shared>> -> memref<100352xf32, #tpu.memory_space<vmem_shared>>
    tpu.enqueue_indirect_dma source(%arg7 : memref<20000xf32, #tpu.memory_space<vmem>>) target(%dma_start3A_81 : memref<100352xf32, #tpu.memory_space<vmem_shared>>) offsets(%arg6 : memref<20000xi32, #tpu.memory_space<vmem>>) semaphore(%arg9 : memref<!tpu.dma_semaphore, #tpu.memory_space<semaphore_mem>>) {add = true}
    %dma_wait3A_82 = arith.constant 0 : i32
    %dma_wait3A_83 = tpu.memref_slice %arg4[%dma_wait3A_82] : memref<100352xf32, #tpu.memory_space<vmem_shared>> -> memref<100352xf32, #tpu.memory_space<vmem_shared>>
    tpu.wait_indirect_dma semaphore(%arg8 : memref<!tpu.dma_semaphore, #tpu.memory_space<semaphore_mem>>) src(%arg7 : memref<20000xf32, #tpu.memory_space<vmem>>) dst(%dma_wait3A_83 : memref<100352xf32, #tpu.memory_space<vmem_shared>>)
    %mul3A_84 = arith.constant 200000 : i32
    %mul3A_85 = arith.muli %add3A, %mul3A_84 : i32
    %add3A_86 = arith.constant 120000 : i32
    %add3A_87 = arith.addi %mul3A_85, %add3A_86 : i32
    %dma_start3A_88 = tpu.memref_slice %arg2[%add3A_87] : memref<6400000xi32, #tpu.memory_space<hbm>> -> memref<20000xi32, #tpu.memory_space<hbm>>
    %dma_start3A_89 = tpu.memref_slice %arg2[%add3A_87] : memref<6400000xi32, #tpu.memory_space<hbm>> -> memref<20000xi32, #tpu.memory_space<hbm>>
    tpu.enqueue_dma source(%dma_start3A_89 : memref<20000xi32, #tpu.memory_space<hbm>>) target(%arg5 : memref<20000xi32, #tpu.memory_space<vmem>>) target_semaphore(%arg10 : memref<!tpu.dma_semaphore, #tpu.memory_space<semaphore_mem>>)
    %dma_wait3A_90 = tpu.memref_slice %arg2[%add3A_87] : memref<6400000xi32, #tpu.memory_space<hbm>> -> memref<20000xi32, #tpu.memory_space<hbm>>
    %dma_wait3A_91 = tpu.memref_slice %arg2[%add3A_87] : memref<6400000xi32, #tpu.memory_space<hbm>> -> memref<20000xi32, #tpu.memory_space<hbm>>
    tpu.wait_dma2 semaphore(%arg10 : memref<!tpu.dma_semaphore, #tpu.memory_space<semaphore_mem>>) src(%dma_wait3A_91 : memref<20000xi32, #tpu.memory_space<hbm>>) dst(%arg5 : memref<20000xi32, #tpu.memory_space<vmem>>)
    %dma_start3A_92 = arith.constant 0 : i32
    %dma_start3A_93 = tpu.memref_slice %arg4[%dma_start3A_92] : memref<100352xf32, #tpu.memory_space<vmem_shared>> -> memref<100352xf32, #tpu.memory_space<vmem_shared>>
    tpu.enqueue_indirect_dma source(%arg7 : memref<20000xf32, #tpu.memory_space<vmem>>) target(%dma_start3A_93 : memref<100352xf32, #tpu.memory_space<vmem_shared>>) offsets(%arg5 : memref<20000xi32, #tpu.memory_space<vmem>>) semaphore(%arg8 : memref<!tpu.dma_semaphore, #tpu.memory_space<semaphore_mem>>) {add = true}
    %dma_wait3A_94 = arith.constant 0 : i32
    %dma_wait3A_95 = tpu.memref_slice %arg4[%dma_wait3A_94] : memref<100352xf32, #tpu.memory_space<vmem_shared>> -> memref<100352xf32, #tpu.memory_space<vmem_shared>>
    tpu.wait_indirect_dma semaphore(%arg9 : memref<!tpu.dma_semaphore, #tpu.memory_space<semaphore_mem>>) src(%arg7 : memref<20000xf32, #tpu.memory_space<vmem>>) dst(%dma_wait3A_95 : memref<100352xf32, #tpu.memory_space<vmem_shared>>)
    %mul3A_96 = arith.constant 200000 : i32
    %mul3A_97 = arith.muli %add3A, %mul3A_96 : i32
    %add3A_98 = arith.constant 140000 : i32
    %add3A_99 = arith.addi %mul3A_97, %add3A_98 : i32
    %dma_start3A_100 = tpu.memref_slice %arg2[%add3A_99] : memref<6400000xi32, #tpu.memory_space<hbm>> -> memref<20000xi32, #tpu.memory_space<hbm>>
    %dma_start3A_101 = tpu.memref_slice %arg2[%add3A_99] : memref<6400000xi32, #tpu.memory_space<hbm>> -> memref<20000xi32, #tpu.memory_space<hbm>>
    tpu.enqueue_dma source(%dma_start3A_101 : memref<20000xi32, #tpu.memory_space<hbm>>) target(%arg6 : memref<20000xi32, #tpu.memory_space<vmem>>) target_semaphore(%arg10 : memref<!tpu.dma_semaphore, #tpu.memory_space<semaphore_mem>>)
    %dma_wait3A_102 = tpu.memref_slice %arg2[%add3A_99] : memref<6400000xi32, #tpu.memory_space<hbm>> -> memref<20000xi32, #tpu.memory_space<hbm>>
    %dma_wait3A_103 = tpu.memref_slice %arg2[%add3A_99] : memref<6400000xi32, #tpu.memory_space<hbm>> -> memref<20000xi32, #tpu.memory_space<hbm>>
    tpu.wait_dma2 semaphore(%arg10 : memref<!tpu.dma_semaphore, #tpu.memory_space<semaphore_mem>>) src(%dma_wait3A_103 : memref<20000xi32, #tpu.memory_space<hbm>>) dst(%arg6 : memref<20000xi32, #tpu.memory_space<vmem>>)
    %dma_start3A_104 = arith.constant 0 : i32
    %dma_start3A_105 = tpu.memref_slice %arg4[%dma_start3A_104] : memref<100352xf32, #tpu.memory_space<vmem_shared>> -> memref<100352xf32, #tpu.memory_space<vmem_shared>>
    tpu.enqueue_indirect_dma source(%arg7 : memref<20000xf32, #tpu.memory_space<vmem>>) target(%dma_start3A_105 : memref<100352xf32, #tpu.memory_space<vmem_shared>>) offsets(%arg6 : memref<20000xi32, #tpu.memory_space<vmem>>) semaphore(%arg9 : memref<!tpu.dma_semaphore, #tpu.memory_space<semaphore_mem>>) {add = true}
    %dma_wait3A_106 = arith.constant 0 : i32
    %dma_wait3A_107 = tpu.memref_slice %arg4[%dma_wait3A_106] : memref<100352xf32, #tpu.memory_space<vmem_shared>> -> memref<100352xf32, #tpu.memory_space<vmem_shared>>
    tpu.wait_indirect_dma semaphore(%arg8 : memref<!tpu.dma_semaphore, #tpu.memory_space<semaphore_mem>>) src(%arg7 : memref<20000xf32, #tpu.memory_space<vmem>>) dst(%dma_wait3A_107 : memref<100352xf32, #tpu.memory_space<vmem_shared>>)
    %mul3A_108 = arith.constant 200000 : i32
    %mul3A_109 = arith.muli %add3A, %mul3A_108 : i32
    %add3A_110 = arith.constant 160000 : i32
    %add3A_111 = arith.addi %mul3A_109, %add3A_110 : i32
    %dma_start3A_112 = tpu.memref_slice %arg2[%add3A_111] : memref<6400000xi32, #tpu.memory_space<hbm>> -> memref<20000xi32, #tpu.memory_space<hbm>>
    %dma_start3A_113 = tpu.memref_slice %arg2[%add3A_111] : memref<6400000xi32, #tpu.memory_space<hbm>> -> memref<20000xi32, #tpu.memory_space<hbm>>
    tpu.enqueue_dma source(%dma_start3A_113 : memref<20000xi32, #tpu.memory_space<hbm>>) target(%arg5 : memref<20000xi32, #tpu.memory_space<vmem>>) target_semaphore(%arg10 : memref<!tpu.dma_semaphore, #tpu.memory_space<semaphore_mem>>)
    %dma_wait3A_114 = tpu.memref_slice %arg2[%add3A_111] : memref<6400000xi32, #tpu.memory_space<hbm>> -> memref<20000xi32, #tpu.memory_space<hbm>>
    %dma_wait3A_115 = tpu.memref_slice %arg2[%add3A_111] : memref<6400000xi32, #tpu.memory_space<hbm>> -> memref<20000xi32, #tpu.memory_space<hbm>>
    tpu.wait_dma2 semaphore(%arg10 : memref<!tpu.dma_semaphore, #tpu.memory_space<semaphore_mem>>) src(%dma_wait3A_115 : memref<20000xi32, #tpu.memory_space<hbm>>) dst(%arg5 : memref<20000xi32, #tpu.memory_space<vmem>>)
    %dma_start3A_116 = arith.constant 0 : i32
    %dma_start3A_117 = tpu.memref_slice %arg4[%dma_start3A_116] : memref<100352xf32, #tpu.memory_space<vmem_shared>> -> memref<100352xf32, #tpu.memory_space<vmem_shared>>
    tpu.enqueue_indirect_dma source(%arg7 : memref<20000xf32, #tpu.memory_space<vmem>>) target(%dma_start3A_117 : memref<100352xf32, #tpu.memory_space<vmem_shared>>) offsets(%arg5 : memref<20000xi32, #tpu.memory_space<vmem>>) semaphore(%arg8 : memref<!tpu.dma_semaphore, #tpu.memory_space<semaphore_mem>>) {add = true}
    %dma_wait3A_118 = arith.constant 0 : i32
    %dma_wait3A_119 = tpu.memref_slice %arg4[%dma_wait3A_118] : memref<100352xf32, #tpu.memory_space<vmem_shared>> -> memref<100352xf32, #tpu.memory_space<vmem_shared>>
    tpu.wait_indirect_dma semaphore(%arg9 : memref<!tpu.dma_semaphore, #tpu.memory_space<semaphore_mem>>) src(%arg7 : memref<20000xf32, #tpu.memory_space<vmem>>) dst(%dma_wait3A_119 : memref<100352xf32, #tpu.memory_space<vmem_shared>>)
    %mul3A_120 = arith.constant 200000 : i32
    %mul3A_121 = arith.muli %add3A, %mul3A_120 : i32
    %add3A_122 = arith.constant 180000 : i32
    %add3A_123 = arith.addi %mul3A_121, %add3A_122 : i32
    %dma_start3A_124 = tpu.memref_slice %arg2[%add3A_123] : memref<6400000xi32, #tpu.memory_space<hbm>> -> memref<20000xi32, #tpu.memory_space<hbm>>
    %dma_start3A_125 = tpu.memref_slice %arg2[%add3A_123] : memref<6400000xi32, #tpu.memory_space<hbm>> -> memref<20000xi32, #tpu.memory_space<hbm>>
    tpu.enqueue_dma source(%dma_start3A_125 : memref<20000xi32, #tpu.memory_space<hbm>>) target(%arg6 : memref<20000xi32, #tpu.memory_space<vmem>>) target_semaphore(%arg10 : memref<!tpu.dma_semaphore, #tpu.memory_space<semaphore_mem>>)
    %dma_wait3A_126 = tpu.memref_slice %arg2[%add3A_123] : memref<6400000xi32, #tpu.memory_space<hbm>> -> memref<20000xi32, #tpu.memory_space<hbm>>
    %dma_wait3A_127 = tpu.memref_slice %arg2[%add3A_123] : memref<6400000xi32, #tpu.memory_space<hbm>> -> memref<20000xi32, #tpu.memory_space<hbm>>
    tpu.wait_dma2 semaphore(%arg10 : memref<!tpu.dma_semaphore, #tpu.memory_space<semaphore_mem>>) src(%dma_wait3A_127 : memref<20000xi32, #tpu.memory_space<hbm>>) dst(%arg6 : memref<20000xi32, #tpu.memory_space<vmem>>)
    %dma_start3A_128 = arith.constant 0 : i32
    %dma_start3A_129 = tpu.memref_slice %arg4[%dma_start3A_128] : memref<100352xf32, #tpu.memory_space<vmem_shared>> -> memref<100352xf32, #tpu.memory_space<vmem_shared>>
    tpu.enqueue_indirect_dma source(%arg7 : memref<20000xf32, #tpu.memory_space<vmem>>) target(%dma_start3A_129 : memref<100352xf32, #tpu.memory_space<vmem_shared>>) offsets(%arg6 : memref<20000xi32, #tpu.memory_space<vmem>>) semaphore(%arg9 : memref<!tpu.dma_semaphore, #tpu.memory_space<semaphore_mem>>) {add = true}
    %dma_wait3A_130 = arith.constant 0 : i32
    %dma_wait3A_131 = tpu.memref_slice %arg4[%dma_wait3A_130] : memref<100352xf32, #tpu.memory_space<vmem_shared>> -> memref<100352xf32, #tpu.memory_space<vmem_shared>>
    tpu.wait_indirect_dma semaphore(%arg8 : memref<!tpu.dma_semaphore, #tpu.memory_space<semaphore_mem>>) src(%arg7 : memref<20000xf32, #tpu.memory_space<vmem>>) dst(%dma_wait3A_131 : memref<100352xf32, #tpu.memory_space<vmem_shared>>)
    %dma_wait3A_132 = arith.constant 0 : i32
    %dma_wait3A_133 = tpu.memref_slice %arg4[%dma_wait3A_132] : memref<100352xf32, #tpu.memory_space<vmem_shared>> -> memref<100352xf32, #tpu.memory_space<vmem_shared>>
    tpu.wait_indirect_dma semaphore(%arg9 : memref<!tpu.dma_semaphore, #tpu.memory_space<semaphore_mem>>) src(%arg7 : memref<20000xf32, #tpu.memory_space<vmem>>) dst(%dma_wait3A_133 : memref<100352xf32, #tpu.memory_space<vmem_shared>>)
    %barrier3A_134 = arith.constant 0 : index
    tpu.barrier barrier_id(%barrier3A_134)
    %mul3A_135 = arith.constant 6272 : i32
    %mul3A_136 = arith.muli %arg1, %mul3A_135 : i32
    %mul3A_137 = arith.constant 6272 : i32
    %mul3A_138 = arith.muli %arg1, %mul3A_137 : i32
    "tpu.region"() ({
      %run_scoped3A = tpu.sem_alloc : memref<!tpu.dma_semaphore, #tpu.memory_space<semaphore_mem>>
      %dma_start3A_139 = tpu.memref_slice %arg3[%arg0, %mul3A_138] : memref<2x100352xf32, #tpu.memory_space<hbm>> -> memref<1x6272xf32, #tpu.memory_space<hbm>>
      %dma_start3A_140 = tpu.memref_squeeze %dma_start3A_139 : memref<1x6272xf32, #tpu.memory_space<hbm>> -> memref<6272xf32, #tpu.memory_space<hbm>>
      %dma_start3A_141 = tpu.memref_slice %arg4[%mul3A_136] : memref<100352xf32, #tpu.memory_space<vmem_shared>> -> memref<6272xf32, #tpu.memory_space<vmem_shared>>
      tpu.enqueue_dma source(%dma_start3A_141 : memref<6272xf32, #tpu.memory_space<vmem_shared>>) target(%dma_start3A_140 : memref<6272xf32, #tpu.memory_space<hbm>>) target_semaphore(%run_scoped3A : memref<!tpu.dma_semaphore, #tpu.memory_space<semaphore_mem>>)
      %dma_wait3A_142 = tpu.memref_slice %arg3[%arg0, %mul3A_138] : memref<2x100352xf32, #tpu.memory_space<hbm>> -> memref<1x6272xf32, #tpu.memory_space<hbm>>
      %dma_wait3A_143 = tpu.memref_squeeze %dma_wait3A_142 : memref<1x6272xf32, #tpu.memory_space<hbm>> -> memref<6272xf32, #tpu.memory_space<hbm>>
      %dma_wait3A_144 = tpu.memref_slice %arg4[%mul3A_136] : memref<100352xf32, #tpu.memory_space<vmem_shared>> -> memref<6272xf32, #tpu.memory_space<vmem_shared>>
      tpu.wait_dma2 semaphore(%run_scoped3A : memref<!tpu.dma_semaphore, #tpu.memory_space<semaphore_mem>>) src(%dma_wait3A_144 : memref<6272xf32, #tpu.memory_space<vmem_shared>>) dst(%dma_wait3A_143 : memref<6272xf32, #tpu.memory_space<hbm>>)
      tpu.yield
    }) : () -> ()
    return
  }
}

module attributes {stable_mosaic.version = 14 : i64} {
  func.func @body(%arg0: memref<2x100352xf32, #tpu.memory_space<vmem>>, %arg1: memref<2x100352xf32, #tpu.memory_space<vmem>>, %arg2: memref<1x100352xf32, #tpu.memory_space<vmem>>, %arg3: memref<2x100352xf32, #tpu.memory_space<vmem>>, %arg4: memref<1x100352xi32, #tpu.memory_space<vmem>>) attributes {dimension_semantics = [], scalar_prefetch = 0 : i64, scratch_operands = 0 : i64, tpu.core_type = #tpu.core_type<tc>} {
    %get3A = arith.constant 0 : index
    %get3A_0 = arith.constant 0 : index
    %get3A_1 = vector.load %arg0[%get3A, %get3A_0] : memref<2x100352xf32, #tpu.memory_space<vmem>>, vector<1x100352xf32>
    %get3A_2 = arith.constant 1 : index
    %get3A_3 = arith.constant 0 : index
    %get3A_4 = vector.load %arg0[%get3A_2, %get3A_3] : memref<2x100352xf32, #tpu.memory_space<vmem>>, vector<1x100352xf32>
    %add3A = arith.addf %get3A_1, %get3A_4 : vector<1x100352xf32>
    %add3A_5 = arith.constant 1.000000e+00 : f32
    %add3A_6 = vector.broadcast %add3A_5 : f32 to vector<1x100352xf32>
    %add3A_7 = arith.addf %add3A, %add3A_6 : vector<1x100352xf32>
    %rsqrt3A = math.rsqrt %add3A_7 : vector<1x100352xf32>
    %swap3A = arith.constant 0 : index
    %swap3A_8 = arith.constant 0 : index
    %swap3A_9 = vector.load %arg2[%swap3A, %swap3A_8] : memref<1x100352xf32, #tpu.memory_space<vmem>>, vector<1x100352xf32>
    tpu.vector_store %arg2[%swap3A, %swap3A_8], %rsqrt3A {strides = array<i32>} : memref<1x100352xf32, #tpu.memory_space<vmem>>, vector<1x100352xf32>,
    %get3A_10 = arith.constant 0 : index
    %get3A_11 = arith.constant 0 : index
    %get3A_12 = vector.load %arg1[%get3A_10, %get3A_11] : memref<2x100352xf32, #tpu.memory_space<vmem>>, vector<2x100352xf32>
    %mul3A = vector.broadcast %rsqrt3A : vector<1x100352xf32> to vector<2x100352xf32>
    %mul3A_13 = arith.mulf %get3A_12, %mul3A : vector<2x100352xf32>
    %swap3A_14 = arith.constant 0 : index
    %swap3A_15 = arith.constant 0 : index
    %swap3A_16 = vector.load %arg3[%swap3A_14, %swap3A_15] : memref<2x100352xf32, #tpu.memory_space<vmem>>, vector<2x100352xf32>
    tpu.vector_store %arg3[%swap3A_14, %swap3A_15], %mul3A_13 {strides = array<i32>} : memref<2x100352xf32, #tpu.memory_space<vmem>>, vector<2x100352xf32>,
    %slice3A = vector.extract_strided_slice %mul3A_13 {offsets = [0, 0], sizes = [1, 100352], strides = [1, 1]} : vector<2x100352xf32> to vector<1x100352xf32>
    %slice3A_17 = vector.extract_strided_slice %mul3A_13 {offsets = [1, 0], sizes = [1, 100352], strides = [1, 1]} : vector<2x100352xf32> to vector<1x100352xf32>
    %bitcast_convert_type3A = tpu.bitcast %slice3A : vector<1x100352xf32> -> vector<1x100352xi32>
    %add3A_18 = arith.constant 32768 : i32
    %add3A_19 = vector.broadcast %add3A_18 : i32 to vector<1x100352xi32>
    %add3A_20 = arith.addi %bitcast_convert_type3A, %add3A_19 : vector<1x100352xi32>
    %bitcast_convert_type3A_21 = tpu.bitcast %slice3A_17 : vector<1x100352xf32> -> vector<1x100352xi32>
    %add3A_22 = arith.constant 32768 : i32
    %add3A_23 = vector.broadcast %add3A_22 : i32 to vector<1x100352xi32>
    %add3A_24 = arith.addi %bitcast_convert_type3A_21, %add3A_23 : vector<1x100352xi32>
    %and3A = arith.constant -65536 : i32
    %and3A_25 = vector.broadcast %and3A : i32 to vector<1x100352xi32>
    %and3A_26 = arith.andi %add3A_20, %and3A_25 : vector<1x100352xi32>
    %shift_right_arithmetic3A = arith.constant 16 : i32
    %shift_right_arithmetic3A_27 = vector.broadcast %shift_right_arithmetic3A : i32 to vector<1x100352xi32>
    %shift_right_arithmetic3A_28 = arith.shrsi %add3A_24, %shift_right_arithmetic3A_27 : vector<1x100352xi32>
    %and3A_29 = arith.constant 65535 : i32
    %and3A_30 = vector.broadcast %and3A_29 : i32 to vector<1x100352xi32>
    %and3A_31 = arith.andi %shift_right_arithmetic3A_28, %and3A_30 : vector<1x100352xi32>
    %or3A = arith.ori %and3A_26, %and3A_31 : vector<1x100352xi32>
    %swap3A_32 = arith.constant 0 : index
    %swap3A_33 = arith.constant 0 : index
    %swap3A_34 = vector.load %arg4[%swap3A_32, %swap3A_33] : memref<1x100352xi32, #tpu.memory_space<vmem>>, vector<1x100352xi32>
    tpu.vector_store %arg4[%swap3A_32, %swap3A_33], %or3A {strides = array<i32>} : memref<1x100352xi32, #tpu.memory_space<vmem>>, vector<1x100352xi32>,
    return
  }
}

module attributes {stable_mosaic.version = 14 : i64} {
  func.func @body(%arg0: memref<2x2x100352xf32, #tpu.memory_space<vmem>>, %arg1: memref<2x100352xf32, #tpu.memory_space<vmem>>, %arg2: memref<1x100352xf32, #tpu.memory_space<vmem>>, %arg3: memref<2x4xf32, #tpu.memory_space<smem>>, %arg4: memref<4xf32, #tpu.memory_space<smem>>, %arg5: memref<4x2xf32, #tpu.memory_space<smem>>, %arg6: memref<2x100352xf32, #tpu.memory_space<vmem>>, %arg7: memref<1x100352xi32, #tpu.memory_space<vmem>>) attributes {dimension_semantics = [], scalar_prefetch = 0 : i64, scratch_operands = 0 : i64, tpu.core_type = #tpu.core_type<tc>} {
    %get3A = arith.constant 0 : index
    %get3A_0 = arith.constant 0 : index
    %get3A_1 = arith.constant 0 : index
    %get3A_2 = vector.load %arg0[%get3A, %get3A_0, %get3A_1] : memref<2x2x100352xf32, #tpu.memory_space<vmem>>, vector<1x2x100352xf32>
    %get3A_3 = vector.shape_cast %get3A_2 : vector<1x2x100352xf32> to vector<2x100352xf32>
    %get3A_4 = arith.constant 1 : index
    %get3A_5 = arith.constant 0 : index
    %get3A_6 = arith.constant 0 : index
    %get3A_7 = vector.load %arg0[%get3A_4, %get3A_5, %get3A_6] : memref<2x2x100352xf32, #tpu.memory_space<vmem>>, vector<1x2x100352xf32>
    %get3A_8 = vector.shape_cast %get3A_7 : vector<1x2x100352xf32> to vector<2x100352xf32>
    %add3A = arith.addf %get3A_3, %get3A_8 : vector<2x100352xf32>
    %get3A_9 = arith.constant 0 : index
    %get3A_10 = arith.constant 0 : index
    %get3A_11 = vector.load %arg1[%get3A_9, %get3A_10] : memref<2x100352xf32, #tpu.memory_space<vmem>>, vector<2x100352xf32>
    %add3A_12 = arith.addf %add3A, %get3A_11 : vector<2x100352xf32>
    %get3A_13 = arith.constant 0 : index
    %get3A_14 = arith.constant 0 : index
    %get3A_15 = vector.load %arg2[%get3A_13, %get3A_14] : memref<1x100352xf32, #tpu.memory_space<vmem>>, vector<1x100352xf32>
    %slice3A = vector.extract_strided_slice %add3A_12 {offsets = [0, 0], sizes = [1, 100352], strides = [1, 1]} : vector<2x100352xf32> to vector<1x100352xf32>
    %get3A_16 = arith.constant 0 : index
    %get3A_17 = arith.constant 0 : index
    %get3A_18 = memref.load %arg3[%get3A_16, %get3A_17] : memref<2x4xf32, #tpu.memory_space<smem>>
    %mul3A = vector.broadcast %get3A_18 : f32 to vector<1x100352xf32>
    %mul3A_19 = arith.mulf %slice3A, %mul3A : vector<1x100352xf32>
    %slice3A_20 = vector.extract_strided_slice %add3A_12 {offsets = [1, 0], sizes = [1, 100352], strides = [1, 1]} : vector<2x100352xf32> to vector<1x100352xf32>
    %get3A_21 = arith.constant 1 : index
    %get3A_22 = arith.constant 0 : index
    %get3A_23 = memref.load %arg3[%get3A_21, %get3A_22] : memref<2x4xf32, #tpu.memory_space<smem>>
    %mul3A_24 = vector.broadcast %get3A_23 : f32 to vector<1x100352xf32>
    %mul3A_25 = arith.mulf %slice3A_20, %mul3A_24 : vector<1x100352xf32>
    %add3A_26 = arith.addf %mul3A_19, %mul3A_25 : vector<1x100352xf32>
    %mul3A_27 = arith.mulf %get3A_15, %add3A_26 : vector<1x100352xf32>
    %get3A_28 = arith.constant 0 : index
    %get3A_29 = memref.load %arg4[%get3A_28] : memref<4xf32, #tpu.memory_space<smem>>
    %add3A_30 = vector.broadcast %get3A_29 : f32 to vector<1x100352xf32>
    %add3A_31 = arith.addf %mul3A_27, %add3A_30 : vector<1x100352xf32>
    %max3A = arith.constant 0.000000e+00 : f32
    %max3A_32 = vector.broadcast %max3A : f32 to vector<1x100352xf32>
    %max3A_33 = arith.maximumf %add3A_31, %max3A_32 : vector<1x100352xf32>
    %slice3A_34 = vector.extract_strided_slice %add3A_12 {offsets = [0, 0], sizes = [1, 100352], strides = [1, 1]} : vector<2x100352xf32> to vector<1x100352xf32>
    %get3A_35 = arith.constant 0 : index
    %get3A_36 = arith.constant 1 : index
    %get3A_37 = memref.load %arg3[%get3A_35, %get3A_36] : memref<2x4xf32, #tpu.memory_space<smem>>
    %mul3A_38 = vector.broadcast %get3A_37 : f32 to vector<1x100352xf32>
    %mul3A_39 = arith.mulf %slice3A_34, %mul3A_38 : vector<1x100352xf32>
    %slice3A_40 = vector.extract_strided_slice %add3A_12 {offsets = [1, 0], sizes = [1, 100352], strides = [1, 1]} : vector<2x100352xf32> to vector<1x100352xf32>
    %get3A_41 = arith.constant 1 : index
    %get3A_42 = arith.constant 1 : index
    %get3A_43 = memref.load %arg3[%get3A_41, %get3A_42] : memref<2x4xf32, #tpu.memory_space<smem>>
    %mul3A_44 = vector.broadcast %get3A_43 : f32 to vector<1x100352xf32>
    %mul3A_45 = arith.mulf %slice3A_40, %mul3A_44 : vector<1x100352xf32>
    %add3A_46 = arith.addf %mul3A_39, %mul3A_45 : vector<1x100352xf32>
    %mul3A_47 = arith.mulf %get3A_15, %add3A_46 : vector<1x100352xf32>
    %get3A_48 = arith.constant 1 : index
    %get3A_49 = memref.load %arg4[%get3A_48] : memref<4xf32, #tpu.memory_space<smem>>
    %add3A_50 = vector.broadcast %get3A_49 : f32 to vector<1x100352xf32>
    %add3A_51 = arith.addf %mul3A_47, %add3A_50 : vector<1x100352xf32>
    %max3A_52 = arith.constant 0.000000e+00 : f32
    %max3A_53 = vector.broadcast %max3A_52 : f32 to vector<1x100352xf32>
    %max3A_54 = arith.maximumf %add3A_51, %max3A_53 : vector<1x100352xf32>
    %slice3A_55 = vector.extract_strided_slice %add3A_12 {offsets = [0, 0], sizes = [1, 100352], strides = [1, 1]} : vector<2x100352xf32> to vector<1x100352xf32>
    %get3A_56 = arith.constant 0 : index
    %get3A_57 = arith.constant 2 : index
    %get3A_58 = memref.load %arg3[%get3A_56, %get3A_57] : memref<2x4xf32, #tpu.memory_space<smem>>
    %mul3A_59 = vector.broadcast %get3A_58 : f32 to vector<1x100352xf32>
    %mul3A_60 = arith.mulf %slice3A_55, %mul3A_59 : vector<1x100352xf32>
    %slice3A_61 = vector.extract_strided_slice %add3A_12 {offsets = [1, 0], sizes = [1, 100352], strides = [1, 1]} : vector<2x100352xf32> to vector<1x100352xf32>
    %get3A_62 = arith.constant 1 : index
    %get3A_63 = arith.constant 2 : index
    %get3A_64 = memref.load %arg3[%get3A_62, %get3A_63] : memref<2x4xf32, #tpu.memory_space<smem>>
    %mul3A_65 = vector.broadcast %get3A_64 : f32 to vector<1x100352xf32>
    %mul3A_66 = arith.mulf %slice3A_61, %mul3A_65 : vector<1x100352xf32>
    %add3A_67 = arith.addf %mul3A_60, %mul3A_66 : vector<1x100352xf32>
    %mul3A_68 = arith.mulf %get3A_15, %add3A_67 : vector<1x100352xf32>
    %get3A_69 = arith.constant 2 : index
    %get3A_70 = memref.load %arg4[%get3A_69] : memref<4xf32, #tpu.memory_space<smem>>
    %add3A_71 = vector.broadcast %get3A_70 : f32 to vector<1x100352xf32>
    %add3A_72 = arith.addf %mul3A_68, %add3A_71 : vector<1x100352xf32>
    %max3A_73 = arith.constant 0.000000e+00 : f32
    %max3A_74 = vector.broadcast %max3A_73 : f32 to vector<1x100352xf32>
    %max3A_75 = arith.maximumf %add3A_72, %max3A_74 : vector<1x100352xf32>
    %slice3A_76 = vector.extract_strided_slice %add3A_12 {offsets = [0, 0], sizes = [1, 100352], strides = [1, 1]} : vector<2x100352xf32> to vector<1x100352xf32>
    %get3A_77 = arith.constant 0 : index
    %get3A_78 = arith.constant 3 : index
    %get3A_79 = memref.load %arg3[%get3A_77, %get3A_78] : memref<2x4xf32, #tpu.memory_space<smem>>
    %mul3A_80 = vector.broadcast %get3A_79 : f32 to vector<1x100352xf32>
    %mul3A_81 = arith.mulf %slice3A_76, %mul3A_80 : vector<1x100352xf32>
    %slice3A_82 = vector.extract_strided_slice %add3A_12 {offsets = [1, 0], sizes = [1, 100352], strides = [1, 1]} : vector<2x100352xf32> to vector<1x100352xf32>
    %get3A_83 = arith.constant 1 : index
    %get3A_84 = arith.constant 3 : index
    %get3A_85 = memref.load %arg3[%get3A_83, %get3A_84] : memref<2x4xf32, #tpu.memory_space<smem>>
    %mul3A_86 = vector.broadcast %get3A_85 : f32 to vector<1x100352xf32>
    %mul3A_87 = arith.mulf %slice3A_82, %mul3A_86 : vector<1x100352xf32>
    %add3A_88 = arith.addf %mul3A_81, %mul3A_87 : vector<1x100352xf32>
    %mul3A_89 = arith.mulf %get3A_15, %add3A_88 : vector<1x100352xf32>
    %get3A_90 = arith.constant 3 : index
    %get3A_91 = memref.load %arg4[%get3A_90] : memref<4xf32, #tpu.memory_space<smem>>
    %add3A_92 = vector.broadcast %get3A_91 : f32 to vector<1x100352xf32>
    %add3A_93 = arith.addf %mul3A_89, %add3A_92 : vector<1x100352xf32>
    %max3A_94 = arith.constant 0.000000e+00 : f32
    %max3A_95 = vector.broadcast %max3A_94 : f32 to vector<1x100352xf32>
    %max3A_96 = arith.maximumf %add3A_93, %max3A_95 : vector<1x100352xf32>
    %get3A_97 = arith.constant 0 : index
    %get3A_98 = arith.constant 0 : index
    %get3A_99 = memref.load %arg5[%get3A_97, %get3A_98] : memref<4x2xf32, #tpu.memory_space<smem>>
    %mul3A_100 = vector.broadcast %get3A_99 : f32 to vector<1x100352xf32>
    %mul3A_101 = arith.mulf %max3A_33, %mul3A_100 : vector<1x100352xf32>
    %get3A_102 = arith.constant 1 : index
    %get3A_103 = arith.constant 0 : index
    %get3A_104 = memref.load %arg5[%get3A_102, %get3A_103] : memref<4x2xf32, #tpu.memory_space<smem>>
    %mul3A_105 = vector.broadcast %get3A_104 : f32 to vector<1x100352xf32>
    %mul3A_106 = arith.mulf %max3A_54, %mul3A_105 : vector<1x100352xf32>
    %add3A_107 = arith.addf %mul3A_101, %mul3A_106 : vector<1x100352xf32>
    %get3A_108 = arith.constant 2 : index
    %get3A_109 = arith.constant 0 : index
    %get3A_110 = memref.load %arg5[%get3A_108, %get3A_109] : memref<4x2xf32, #tpu.memory_space<smem>>
    %mul3A_111 = vector.broadcast %get3A_110 : f32 to vector<1x100352xf32>
    %mul3A_112 = arith.mulf %max3A_75, %mul3A_111 : vector<1x100352xf32>
    %add3A_113 = arith.addf %add3A_107, %mul3A_112 : vector<1x100352xf32>
    %get3A_114 = arith.constant 3 : index
    %get3A_115 = arith.constant 0 : index
    %get3A_116 = memref.load %arg5[%get3A_114, %get3A_115] : memref<4x2xf32, #tpu.memory_space<smem>>
    %mul3A_117 = vector.broadcast %get3A_116 : f32 to vector<1x100352xf32>
    %mul3A_118 = arith.mulf %max3A_96, %mul3A_117 : vector<1x100352xf32>
    %add3A_119 = arith.addf %add3A_113, %mul3A_118 : vector<1x100352xf32>
    %mul3A_120 = arith.mulf %get3A_15, %add3A_119 : vector<1x100352xf32>
    %swap3A = arith.constant 0 : index
    %swap3A_121 = arith.constant 0 : index
    %swap3A_122 = vector.load %arg6[%swap3A, %swap3A_121] : memref<2x100352xf32, #tpu.memory_space<vmem>>, vector<1x100352xf32>
    tpu.vector_store %arg6[%swap3A, %swap3A_121], %mul3A_120 {strides = array<i32>} : memref<2x100352xf32, #tpu.memory_space<vmem>>, vector<1x100352xf32>,
    %get3A_123 = arith.constant 0 : index
    %get3A_124 = arith.constant 1 : index
    %get3A_125 = memref.load %arg5[%get3A_123, %get3A_124] : memref<4x2xf32, #tpu.memory_space<smem>>
    %mul3A_126 = vector.broadcast %get3A_125 : f32 to vector<1x100352xf32>
    %mul3A_127 = arith.mulf %max3A_33, %mul3A_126 : vector<1x100352xf32>
    %get3A_128 = arith.constant 1 : index
    %get3A_129 = arith.constant 1 : index
    %get3A_130 = memref.load %arg5[%get3A_128, %get3A_129] : memref<4x2xf32, #tpu.memory_space<smem>>
    %mul3A_131 = vector.broadcast %get3A_130 : f32 to vector<1x100352xf32>
    %mul3A_132 = arith.mulf %max3A_54, %mul3A_131 : vector<1x100352xf32>
    %add3A_133 = arith.addf %mul3A_127, %mul3A_132 : vector<1x100352xf32>
    %get3A_134 = arith.constant 2 : index
    %get3A_135 = arith.constant 1 : index
    %get3A_136 = memref.load %arg5[%get3A_134, %get3A_135] : memref<4x2xf32, #tpu.memory_space<smem>>
    %mul3A_137 = vector.broadcast %get3A_136 : f32 to vector<1x100352xf32>
    %mul3A_138 = arith.mulf %max3A_75, %mul3A_137 : vector<1x100352xf32>
    %add3A_139 = arith.addf %add3A_133, %mul3A_138 : vector<1x100352xf32>
    %get3A_140 = arith.constant 3 : index
    %get3A_141 = arith.constant 1 : index
    %get3A_142 = memref.load %arg5[%get3A_140, %get3A_141] : memref<4x2xf32, #tpu.memory_space<smem>>
    %mul3A_143 = vector.broadcast %get3A_142 : f32 to vector<1x100352xf32>
    %mul3A_144 = arith.mulf %max3A_96, %mul3A_143 : vector<1x100352xf32>
    %add3A_145 = arith.addf %add3A_139, %mul3A_144 : vector<1x100352xf32>
    %mul3A_146 = arith.mulf %get3A_15, %add3A_145 : vector<1x100352xf32>
    %swap3A_147 = arith.constant 1 : index
    %swap3A_148 = arith.constant 0 : index
    %swap3A_149 = vector.load %arg6[%swap3A_147, %swap3A_148] : memref<2x100352xf32, #tpu.memory_space<vmem>>, vector<1x100352xf32>
    tpu.vector_store %arg6[%swap3A_147, %swap3A_148], %mul3A_146 {strides = array<i32>} : memref<2x100352xf32, #tpu.memory_space<vmem>>, vector<1x100352xf32>,
    %bitcast_convert_type3A = tpu.bitcast %mul3A_120 : vector<1x100352xf32> -> vector<1x100352xi32>
    %add3A_150 = arith.constant 32768 : i32
    %add3A_151 = vector.broadcast %add3A_150 : i32 to vector<1x100352xi32>
    %add3A_152 = arith.addi %bitcast_convert_type3A, %add3A_151 : vector<1x100352xi32>
    %bitcast_convert_type3A_153 = tpu.bitcast %mul3A_146 : vector<1x100352xf32> -> vector<1x100352xi32>
    %add3A_154 = arith.constant 32768 : i32
    %add3A_155 = vector.broadcast %add3A_154 : i32 to vector<1x100352xi32>
    %add3A_156 = arith.addi %bitcast_convert_type3A_153, %add3A_155 : vector<1x100352xi32>
    %and3A = arith.constant -65536 : i32
    %and3A_157 = vector.broadcast %and3A : i32 to vector<1x100352xi32>
    %and3A_158 = arith.andi %add3A_152, %and3A_157 : vector<1x100352xi32>
    %shift_right_arithmetic3A = arith.constant 16 : i32
    %shift_right_arithmetic3A_159 = vector.broadcast %shift_right_arithmetic3A : i32 to vector<1x100352xi32>
    %shift_right_arithmetic3A_160 = arith.shrsi %add3A_156, %shift_right_arithmetic3A_159 : vector<1x100352xi32>
    %and3A_161 = arith.constant 65535 : i32
    %and3A_162 = vector.broadcast %and3A_161 : i32 to vector<1x100352xi32>
    %and3A_163 = arith.andi %shift_right_arithmetic3A_160, %and3A_162 : vector<1x100352xi32>
    %or3A = arith.ori %and3A_158, %and3A_163 : vector<1x100352xi32>
    %swap3A_164 = arith.constant 0 : index
    %swap3A_165 = arith.constant 0 : index
    %swap3A_166 = vector.load %arg7[%swap3A_164, %swap3A_165] : memref<1x100352xi32, #tpu.memory_space<vmem>>, vector<1x100352xi32>
    tpu.vector_store %arg7[%swap3A_164, %swap3A_165], %or3A {strides = array<i32>} : memref<1x100352xi32, #tpu.memory_space<vmem>>, vector<1x100352xi32>,
    return
  }
}

module attributes {stable_mosaic.version = 14 : i64} {
  func.func @body(%arg0: memref<2x2x100352xf32, #tpu.memory_space<vmem>>, %arg1: memref<2x100352xf32, #tpu.memory_space<vmem>>, %arg2: memref<1x100352xf32, #tpu.memory_space<vmem>>, %arg3: memref<2xf32, #tpu.memory_space<smem>>, %arg4: memref<2x100352xf32, #tpu.memory_space<vmem>>) attributes {dimension_semantics = [], scalar_prefetch = 0 : i64, scratch_operands = 0 : i64, tpu.core_type = #tpu.core_type<tc>} {
    %get3A = arith.constant 0 : index
    %get3A_0 = arith.constant 0 : index
    %get3A_1 = arith.constant 0 : index
    %get3A_2 = vector.load %arg0[%get3A, %get3A_0, %get3A_1] : memref<2x2x100352xf32, #tpu.memory_space<vmem>>, vector<1x2x100352xf32>
    %get3A_3 = vector.shape_cast %get3A_2 : vector<1x2x100352xf32> to vector<2x100352xf32>
    %get3A_4 = arith.constant 1 : index
    %get3A_5 = arith.constant 0 : index
    %get3A_6 = arith.constant 0 : index
    %get3A_7 = vector.load %arg0[%get3A_4, %get3A_5, %get3A_6] : memref<2x2x100352xf32, #tpu.memory_space<vmem>>, vector<1x2x100352xf32>
    %get3A_8 = vector.shape_cast %get3A_7 : vector<1x2x100352xf32> to vector<2x100352xf32>
    %add3A = arith.addf %get3A_3, %get3A_8 : vector<2x100352xf32>
    %get3A_9 = arith.constant 0 : index
    %get3A_10 = arith.constant 0 : index
    %get3A_11 = vector.load %arg1[%get3A_9, %get3A_10] : memref<2x100352xf32, #tpu.memory_space<vmem>>, vector<2x100352xf32>
    %add3A_12 = arith.addf %add3A, %get3A_11 : vector<2x100352xf32>
    %get3A_13 = arith.constant 0 : index
    %get3A_14 = arith.constant 0 : index
    %get3A_15 = vector.load %arg2[%get3A_13, %get3A_14] : memref<1x100352xf32, #tpu.memory_space<vmem>>, vector<1x100352xf32>
    %slice3A = vector.extract_strided_slice %add3A_12 {offsets = [0, 0], sizes = [1, 100352], strides = [1, 1]} : vector<2x100352xf32> to vector<1x100352xf32>
    %mul3A = arith.mulf %get3A_15, %slice3A : vector<1x100352xf32>
    %get3A_16 = arith.constant 0 : index
    %get3A_17 = memref.load %arg3[%get3A_16] : memref<2xf32, #tpu.memory_space<smem>>
    %add3A_18 = vector.broadcast %get3A_17 : f32 to vector<1x100352xf32>
    %add3A_19 = arith.addf %mul3A, %add3A_18 : vector<1x100352xf32>
    %swap3A = arith.constant 0 : index
    %swap3A_20 = arith.constant 0 : index
    %swap3A_21 = vector.load %arg4[%swap3A, %swap3A_20] : memref<2x100352xf32, #tpu.memory_space<vmem>>, vector<1x100352xf32>
    tpu.vector_store %arg4[%swap3A, %swap3A_20], %add3A_19 {strides = array<i32>} : memref<2x100352xf32, #tpu.memory_space<vmem>>, vector<1x100352xf32>,
    %slice3A_22 = vector.extract_strided_slice %add3A_12 {offsets = [1, 0], sizes = [1, 100352], strides = [1, 1]} : vector<2x100352xf32> to vector<1x100352xf32>
    %mul3A_23 = arith.mulf %get3A_15, %slice3A_22 : vector<1x100352xf32>
    %get3A_24 = arith.constant 1 : index
    %get3A_25 = memref.load %arg3[%get3A_24] : memref<2xf32, #tpu.memory_space<smem>>
    %add3A_26 = vector.broadcast %get3A_25 : f32 to vector<1x100352xf32>
    %add3A_27 = arith.addf %mul3A_23, %add3A_26 : vector<1x100352xf32>
    %swap3A_28 = arith.constant 1 : index
    %swap3A_29 = arith.constant 0 : index
    %swap3A_30 = vector.load %arg4[%swap3A_28, %swap3A_29] : memref<2x100352xf32, #tpu.memory_space<vmem>>, vector<1x100352xf32>
    tpu.vector_store %arg4[%swap3A_28, %swap3A_29], %add3A_27 {strides = array<i32>} : memref<2x100352xf32, #tpu.memory_space<vmem>>, vector<1x100352xf32>,
    return
  }
}

</mosaic_0001>

<sc_bundles>
// kernel: kernel.11.cloned.1.call-start
scs
__scs_entry_jumppad:
0x0: {  	(pc) =	sbr.rel $0x88, $3  }
0x1: {  	(tag) =	ssettag $0x0;
	lr =	simm.s32 $0x1  }
0x2: {  	[smem:$0x3F9B] =	sst lr;
	_ =	strace $0xD0000000  }
0x3: {  	_ = 	snop  }
0x4: {  	_ = 	snop  }
0x5: {  	_ = 	snop  }
0x6: {  	_ = 	snop  }
0x7: {  	_ = 	snop  }
__scs_overlays_trampoline_lowered:
0x8: {  	[smem:$0x3FAA] =	sst s0  }
0x9: {  	[smem:$0x3FAB] =	sst s1  }
0xa: {  	[smem:$0x3FAC] =	sst s2  }
0xb: {  	[smem:$0x3FAD] =	sst s3  }
0xc: {  	[smem:$0x3FAE] =	sst s4  }
0xd: {  	[smem:$0x3FAF] =	sst s5  }
0xe: {  	[smem:$0x3FB0] =	sst s6  }
0xf: {  	[smem:$0x3FB1] =	sst s7  }
0x10: {  	[smem:$0x3FB2] =	sst s8  }
0x11: {  	[smem:$0x3FB3] =	sst s9;
	s0 =	simm.s32 @!p0 $0x0  }
0x12: {  	s1 =	sld [smem:$0x3F99];
	s0 =	simm.s32 @p0 $0x1  }
0x13: {  	[smem:$0x3FB4] =	sst s0;
	s0 =	simm.s32 @!p1 $0x0  }
0x14: {  	s2 =	sld [smem:$0x3F98];
	s0 =	simm.s32 @p1 $0x1  }
0x15: {  	[smem:$0x3FB5] =	sst s0;
	s0 =	simm.s32 @!p2 $0x0  }
0x16: {  	s3 =	sld [smem:$0x3FDB];
	s0 =	simm.s32 @p2 $0x1  }
0x17: {  	s4 =	simm.s32 $0x1BF5;
	[smem:$0x3FB7] =	sst s0  }
0x18: {  	s0 =	sld [smem:$0x3F9A];
	_ =	swait.ge [sflag:s4], $0x0  }
0x19: {  	s7 =	sld [smem:$0x3F9B]  }
0x1a: {  	s8 =	sadd.s32 $0xFFFFE003, lr  }
0x1b: {  	s9 =	sadd.s32 $0xFFFFFEF7, lr;
	s5 =	simm.s32 $0xFFFFFFFF;
	p2 =	slt.u32 s8, $0xFFFFF086  }
0x1c: {  	p1 =	slt.u32 s9, $0xF7A;
	s5 =	simm.s32 @!p2 $0x0  }
0x1d: {  	s5 =	simm.s32 @p1 $0x1;
	p0 =	seq.s32 s7, s2  }
0x1e: {  	s7 =	smul.u32 @!p0 $0xF7A, s2;
	p2 =	seq.s32 @!p0 s5, $0x0  }
0x1f: {  	s9 =	smul.u32 $0xF7A, s1;
	s8 =	simm.s32 @!p0 $0x1BF5;
	p2 =	por !p2, p0  }
0x20: {  	[sflag:s8] =	ssyncset.s32 @!p0 $0xFFFFF086;
	s6 =	sadd.s32 @!p0 s3, s7;
	s7 =	simm.s32 @!p0 $0x108  }
0x21: {  	s3 =	sadd.s32 s3, s9;
	s6 =	sadd.s32 @!p0 $0x88, s6;
	s7 =	simm.s32 @p2 $0x1082  }
0x22: {  	[simem:s7], [sflag:s8] =	dma.local @!p0 [hbm:s6], $0xF7A  }
0x23: {  	s9 =	sor.u32 $0xD0000000, s2;
	s6 =	simm.s32 $0x108;
	_ =	swait.ge @!p0 [sflag:s8], $0x0  }
0x24: {  	s3 =	sadd.s32 $0x88, s3;
	s6 =	simm.s32 @!p1 $0x1082;
	[sflag:s4] =	ssyncset.s32 $0xFFFFF086  }
0x25: {  	[simem:s6], [sflag:s4] =	dma.local [hbm:s3], $0xF7A  }
0x26: {  	[smem:$0x3F9B] =	sst s1;
	(tag) =	ssettag s2;
	_ =	strace s9  }
0x27: {  	s1 =	sld [smem:$0x3FAB]  }
0x28: {  	s2 =	sld [smem:$0x3FAC]  }
0x29: {  	s4 =	sld [smem:$0x3FAE]  }
0x2a: {  	p0 =	seq.s32 s5, $0x0;
	s5 =	sld [smem:$0x3FAF]  }
0x2b: {  	s6 =	sld [smem:$0x3FB0]  }
0x2c: {  	s7 =	sld [smem:$0x3FB1]  }
0x2d: {  	s3 =	simm.s32 $0x108;
	s8 =	sld [smem:$0x3FB2]  }
0x2e: {  	s3 =	simm.s32 @!p0 $0x1082;
	s9 =	sld [smem:$0x3FB3]  }
0x2f: {  	lr =	sadd.s32 s0, s3;
	s0 =	sld [smem:$0x3FAA]  }
0x30: {  	s3 =	sld [smem:$0x3FAD]  }
0x31: {  	[smem:$0x3FB6] =	sst s10  }
0x32: {  	s10 =	sld [smem:$0x3FB4];
	_ =	sdelay $0x3  }
0x33: {  	p0 =	seq.s32 s10, $0x1;
	s10 =	sld [smem:$0x3FB6];
	_ =	sdelay $0x3  }
0x34: {  	[smem:$0x3FB6] =	sst s10  }
0x35: {  	s10 =	sld [smem:$0x3FB5];
	_ =	sdelay $0x3  }
0x36: {  	p1 =	seq.s32 s10, $0x1;
	s10 =	sld [smem:$0x3FB6];
	_ =	sdelay $0x3  }
0x37: {  	[smem:$0x3FB6] =	sst s10  }
0x38: {  	s10 =	sld [smem:$0x3FB7]  }
0x39: {  	_ = 	snop;
	(pc) =	sbr.ind lr, $3  }
0x3a: {  	_ = 	snop  }
0x3b: {  	_ = 	snop  }
0x3c: {  	p2 =	seq.s32 s10, $0x1;
	s10 =	sld [smem:$0x3FB6]  }
0x3d: {  	_ =	shalt  }
0x3e: {  	_ =	shalt  }
0x3f: {  	_ =	shalt  }
0x40: {  	_ =	shalt  }
0x41: {  	_ =	shalt  }
0x42: {  	_ =	shalt  }
0x43: {  	_ =	shalt  }
0x44: {  	_ =	shalt  }
0x45: {  	_ =	shalt  }
0x46: {  	_ =	shalt  }
0x47: {  	_ =	shalt  }
0x48: {  	_ =	shalt  }
0x49: {  	_ =	shalt  }
0x4a: {  	_ =	shalt  }
0x4b: {  	_ =	shalt  }
0x4c: {  	_ =	shalt  }
0x4d: {  	_ =	shalt  }
0x4e: {  	_ =	shalt  }
0x4f: {  	_ =	shalt  }
0x50: {  	_ =	shalt  }
0x51: {  	_ =	shalt  }
0x52: {  	_ =	shalt  }
0x53: {  	_ =	shalt  }
0x54: {  	_ =	shalt  }
0x55: {  	_ =	shalt  }
0x56: {  	_ =	shalt  }
0x57: {  	_ =	shalt  }
0x58: {  	_ =	shalt  }
0x59: {  	_ =	shalt  }
0x5a: {  	_ =	shalt  }
0x5b: {  	_ =	shalt  }
0x5c: {  	_ =	shalt  }
0x5d: {  	_ =	shalt  }
0x5e: {  	_ =	shalt  }
0x5f: {  	_ =	shalt  }
0x60: {  	_ =	shalt  }
0x61: {  	_ =	shalt  }
0x62: {  	_ =	shalt  }
0x63: {  	_ =	shalt  }
0x64: {  	_ =	shalt  }
0x65: {  	_ =	shalt  }
0x66: {  	_ =	shalt  }
0x67: {  	_ =	shalt  }
0x68: {  	_ =	shalt  }
0x69: {  	_ =	shalt  }
0x6a: {  	_ =	shalt  }
0x6b: {  	_ =	shalt  }
0x6c: {  	_ =	shalt  }
0x6d: {  	_ =	shalt  }
0x6e: {  	_ =	shalt  }
0x6f: {  	_ =	shalt  }
0x70: {  	_ =	shalt  }
0x71: {  	_ =	shalt  }
0x72: {  	_ =	shalt  }
0x73: {  	_ =	shalt  }
0x74: {  	_ =	shalt  }
0x75: {  	_ =	shalt  }
0x76: {  	_ =	shalt  }
0x77: {  	_ =	shalt  }
0x78: {  	_ =	shalt  }
0x79: {  	_ =	shalt  }
0x7a: {  	_ =	shalt  }
0x7b: {  	_ =	shalt  }
0x7c: {  	_ =	shalt  }
0x7d: {  	_ =	shalt  }
0x7e: {  	_ =	shalt  }
0x7f: {  	_ =	shalt  }
0x80: {  	_ =	shalt  }
0x81: {  	_ =	shalt  }
0x82: {  	_ =	shalt  }
0x83: {  	_ =	shalt  }
0x84: {  	_ =	shalt  }
0x85: {  	_ =	shalt  }
0x86: {  	_ =	shalt  }
0x87: {  	_ =	shalt  }
.Lfunc_end0:
.L_simem_size_0:
called_computation.1_lowered:
.L_overlay_start_0:
0x88: {  	s2 =	sld [smem:$0x3FD9]  }
0x89: {  	s3 =	sld [smem:$0x3FFE];
	_ =	sdelay $0x1  }
0x8a: {  	s1 =	srdreg.scid  }
0x8b: {  	s0 =	sand.u32 $0x1, s1  }
0x8c: {  	s17 =	sshll.u32 s0, $0xA;
	s2 =	sadd.s32 s3, s2  }
0x8d: {  	s2 =	sadd.s32 s2, s17  }
0x8e: {  	[smem:$0x3FC2] =	sst s2  }
0x8f: {  	_ = 	snop  }
0x90: {  	s2 =	sld [smem:$0x3FD0];
	(tm) =	ssettm $0x1  }
0x91: {  	s18 =	sld [smem:$0x3FFB];
	_ =	sdelay $0x3  }
0x92: {  	_ =	strace s18  }
0x93: {  	s3 =	sld [smem:$0x3FFC];
	_ =	sdelay $0x3  }
0x94: {  	_ =	strace s3  }
0x95: {  	s3 =	sld [smem:$0x3FFD];
	_ =	sdelay $0x3  }
0x96: {  	_ =	strace s3  }
0x97: {  	_ =	strace $0x8FFFFFFF  }
0x98: {  	s19 =	sld [smem:$0x3FDB];
	_ =	sdelay $0x1  }
0x99: {  	s4 =	simm.s32 $_scs_section_size  }
0x9a: {  	s5 =	simm.s32 $_size__tile_overlayer_lowered;
	s6 =	simm.s32 $_tile_overlayer_lowered  }
0x9b: {  	s22 =	simm.s32 $0x1BFF;
	s21 =	sshll.u32 s6, $0x1;
	s3 =	sadd.s32 s4, s19  }
0x9c: {  	s7 =	simm.s32 $0x0;
	s20 =	sshll.u32 s5, $0x1;
	s5 =	sadd.s32 s21, s3  }
0x9d: {  	[timem:s7], [sflag:s22] =	dma.local [hbm:s5], s20  }
0x9e: {  	_ =	swait.ge [sflag:s22], s20  }
0x9f: {  	s4 =	ssub.s32 $0x0, s20;
	[sflag:s22] =	ssyncset.done $0x0  }
0xa0: {  	[sflag:s22] =	ssyncadd.s32 s4;
	_ =	sdelay $0x1  }
0xa1: {  	s23 =	simm.s32 $0x1B8B  }
0xa2: {  	_ =	swait.ge [sflag:s23], $0x1  }
0xa3: {  	[sflag:s23] =	ssyncset.done $0x0  }
0xa4: {  	s25 =	simm.s32 $0x1B8E;
	s24 =	sld [smem:$0x3FFE];
	[sflag:s23] =	ssyncadd.s32 $0xFFFFFFFF  }
0xa5: {  	s26 =	simm.s32 $execute0_lowered;
	[smem:$0x3FD2] =	sst s25  }
0xa6: {  	s5 =	sshll.u32 s26, $0x1;
	_ =	strace $0x80000049;
	[dreg:$0x1] =	wrdreg $0xFFFFFFFF  }
0xa7: {  	s28 =	simm.s32 $_size_execute0_lowered;
	s3 =	sadd.s32 s3, s5;
	[dreg:$0x0] =	wrdreg $0x0  }
0xa8: {  	s5 =	sshll.u32 s28, $0x1;
	[dreg:$0x2] =	wrdreg s3  }
0xa9: {  	[dreg:$0x3] =	wrdreg s5  }
0xaa: {  	[dreg:$0x4] =	wrdreg $0xC0  }
0xab: {  	_ =	task [dreg:s7], $0x5FFFF  }
0xac: {  	[dreg:$0x1] =	wrdreg $0xFFFFFFFF  }
0xad: {  	[dreg:$0x0] =	wrdreg $0x60  }
0xae: {  	[dreg:$0x2] =	wrdreg s2  }
0xaf: {  	[dreg:$0x3] =	wrdreg s24  }
0xb0: {  	[dreg:$0x4] =	wrdreg $0x0  }
0xb1: {  	[dreg:$0x5] =	wrdreg $0x18800  }
0xb2: {  	[dreg:$0x6] =	wrdreg $0x31000  }
0xb3: {  	[dreg:$0x7] =	wrdreg $0x9  }
0xb4: {  	_ =	task.clear_ibuf [dreg:s7], $0x8FFFF;
	_ =	strace $0x90000049  }
0xb5: {  	s29 =	simm.s32 $0x9;
	_ =	strace $0x8000004B  }
0xb6: {  	_ =	swait.ge [sflag:s29], $0x1  }
0xb7: {  	[sflag:s29] =	ssyncadd.s32 $0xFFFFFFFF  }
0xb8: {  	_ =	strace $0x9000004B  }
0xb9: {  	_ =	sfence  }
0xba: {  	s30 =	sld [smem:$0x0];
	_ =	sdelay $0x2  }
0xbb: {  	s31 =	sshll.u32 s1, $0xD;
	s1 =	sshrl.u32 s1, $0x2  }
0xbc: {  	s3 =	sand.u32 $0x4000, s31;
	s1 =	sadd.s32 s1, s30  }
0xbd: {  	s0 =	sor.u32 s3, s0;
	s1 =	sshll.u32 s1, $0x11  }
0xbe: {  	s0 =	sor.u32 s1, s0  }
0xbf: {  	s0 =	sadd.s32 $0x8F2B, s0  }
0xc0: {  	[sflag:s0] =	ssyncadd.remote.s32 $0x1  }
0xc1: {  	_ =	sfence.sel $0xFFFF  }
0xc2: {  	[dreg:$0x0] =	wrdreg $0xFFFFFFFF;
	(pc) =	sbr.abs _section_cstart, $3  }
0xc3: {  	[dreg:$0x1] =	wrdreg $0xFFFFFFFF  }
0xc4: {  	_ =	task.clear_ibuf [dreg:s7], $0x2FFFF;
	_ =	strace $0x9FFFFFFF  }
0xc5: {  	(tm) =	ssettm $0x7FFFFFFF  }
tec
execute0_lowered:
.L_overlay_start_1:
0x0: {  	(tag) =	ssettag $0x1  }
0x1: {  	s0 =	rddreg [dreg:$0x0]  }
0x2: {  	s4 =	rddreg [dreg:$0x1]  }
0x3: {  	s1 =	rddreg [dreg:$0x2]  }
0x4: {  	s2 =	rddreg [dreg:$0x3]  }
0x5: {  	s3 =	rddreg [dreg:$0x4]  }
0x6: {  	s5 =	srdreg.scid;
	s14 =	stileid.u32;
	s17 =	simm.s32 $0x5  }
0x7: {  	s18 =	simm.s32 $0x10F00;
	s28 =	simm.s32 $0xE780;
	s29 =	simm.s32 $0x15E00  }
0x8: {  	s30 =	simm.s32 $0x18580;
	s31 =	simm.s32 $0x2;
	s8 =	sand.u32 $0x1, s5  }
0x9: {  	s5 =	simm.s32 $0x0;
	s10 =	smul.u32 $0x3100, s14;
	s6 =	sadd.s32 $0x2200, s4  }
0xa: {  	s7 =	sadd.s32 $0xC5800, s4;
	s12 =	smul.u32 $0x1880, s14;
	s21 =	sshll.u32 s14, $0x6  }
0xb: {  	s9 =	smul.u32 $0x31000, s8;
	[smem:$0x7FF] =	sst s5;
	s19 =	ssub.s32 $0x2, s8  }
0xc: {  	s8 =	sshll.u32 s8, $0x4;
	_ =	strace $0x8000004A;
	s11 =	sshrl.u32 s19, $0x1  }
0xd: {  	s8 =	sor.u32 s14, s8;
	s20 =	sshrl.u32 s12, $0x3;
	s22 =	sadd.s32 s12, s1  }
0xe: {  	s9 =	sadd.s32 s10, s9;
	s13 =	ssub.s32 s19, s11;
	s0 =	sadd.s32 s0, s20  }
0xf: {  	s10 =	sadd.s32 s12, s2;
	s11 =	sadd.s32 s12, s3;
	s12 =	smul.u32 $0x30D40, s8  }
0x10: {  	s26 =	sshrl.u32 s22, $0x3;
	s19 =	simm.s32 $0x4980;
	s20 =	simm.s32 $0x4  }
0x11: {  	s22 =	simm.s32 $0x2710;
	s9 =	sshrl.u32 s9, $0x3;
	[dreg:$0x6] =	wrdreg s0  }
0x12: {  	s25 =	smax.u32 s13, $0x1;
	[dreg:$0xa] =	wrdreg s26;
	s26 =	simm.s32 $0x9880  }
0x13: {  	s0 =	simm.s32 $0x3;
	s4 =	sadd.s32 s9, s4;
	s9 =	sor.u32 $0x1C05, s21  }
0x14: {  	[dreg:$0x9] =	wrdreg s25;
	s21 =	simm.s32 $0x7100;
	s23 =	sadd.s32 $0x188E00, s4  }
0x15: {  	s25 =	simm.s32 $0x13680;
	s24 =	sadd.s32 $0x188E10, s4;
	[dreg:$0x7] =	wrdreg s23  }
0x16: {  	v0 =	vimm.f32 $0.0e+00;
	[dreg:$0x8] =	wrdreg s24;
	s23 =	simm.s32 $0xC000;
	s24 =	simm.s32 $0x1  }
.LBB2_1:
0x17: {  	s4 =	rddreg [dreg:$0x6]  }
0x18: {  	s8 =	rddreg [dreg:$0xa]  }
0x19: {  	[spmem:s8], [sflag:s9] =	dma.local [hbm:s4], $0x310  }
0x1a: {  	_ =	swait.ge [sflag:s17], $0x310  }
0x1b: {  	[sflag:s17] =	ssyncset.done $0x0  }
0x1c: {  	s13 =	simm.s32 $0x0;
	s4 =	simm.s32 $0x40;
	[sflag:s17] =	ssyncadd.s32 $0xFFFFFCF0  }
.LBB2_2:
0x1d: {  	p0 =	sne.s32 s4, $0x61C0;
	[tilespmem:s13+$0x10F00] =	vst v0;
	s13 =	smov.u32 s4;
	s4 =	sadd.s32 $0x40, s4  }
.Ltmp0:
0x1e: {  	(pc) =	sbr.rel @p0 .LBB2_2-.Ltmp0, $2  }
0x1f: {  	_ =	sdelay $0x2  }
0x20: {  	s13 =	sshra.s32 s13, $0x2  }
0x21: {  	[tilespmem:s13+$0x10F00] =	vst v0  }
0x22: {  	[spmem:s10] =	stream.linear.scatter [tilespmem:s18], [sflag:$0x5], $0x1880, $0x38;
	[tilespmem:$0x1AD00] =	vst v63  }
0x23: {  	_ =	swait.ge [sflag:s17], $0x1880  }
0x24: {  	[sflag:s17] =	ssyncset.done $0x0  }
0x25: {  	[sflag:s17] =	ssyncadd.s32 $0xFFFFE780  }
0x26: {  	[spmem:s11] =	stream.linear.scatter [tilespmem:s18], [sflag:$0x5], $0x1880, $0x38;
	[tilespmem:$0x1AD00] =	vst v63  }
0x27: {  	_ =	swait.ge [sflag:s17], $0x1880  }
0x28: {  	[sflag:s17] =	ssyncset.done $0x0  }
0x29: {  	[sflag:s17] =	ssyncadd.s32 $0xFFFFE780  }
0x2a: {  	s13 =	simm.s32 $0x0;
	s14 =	simm.s32 $0x0;
	[bflag:$0x0] =	sbarrier.arrive $0xFFFF  }
.LBB2_4:
0x2b: {  	s4 =	smul.u32 $0xC350, s14;
	_ =	sdelay $0x1  }
0x2c: {  	s4 =	sadd.s32 s12, s4  }
0x2d: {  	s15 =	sshrl.u32 s4, $0x3  }
0x2e: {  	s4 =	sadd.s32 s6, s15  }
0x2f: {  	[tilespmem:s19], [sflag:$0x4] =	stream.linear.gather [hbm4b:s4+s13], $0x2710, $0x38;
	[tilespmem:$0x1AD00] =	vst v63  }
0x30: {  	_ =	swait.ge [sflag:s20], $0x2710  }
0x31: {  	[sflag:s20] =	ssyncset.done $0x0  }
0x32: {  	s16 =	sadd.s32 s7, s15;
	[sflag:s20] =	ssyncadd.s32 $0xFFFFD8F0  }
0x33: {  	[tilespmem:s21], [sflag:$0x4] =	stream.linear.gather [hbm4b:s16+s13], $0x2710, $0x38;
	[tilespmem:$0x1AD00] =	vst v63  }
0x34: {  	_ =	swait.ge [sflag:s20], $0x2710  }
0x35: {  	[sflag:s20] =	ssyncset.done $0x0  }
0x36: {  	[sflag:s20] =	ssyncadd.s32 $0xFFFFD8F0  }
0x37: {  	[tilespmem:s23], [sflag:$0x1] =	stream.indirect.gather [spmem:s1], $0x1, s19, s22, $0xb8;
	[tilespmem:$0x1AD00] =	vst v63  }
0x38: {  	_ =	swait.ge [sflag:s24], $0x2710  }
0x39: {  	[sflag:s24] =	ssyncset.done $0x0  }
0x3a: {  	s16 =	simm.s32 $0x0;
	[sflag:s24] =	ssyncadd.s32 $0xFFFFD8F0  }
0x3b: {  	v1 =	vld [tilespmem:s16+$0xC000]  }
0x3c: {  	s4 =	simm.s32 $0x40  }
.LBB2_5:
0x3d: {  	p0 =	sne.s32 s4, $0x9C00  }
.Ltmp1:
0x3e: {  	_ = 	snop;
	(pc) =	sbr.rel @p0 .LBB2_5-.Ltmp1, $4  }
0x3f: {  	_ = 	snop  }
0x40: {  	s8 =	sshra.s32 s4, $0x2;
	s4 =	sadd.s32 $0x40, s4;
	v2 =	vand.u32 $0xFFFF0000, v1;
	v3 =	vshll.u32 v1, $0x10  }
0x41: {  	v1 =	vld [tilespmem:s8+$0xC000];
	[tilespmem:s16+$0x13680] =	vst v3  }
0x42: {  	[tilespmem:s16+$0x10F00] =	vst v2;
	s16 =	smov.u32 s8  }
0x43: {  	_ =	sdelay $0x2  }
0x44: {  	v2 =	vshll.u32 v1, $0x10  }
0x45: {  	v1 =	vand.u32 $0xFFFF0000, v1;
	[tilespmem:s16+$0x13680] =	vst v2  }
0x46: {  	[tilespmem:s16+$0x10F00] =	vst v1  }
0x47: {  	[spmem:s2] =	stream.indirect.scatter.add.f32 [tilespmem:s18], [sflag:$0x2], $0x1, s21, s22, $0xb8;
	[tilespmem:$0x1AD00] =	vst v63  }
0x48: {  	s4 =	sadd.s32 $0x4E2, s15  }
0x49: {  	[spmem:s3] =	stream.indirect.scatter.add.f32 [tilespmem:s25], [sflag:$0x2], $0x1, s21, s22, $0xb8;
	[tilespmem:$0x1AD00] =	vst v63  }
0x4a: {  	s8 =	sadd.s32 s6, s4;
	s16 =	simm.s32 $0x0  }
0x4b: {  	[tilespmem:s19], [sflag:$0x4] =	stream.linear.gather [hbm4b:s8+s16], $0x2710, $0x38;
	[tilespmem:$0x1AD00] =	vst v63  }
0x4c: {  	_ =	swait.ge [sflag:s20], $0x2710  }
0x4d: {  	[sflag:s20] =	ssyncset.done $0x0  }
0x4e: {  	s4 =	sadd.s32 s7, s4;
	[sflag:s20] =	ssyncadd.s32 $0xFFFFD8F0  }
0x4f: {  	[tilespmem:s26], [sflag:$0x4] =	stream.linear.gather [hbm4b:s4+s16], $0x2710, $0x38;
	[tilespmem:$0x1AD00] =	vst v63  }
0x50: {  	_ =	swait.ge [sflag:s20], $0x2710  }
0x51: {  	[sflag:s20] =	ssyncset.done $0x0  }
0x52: {  	[sflag:s20] =	ssyncadd.s32 $0xFFFFD8F0  }
0x53: {  	[tilespmem:s28], [sflag:$0x1] =	stream.indirect.gather [spmem:s1], $0x1, s19, s22, $0xb8;
	[tilespmem:$0x1AD00] =	vst v63  }
0x54: {  	_ =	swait.ge [sflag:s24], $0x2710  }
0x55: {  	[sflag:s24] =	ssyncset.done $0x0  }
0x56: {  	s16 =	simm.s32 $0x0;
	[sflag:s24] =	ssyncadd.s32 $0xFFFFD8F0  }
0x57: {  	v1 =	vld [tilespmem:s16+$0xE780]  }
0x58: {  	s4 =	simm.s32 $0x40  }
.LBB2_7:
0x59: {  	p0 =	sne.s32 s4, $0x9C00  }
.Ltmp2:
0x5a: {  	_ = 	snop;
	(pc) =	sbr.rel @p0 .LBB2_7-.Ltmp2, $4  }
0x5b: {  	_ = 	snop  }
0x5c: {  	s8 =	sshra.s32 s4, $0x2;
	s4 =	sadd.s32 $0x40, s4;
	v2 =	vand.u32 $0xFFFF0000, v1;
	v3 =	vshll.u32 v1, $0x10  }
0x5d: {  	v1 =	vld [tilespmem:s8+$0xE780];
	[tilespmem:s16+$0x18580] =	vst v3  }
0x5e: {  	[tilespmem:s16+$0x15E00] =	vst v2;
	s16 =	smov.u32 s8  }
0x5f: {  	_ =	sdelay $0x2  }
0x60: {  	v2 =	vshll.u32 v1, $0x10  }
0x61: {  	v1 =	vand.u32 $0xFFFF0000, v1;
	[tilespmem:s16+$0x18580] =	vst v2  }
0x62: {  	[tilespmem:s16+$0x15E00] =	vst v1  }
0x63: {  	[spmem:s2] =	stream.indirect.scatter.add.f32 [tilespmem:s29], [sflag:$0x3], $0x1, s26, s22, $0xb8;
	[tilespmem:$0x1AD00] =	vst v63  }
0x64: {  	s4 =	sadd.s32 $0x9C4, s15  }
0x65: {  	[spmem:s3] =	stream.indirect.scatter.add.f32 [tilespmem:s30], [sflag:$0x3], $0x1, s26, s22, $0xb8;
	[tilespmem:$0x1AD00] =	vst v63  }
0x66: {  	s8 =	sadd.s32 s6, s4;
	s16 =	simm.s32 $0x0  }
0x67: {  	[tilespmem:s19], [sflag:$0x4] =	stream.linear.gather [hbm4b:s8+s16], $0x2710, $0x38;
	[tilespmem:$0x1AD00] =	vst v63  }
0x68: {  	_ =	swait.ge [sflag:s20], $0x2710  }
0x69: {  	[sflag:s20] =	ssyncset.done $0x0  }
0x6a: {  	[sflag:s20] =	ssyncadd.s32 $0xFFFFD8F0  }
0x6b: {  	_ =	swait.ge [sflag:s31], $0x2710  }
0x6c: {  	[sflag:s31] =	ssyncset.done $0x0  }
0x6d: {  	[sflag:s31] =	ssyncadd.s32 $0xFFFFD8F0  }
0x6e: {  	_ =	swait.ge [sflag:s31], $0x2710  }
0x6f: {  	[sflag:s31] =	ssyncset.done $0x0  }
0x70: {  	s4 =	sadd.s32 s7, s4;
	[sflag:s31] =	ssyncadd.s32 $0xFFFFD8F0  }
0x71: {  	[tilespmem:s21], [sflag:$0x4] =	stream.linear.gather [hbm4b:s4+s16], $0x2710, $0x38;
	[tilespmem:$0x1AD00] =	vst v63  }
0x72: {  	_ =	swait.ge [sflag:s20], $0x2710  }
0x73: {  	[sflag:s20] =	ssyncset.done $0x0  }
0x74: {  	[sflag:s20] =	ssyncadd.s32 $0xFFFFD8F0  }
0x75: {  	[tilespmem:s23], [sflag:$0x1] =	stream.indirect.gather [spmem:s1], $0x1, s19, s22, $0xb8;
	[tilespmem:$0x1AD00] =	vst v63  }
0x76: {  	_ =	swait.ge [sflag:s24], $0x2710  }
0x77: {  	[sflag:s24] =	ssyncset.done $0x0  }
0x78: {  	s16 =	simm.s32 $0x0;
	[sflag:s24] =	ssyncadd.s32 $0xFFFFD8F0  }
0x79: {  	v1 =	vld [tilespmem:s16+$0xC000]  }
0x7a: {  	s4 =	simm.s32 $0x40  }
.LBB2_9:
0x7b: {  	p0 =	sne.s32 s4, $0x9C00  }
.Ltmp3:
0x7c: {  	_ = 	snop;
	(pc) =	sbr.rel @p0 .LBB2_9-.Ltmp3, $4  }
0x7d: {  	_ = 	snop  }
0x7e: {  	s8 =	sshra.s32 s4, $0x2;
	s4 =	sadd.s32 $0x40, s4;
	v2 =	vand.u32 $0xFFFF0000, v1;
	v3 =	vshll.u32 v1, $0x10  }
0x7f: {  	v1 =	vld [tilespmem:s8+$0xC000];
	[tilespmem:s16+$0x13680] =	vst v3  }
0x80: {  	[tilespmem:s16+$0x10F00] =	vst v2;
	s16 =	smov.u32 s8  }
0x81: {  	_ =	sdelay $0x2  }
0x82: {  	v2 =	vshll.u32 v1, $0x10  }
0x83: {  	v1 =	vand.u32 $0xFFFF0000, v1;
	[tilespmem:s16+$0x13680] =	vst v2  }
0x84: {  	[tilespmem:s16+$0x10F00] =	vst v1  }
0x85: {  	[spmem:s2] =	stream.indirect.scatter.add.f32 [tilespmem:s18], [sflag:$0x2], $0x1, s21, s22, $0xb8;
	[tilespmem:$0x1AD00] =	vst v63  }
0x86: {  	s4 =	sadd.s32 $0xEA6, s15  }
0x87: {  	[spmem:s3] =	stream.indirect.scatter.add.f32 [tilespmem:s25], [sflag:$0x2], $0x1, s21, s22, $0xb8;
	[tilespmem:$0x1AD00] =	vst v63  }
0x88: {  	s8 =	sadd.s32 s6, s4;
	s16 =	simm.s32 $0x0  }
0x89: {  	[tilespmem:s19], [sflag:$0x4] =	stream.linear.gather [hbm4b:s8+s16], $0x2710, $0x38;
	[tilespmem:$0x1AD00] =	vst v63  }
0x8a: {  	_ =	swait.ge [sflag:s20], $0x2710  }
0x8b: {  	[sflag:s20] =	ssyncset.done $0x0  }
0x8c: {  	[sflag:s20] =	ssyncadd.s32 $0xFFFFD8F0  }
0x8d: {  	_ =	swait.ge [sflag:s0], $0x2710  }
0x8e: {  	[sflag:s0] =	ssyncset.done $0x0  }
0x8f: {  	[sflag:s0] =	ssyncadd.s32 $0xFFFFD8F0  }
0x90: {  	_ =	swait.ge [sflag:s0], $0x2710  }
0x91: {  	[sflag:s0] =	ssyncset.done $0x0  }
0x92: {  	s4 =	sadd.s32 s7, s4;
	[sflag:s0] =	ssyncadd.s32 $0xFFFFD8F0  }
0x93: {  	[tilespmem:s26], [sflag:$0x4] =	stream.linear.gather [hbm4b:s4+s16], $0x2710, $0x38;
	[tilespmem:$0x1AD00] =	vst v63  }
0x94: {  	_ =	swait.ge [sflag:s20], $0x2710  }
0x95: {  	[sflag:s20] =	ssyncset.done $0x0  }
0x96: {  	[sflag:s20] =	ssyncadd.s32 $0xFFFFD8F0  }
0x97: {  	[tilespmem:s28], [sflag:$0x1] =	stream.indirect.gather [spmem:s1], $0x1, s19, s22, $0xb8;
	[tilespmem:$0x1AD00] =	vst v63  }
0x98: {  	_ =	swait.ge [sflag:s24], $0x2710  }
0x99: {  	[sflag:s24] =	ssyncset.done $0x0  }
0x9a: {  	s16 =	simm.s32 $0x0;
	[sflag:s24] =	ssyncadd.s32 $0xFFFFD8F0  }
0x9b: {  	v1 =	vld [tilespmem:s16+$0xE780]  }
0x9c: {  	s4 =	simm.s32 $0x40  }
.LBB2_11:
0x9d: {  	p0 =	sne.s32 s4, $0x9C00  }
.Ltmp4:
0x9e: {  	_ = 	snop;
	(pc) =	sbr.rel @p0 .LBB2_11-.Ltmp4, $4  }
0x9f: {  	_ = 	snop  }
0xa0: {  	s8 =	sshra.s32 s4, $0x2;
	s4 =	sadd.s32 $0x40, s4;
	v2 =	vand.u32 $0xFFFF0000, v1;
	v3 =	vshll.u32 v1, $0x10  }
0xa1: {  	v1 =	vld [tilespmem:s8+$0xE780];
	[tilespmem:s16+$0x18580] =	vst v3  }
0xa2: {  	[tilespmem:s16+$0x15E00] =	vst v2;
	s16 =	smov.u32 s8  }
0xa3: {  	_ =	sdelay $0x2  }
0xa4: {  	v2 =	vshll.u32 v1, $0x10  }
0xa5: {  	v1 =	vand.u32 $0xFFFF0000, v1;
	[tilespmem:s16+$0x18580] =	vst v2  }
0xa6: {  	[tilespmem:s16+$0x15E00] =	vst v1  }
0xa7: {  	[spmem:s2] =	stream.indirect.scatter.add.f32 [tilespmem:s29], [sflag:$0x3], $0x1, s26, s22, $0xb8;
	[tilespmem:$0x1AD00] =	vst v63  }
0xa8: {  	s4 =	sadd.s32 $0x1388, s15  }
0xa9: {  	[spmem:s3] =	stream.indirect.scatter.add.f32 [tilespmem:s30], [sflag:$0x3], $0x1, s26, s22, $0xb8;
	[tilespmem:$0x1AD00] =	vst v63  }
0xaa: {  	s8 =	sadd.s32 s6, s4;
	s16 =	simm.s32 $0x0  }
0xab: {  	[tilespmem:s19], [sflag:$0x4] =	stream.linear.gather [hbm4b:s8+s16], $0x2710, $0x38;
	[tilespmem:$0x1AD00] =	vst v63  }
0xac: {  	_ =	swait.ge [sflag:s20], $0x2710  }
0xad: {  	[sflag:s20] =	ssyncset.done $0x0  }
0xae: {  	[sflag:s20] =	ssyncadd.s32 $0xFFFFD8F0  }
0xaf: {  	_ =	swait.ge [sflag:s31], $0x2710  }
0xb0: {  	[sflag:s31] =	ssyncset.done $0x0  }
0xb1: {  	[sflag:s31] =	ssyncadd.s32 $0xFFFFD8F0  }
0xb2: {  	_ =	swait.ge [sflag:s31], $0x2710  }
0xb3: {  	[sflag:s31] =	ssyncset.done $0x0  }
0xb4: {  	s4 =	sadd.s32 s7, s4;
	[sflag:s31] =	ssyncadd.s32 $0xFFFFD8F0  }
0xb5: {  	[tilespmem:s21], [sflag:$0x4] =	stream.linear.gather [hbm4b:s4+s16], $0x2710, $0x38;
	[tilespmem:$0x1AD00] =	vst v63  }
0xb6: {  	_ =	swait.ge [sflag:s20], $0x2710  }
0xb7: {  	[sflag:s20] =	ssyncset.done $0x0  }
0xb8: {  	[sflag:s20] =	ssyncadd.s32 $0xFFFFD8F0  }
0xb9: {  	[tilespmem:s23], [sflag:$0x1] =	stream.indirect.gather [spmem:s1], $0x1, s19, s22, $0xb8;
	[tilespmem:$0x1AD00] =	vst v63  }
0xba: {  	_ =	swait.ge [sflag:s24], $0x2710  }
0xbb: {  	[sflag:s24] =	ssyncset.done $0x0  }
0xbc: {  	s15 =	simm.s32 $0x0;
	[sflag:s24] =	ssyncadd.s32 $0xFFFFD8F0  }
0xbd: {  	v1 =	vld [tilespmem:s15+$0xC000]  }
0xbe: {  	s4 =	simm.s32 $0x40  }
.LBB2_13:
0xbf: {  	p0 =	sne.s32 s4, $0x9C00  }
.Ltmp5:
0xc0: {  	_ = 	snop;
	(pc) =	sbr.rel @p0 .LBB2_13-.Ltmp5, $4  }
0xc1: {  	_ = 	snop  }
0xc2: {  	s8 =	sshra.s32 s4, $0x2;
	s4 =	sadd.s32 $0x40, s4;
	v2 =	vand.u32 $0xFFFF0000, v1;
	v3 =	vshll.u32 v1, $0x10  }
0xc3: {  	v1 =	vld [tilespmem:s8+$0xC000];
	[tilespmem:s15+$0x13680] =	vst v3  }
0xc4: {  	[tilespmem:s15+$0x10F00] =	vst v2;
	s15 =	smov.u32 s8  }
0xc5: {  	_ =	sdelay $0x2  }
0xc6: {  	v2 =	vshll.u32 v1, $0x10  }
0xc7: {  	v1 =	vand.u32 $0xFFFF0000, v1;
	[tilespmem:s15+$0x13680] =	vst v2  }
0xc8: {  	[tilespmem:s15+$0x10F00] =	vst v1  }
0xc9: {  	[spmem:s2] =	stream.indirect.scatter.add.f32 [tilespmem:s18], [sflag:$0x2], $0x1, s21, s22, $0xb8;
	[tilespmem:$0x1AD00] =	vst v63  }
0xca: {  	_ = 	snop  }
0xcb: {  	[spmem:s3] =	stream.indirect.scatter.add.f32 [tilespmem:s25], [sflag:$0x2], $0x1, s21, s22, $0xb8;
	[tilespmem:$0x1AD00] =	vst v63  }
0xcc: {  	_ =	swait.ge [sflag:s0], $0x2710  }
0xcd: {  	[sflag:s0] =	ssyncset.done $0x0  }
0xce: {  	[sflag:s0] =	ssyncadd.s32 $0xFFFFD8F0  }
0xcf: {  	_ =	swait.ge [sflag:s0], $0x2710  }
0xd0: {  	[sflag:s0] =	ssyncset.done $0x0  }
0xd1: {  	s14 =	sadd.s32 $0x1, s14;
	[sflag:s0] =	ssyncadd.s32 $0xFFFFD8F0  }
0xd2: {  	p0 =	sne.s32 s14, $0x4;
	_ =	swait.ge [sflag:s31], $0x2710  }
.Ltmp6:
0xd3: {  	[sflag:s31] =	ssyncset.done $0x0;
	(pc) =	sbr.rel @p0 .LBB2_4-.Ltmp6, $4  }
0xd4: {  	[sflag:s31] =	ssyncadd.s32 $0xFFFFD8F0  }
0xd5: {  	_ =	swait.ge [sflag:s31], $0x2710  }
0xd6: {  	[sflag:s31] =	ssyncset.done $0x0  }
0xd7: {  	[sflag:s31] =	ssyncadd.s32 $0xFFFFD8F0  }
0xd8: {  	[bflag:$0x0] =	sbarrier.arrive $0xFFFF;
	s4 =	sshrl.u32 s10, $0x3  }
0xd9: {  	s13 =	simm.s32 $0x20;
	s14 =	simm.s32 $0x10;
	s8 =	rddreg [dreg:$0x7]  }
0xda: {  	[hbm:s8@s13], [sflag:s9] =	dma.strided [spmem:s4@s14], $0x310, s24, $0x10   }
0xdb: {  	_ =	swait.ge [sflag:s17], $0x310  }
0xdc: {  	[sflag:s17] =	ssyncset.done $0x0  }
0xdd: {  	s8 =	sshrl.u32 s11, $0x3;
	s15 =	rddreg [dreg:$0x8];
	[sflag:s17] =	ssyncadd.s32 $0xFFFFFCF0  }
0xde: {  	[hbm:s15@s13], [sflag:s9] =	dma.strided [spmem:s8@s14], $0x310, s24, $0x10   }
0xdf: {  	_ =	swait.ge [sflag:s17], $0x310  }
0xe0: {  	s5 =	sadd.s32 $0x1, s5;
	s16 =	rddreg [dreg:$0x9]  }
0xe1: {  	p0 =	sne.s32 s5, s16  }
.Ltmp7:
0xe2: {  	_ = 	snop;
	(pc) =	sbr.rel @p0 .LBB2_1-.Ltmp7, $3  }
0xe3: {  	_ =	sdelay $0x1  }
0xe4: {  	[sflag:s17] =	ssyncset.done $0x0  }
0xe5: {  	[sflag:s17] =	ssyncadd.s32 $0xFFFFFCF0  }
0xe6: {  	_ =	sfence.sel $0x180000  }
0xe7: {  	[bflag:$0x0] =	sbarrier.arrive $0xFFFF  }
0xe8: {  	_ =	strace $0x9000004A  }
0xe9: {  	s0 =	stileid.u32;
	[bflag:$0x2] =	sbarrier.arrive $0xFFFF  }
0xea: {  	p0 =	sne.s32 s0, $0x0;
	s0 =	rddreg [dreg:$0x5]  }
0xeb: {  	s0 =	sadd.s32 @!p0 $0x100000, s0  }
0xec: {  	[sflag:s0] =	ssyncadd.tile.s32 @!p0 $0x1;
	_ =	shalt  }
.Lfunc_end2:
_tile_overlayer_lowered:
.L_overlay_start_2:
0xed: {  	(tag) =	ssettag $0x2  }
0xee: {  	s0 =	rddreg [dreg:$0x0];
	s2 =	stileid.u32  }
0xef: {  	s1 =	rddreg [dreg:$0x1];
	p0 =	sne.s32 s2, $0x0  }
0xf0: {  	s3 =	rddreg [dreg:$0x2];
	[bflag:$0x3] =	sbarrier.arrive $0xFFFF;
	s2 =	simm.s32 @!p0 $0x1C05  }
0xf1: {  	[timem:s3], [sflag:s2] =	dma.local @!p0 [hbm:s0], s1  }
0xf2: {  	s0 =	simm.s32 @!p0 $0x5  }
0xf3: {  	_ =	swait.ge @!p0 [sflag:s0], s1  }
0xf4: {  	s1 =	ssub.s32 @!p0 $0x0, s1;
	[sflag:s0] =	ssyncset.done @!p0 $0x0  }
0xf5: {  	[sflag:s0] =	ssyncadd.s32 @!p0 s1  }
0xf6: {  	[bflag:$0x3] =	sbarrier.arrive $0xFFFF  }
0xf7: {  	_ =	shalt  }

// kernel: kernel.14.cloned.1.call-start
scs
__scs_entry_jumppad:
0x0: {  	(pc) =	sbr.rel $0x88, $3  }
0x1: {  	(tag) =	ssettag $0x0;
	lr =	simm.s32 $0x1  }
0x2: {  	[smem:$0x3F9B] =	sst lr;
	_ =	strace $0xD0000000  }
0x3: {  	_ = 	snop  }
0x4: {  	_ = 	snop  }
0x5: {  	_ = 	snop  }
0x6: {  	_ = 	snop  }
0x7: {  	_ = 	snop  }
__scs_overlays_trampoline_lowered:
0x8: {  	[smem:$0x3FAA] =	sst s0  }
0x9: {  	[smem:$0x3FAB] =	sst s1  }
0xa: {  	[smem:$0x3FAC] =	sst s2  }
0xb: {  	[smem:$0x3FAD] =	sst s3  }
0xc: {  	[smem:$0x3FAE] =	sst s4  }
0xd: {  	[smem:$0x3FAF] =	sst s5  }
0xe: {  	[smem:$0x3FB0] =	sst s6  }
0xf: {  	[smem:$0x3FB1] =	sst s7  }
0x10: {  	[smem:$0x3FB2] =	sst s8  }
0x11: {  	[smem:$0x3FB3] =	sst s9;
	s0 =	simm.s32 @!p0 $0x0  }
0x12: {  	s1 =	sld [smem:$0x3F99];
	s0 =	simm.s32 @p0 $0x1  }
0x13: {  	[smem:$0x3FB4] =	sst s0;
	s0 =	simm.s32 @!p1 $0x0  }
0x14: {  	s2 =	sld [smem:$0x3F98];
	s0 =	simm.s32 @p1 $0x1  }
0x15: {  	[smem:$0x3FB5] =	sst s0;
	s0 =	simm.s32 @!p2 $0x0  }
0x16: {  	s3 =	sld [smem:$0x3FDB];
	s0 =	simm.s32 @p2 $0x1  }
0x17: {  	s4 =	simm.s32 $0x1BF5;
	[smem:$0x3FB7] =	sst s0  }
0x18: {  	s0 =	sld [smem:$0x3F9A];
	_ =	swait.ge [sflag:s4], $0x0  }
0x19: {  	s7 =	sld [smem:$0x3F9B]  }
0x1a: {  	s8 =	sadd.s32 $0xFFFFE003, lr  }
0x1b: {  	s9 =	sadd.s32 $0xFFFFFEF7, lr;
	s5 =	simm.s32 $0xFFFFFFFF;
	p2 =	slt.u32 s8, $0xFFFFF086  }
0x1c: {  	p1 =	slt.u32 s9, $0xF7A;
	s5 =	simm.s32 @!p2 $0x0  }
0x1d: {  	s5 =	simm.s32 @p1 $0x1;
	p0 =	seq.s32 s7, s2  }
0x1e: {  	s7 =	smul.u32 @!p0 $0xF7A, s2;
	p2 =	seq.s32 @!p0 s5, $0x0  }
0x1f: {  	s9 =	smul.u32 $0xF7A, s1;
	s8 =	simm.s32 @!p0 $0x1BF5;
	p2 =	por !p2, p0  }
0x20: {  	[sflag:s8] =	ssyncset.s32 @!p0 $0xFFFFF086;
	s6 =	sadd.s32 @!p0 s3, s7;
	s7 =	simm.s32 @!p0 $0x108  }
0x21: {  	s3 =	sadd.s32 s3, s9;
	s6 =	sadd.s32 @!p0 $0x88, s6;
	s7 =	simm.s32 @p2 $0x1082  }
0x22: {  	[simem:s7], [sflag:s8] =	dma.local @!p0 [hbm:s6], $0xF7A  }
0x23: {  	s9 =	sor.u32 $0xD0000000, s2;
	s6 =	simm.s32 $0x108;
	_ =	swait.ge @!p0 [sflag:s8], $0x0  }
0x24: {  	s3 =	sadd.s32 $0x88, s3;
	s6 =	simm.s32 @!p1 $0x1082;
	[sflag:s4] =	ssyncset.s32 $0xFFFFF086  }
0x25: {  	[simem:s6], [sflag:s4] =	dma.local [hbm:s3], $0xF7A  }
0x26: {  	[smem:$0x3F9B] =	sst s1;
	(tag) =	ssettag s2;
	_ =	strace s9  }
0x27: {  	s1 =	sld [smem:$0x3FAB]  }
0x28: {  	s2 =	sld [smem:$0x3FAC]  }
0x29: {  	s4 =	sld [smem:$0x3FAE]  }
0x2a: {  	p0 =	seq.s32 s5, $0x0;
	s5 =	sld [smem:$0x3FAF]  }
0x2b: {  	s6 =	sld [smem:$0x3FB0]  }
0x2c: {  	s7 =	sld [smem:$0x3FB1]  }
0x2d: {  	s3 =	simm.s32 $0x108;
	s8 =	sld [smem:$0x3FB2]  }
0x2e: {  	s3 =	simm.s32 @!p0 $0x1082;
	s9 =	sld [smem:$0x3FB3]  }
0x2f: {  	lr =	sadd.s32 s0, s3;
	s0 =	sld [smem:$0x3FAA]  }
0x30: {  	s3 =	sld [smem:$0x3FAD]  }
0x31: {  	[smem:$0x3FB6] =	sst s10  }
0x32: {  	s10 =	sld [smem:$0x3FB4];
	_ =	sdelay $0x3  }
0x33: {  	p0 =	seq.s32 s10, $0x1;
	s10 =	sld [smem:$0x3FB6];
	_ =	sdelay $0x3  }
0x34: {  	[smem:$0x3FB6] =	sst s10  }
0x35: {  	s10 =	sld [smem:$0x3FB5];
	_ =	sdelay $0x3  }
0x36: {  	p1 =	seq.s32 s10, $0x1;
	s10 =	sld [smem:$0x3FB6];
	_ =	sdelay $0x3  }
0x37: {  	[smem:$0x3FB6] =	sst s10  }
0x38: {  	s10 =	sld [smem:$0x3FB7]  }
0x39: {  	_ = 	snop;
	(pc) =	sbr.ind lr, $3  }
0x3a: {  	_ = 	snop  }
0x3b: {  	_ = 	snop  }
0x3c: {  	p2 =	seq.s32 s10, $0x1;
	s10 =	sld [smem:$0x3FB6]  }
0x3d: {  	_ =	shalt  }
0x3e: {  	_ =	shalt  }
0x3f: {  	_ =	shalt  }
0x40: {  	_ =	shalt  }
0x41: {  	_ =	shalt  }
0x42: {  	_ =	shalt  }
0x43: {  	_ =	shalt  }
0x44: {  	_ =	shalt  }
0x45: {  	_ =	shalt  }
0x46: {  	_ =	shalt  }
0x47: {  	_ =	shalt  }
0x48: {  	_ =	shalt  }
0x49: {  	_ =	shalt  }
0x4a: {  	_ =	shalt  }
0x4b: {  	_ =	shalt  }
0x4c: {  	_ =	shalt  }
0x4d: {  	_ =	shalt  }
0x4e: {  	_ =	shalt  }
0x4f: {  	_ =	shalt  }
0x50: {  	_ =	shalt  }
0x51: {  	_ =	shalt  }
0x52: {  	_ =	shalt  }
0x53: {  	_ =	shalt  }
0x54: {  	_ =	shalt  }
0x55: {  	_ =	shalt  }
0x56: {  	_ =	shalt  }
0x57: {  	_ =	shalt  }
0x58: {  	_ =	shalt  }
0x59: {  	_ =	shalt  }
0x5a: {  	_ =	shalt  }
0x5b: {  	_ =	shalt  }
0x5c: {  	_ =	shalt  }
0x5d: {  	_ =	shalt  }
0x5e: {  	_ =	shalt  }
0x5f: {  	_ =	shalt  }
0x60: {  	_ =	shalt  }
0x61: {  	_ =	shalt  }
0x62: {  	_ =	shalt  }
0x63: {  	_ =	shalt  }
0x64: {  	_ =	shalt  }
0x65: {  	_ =	shalt  }
0x66: {  	_ =	shalt  }
0x67: {  	_ =	shalt  }
0x68: {  	_ =	shalt  }
0x69: {  	_ =	shalt  }
0x6a: {  	_ =	shalt  }
0x6b: {  	_ =	shalt  }
0x6c: {  	_ =	shalt  }
0x6d: {  	_ =	shalt  }
0x6e: {  	_ =	shalt  }
0x6f: {  	_ =	shalt  }
0x70: {  	_ =	shalt  }
0x71: {  	_ =	shalt  }
0x72: {  	_ =	shalt  }
0x73: {  	_ =	shalt  }
0x74: {  	_ =	shalt  }
0x75: {  	_ =	shalt  }
0x76: {  	_ =	shalt  }
0x77: {  	_ =	shalt  }
0x78: {  	_ =	shalt  }
0x79: {  	_ =	shalt  }
0x7a: {  	_ =	shalt  }
0x7b: {  	_ =	shalt  }
0x7c: {  	_ =	shalt  }
0x7d: {  	_ =	shalt  }
0x7e: {  	_ =	shalt  }
0x7f: {  	_ =	shalt  }
0x80: {  	_ =	shalt  }
0x81: {  	_ =	shalt  }
0x82: {  	_ =	shalt  }
0x83: {  	_ =	shalt  }
0x84: {  	_ =	shalt  }
0x85: {  	_ =	shalt  }
0x86: {  	_ =	shalt  }
0x87: {  	_ =	shalt  }
.Lfunc_end0:
.L_simem_size_0:
called_computation.2_lowered:
.L_overlay_start_0:
0x88: {  	s2 =	sld [smem:$0x3FD9]  }
0x89: {  	s3 =	sld [smem:$0x3FFE];
	_ =	sdelay $0x1  }
0x8a: {  	s1 =	srdreg.scid  }
0x8b: {  	s0 =	sand.u32 $0x1, s1  }
0x8c: {  	s17 =	sshll.u32 s0, $0xA;
	s2 =	sadd.s32 s3, s2  }
0x8d: {  	s2 =	sadd.s32 s2, s17  }
0x8e: {  	[smem:$0x3FC2] =	sst s2  }
0x8f: {  	_ = 	snop  }
0x90: {  	s2 =	sld [smem:$0x3FD0];
	(tm) =	ssettm $0x1  }
0x91: {  	s18 =	sld [smem:$0x3FFB];
	_ =	sdelay $0x3  }
0x92: {  	_ =	strace s18  }
0x93: {  	s3 =	sld [smem:$0x3FFC];
	_ =	sdelay $0x3  }
0x94: {  	_ =	strace s3  }
0x95: {  	s3 =	sld [smem:$0x3FFD];
	_ =	sdelay $0x3  }
0x96: {  	_ =	strace s3  }
0x97: {  	_ =	strace $0x8FFFFFFF  }
0x98: {  	s19 =	sld [smem:$0x3FDB];
	_ =	sdelay $0x1  }
0x99: {  	s4 =	simm.s32 $_scs_section_size  }
0x9a: {  	s5 =	simm.s32 $_size__tile_overlayer_lowered;
	s6 =	simm.s32 $_tile_overlayer_lowered  }
0x9b: {  	s22 =	simm.s32 $0x1BFF;
	s21 =	sshll.u32 s6, $0x1;
	s3 =	sadd.s32 s4, s19  }
0x9c: {  	s7 =	simm.s32 $0x0;
	s20 =	sshll.u32 s5, $0x1;
	s5 =	sadd.s32 s21, s3  }
0x9d: {  	[timem:s7], [sflag:s22] =	dma.local [hbm:s5], s20  }
0x9e: {  	_ =	swait.ge [sflag:s22], s20  }
0x9f: {  	s4 =	ssub.s32 $0x0, s20;
	[sflag:s22] =	ssyncset.done $0x0  }
0xa0: {  	[sflag:s22] =	ssyncadd.s32 s4;
	_ =	sdelay $0x1  }
0xa1: {  	s23 =	simm.s32 $0x1B8B  }
0xa2: {  	_ =	swait.ge [sflag:s23], $0x1  }
0xa3: {  	[sflag:s23] =	ssyncset.done $0x0  }
0xa4: {  	s25 =	simm.s32 $0x1B8E;
	s24 =	sld [smem:$0x3FFE];
	[sflag:s23] =	ssyncadd.s32 $0xFFFFFFFF  }
0xa5: {  	s26 =	simm.s32 $execute0_lowered;
	[smem:$0x3FD2] =	sst s25  }
0xa6: {  	s5 =	sshll.u32 s26, $0x1;
	_ =	strace $0x8000004C;
	[dreg:$0x1] =	wrdreg $0xFFFFFFFF  }
0xa7: {  	s28 =	simm.s32 $_size_execute0_lowered;
	s3 =	sadd.s32 s3, s5;
	[dreg:$0x0] =	wrdreg $0x0  }
0xa8: {  	s5 =	sshll.u32 s28, $0x1;
	[dreg:$0x2] =	wrdreg s3  }
0xa9: {  	[dreg:$0x3] =	wrdreg s5  }
0xaa: {  	[dreg:$0x4] =	wrdreg $0xC0  }
0xab: {  	_ =	task [dreg:s7], $0x5FFFF  }
0xac: {  	[dreg:$0x1] =	wrdreg $0xFFFFFFFF  }
0xad: {  	[dreg:$0x0] =	wrdreg $0x60  }
0xae: {  	[dreg:$0x2] =	wrdreg s2  }
0xaf: {  	[dreg:$0x3] =	wrdreg s24  }
0xb0: {  	[dreg:$0x4] =	wrdreg $0x0  }
0xb1: {  	[dreg:$0x5] =	wrdreg $0x18800  }
0xb2: {  	[dreg:$0x6] =	wrdreg $0x31000  }
0xb3: {  	[dreg:$0x7] =	wrdreg $0x9  }
0xb4: {  	_ =	task.clear_ibuf [dreg:s7], $0x8FFFF;
	_ =	strace $0x9000004C  }
0xb5: {  	s29 =	simm.s32 $0x9;
	_ =	strace $0x8000004E  }
0xb6: {  	_ =	swait.ge [sflag:s29], $0x1  }
0xb7: {  	[sflag:s29] =	ssyncadd.s32 $0xFFFFFFFF  }
0xb8: {  	_ =	strace $0x9000004E  }
0xb9: {  	_ =	sfence  }
0xba: {  	s30 =	sld [smem:$0x0];
	_ =	sdelay $0x2  }
0xbb: {  	s31 =	sshll.u32 s1, $0xD;
	s1 =	sshrl.u32 s1, $0x2  }
0xbc: {  	s3 =	sand.u32 $0x4000, s31;
	s1 =	sadd.s32 s1, s30  }
0xbd: {  	s0 =	sor.u32 s3, s0;
	s1 =	sshll.u32 s1, $0x11  }
0xbe: {  	s0 =	sor.u32 s1, s0  }
0xbf: {  	s0 =	sadd.s32 $0x8F2B, s0  }
0xc0: {  	[sflag:s0] =	ssyncadd.remote.s32 $0x1  }
0xc1: {  	_ =	sfence.sel $0xFFFF  }
0xc2: {  	[dreg:$0x0] =	wrdreg $0xFFFFFFFF;
	(pc) =	sbr.abs _section_cstart, $3  }
0xc3: {  	[dreg:$0x1] =	wrdreg $0xFFFFFFFF  }
0xc4: {  	_ =	task.clear_ibuf [dreg:s7], $0x2FFFF;
	_ =	strace $0x9FFFFFFF  }
0xc5: {  	(tm) =	ssettm $0x7FFFFFFF  }
tec
execute0_lowered:
.L_overlay_start_1:
0x0: {  	(tag) =	ssettag $0x1  }
0x1: {  	s0 =	rddreg [dreg:$0x0]  }
0x2: {  	s4 =	rddreg [dreg:$0x1]  }
0x3: {  	s1 =	rddreg [dreg:$0x2]  }
0x4: {  	s2 =	rddreg [dreg:$0x3]  }
0x5: {  	s3 =	rddreg [dreg:$0x4]  }
0x6: {  	s5 =	srdreg.scid;
	s14 =	stileid.u32;
	s17 =	simm.s32 $0x5  }
0x7: {  	s18 =	simm.s32 $0x10F00;
	s28 =	simm.s32 $0xE780;
	s29 =	simm.s32 $0x15E00  }
0x8: {  	s30 =	simm.s32 $0x18580;
	s31 =	simm.s32 $0x2;
	s8 =	sand.u32 $0x1, s5  }
0x9: {  	s5 =	simm.s32 $0x0;
	s10 =	smul.u32 $0x3100, s14;
	s6 =	sadd.s32 $0x2200, s4  }
0xa: {  	s7 =	sadd.s32 $0xC5800, s4;
	s12 =	smul.u32 $0x1880, s14;
	s21 =	sshll.u32 s14, $0x6  }
0xb: {  	s9 =	smul.u32 $0x31000, s8;
	[smem:$0x7FF] =	sst s5;
	s19 =	ssub.s32 $0x2, s8  }
0xc: {  	s8 =	sshll.u32 s8, $0x4;
	_ =	strace $0x8000004D;
	s11 =	sshrl.u32 s19, $0x1  }
0xd: {  	s8 =	sor.u32 s14, s8;
	s20 =	sshrl.u32 s12, $0x3;
	s22 =	sadd.s32 s12, s1  }
0xe: {  	s9 =	sadd.s32 s10, s9;
	s13 =	ssub.s32 s19, s11;
	s0 =	sadd.s32 s0, s20  }
0xf: {  	s10 =	sadd.s32 s12, s2;
	s11 =	sadd.s32 s12, s3;
	s12 =	smul.u32 $0x30D40, s8  }
0x10: {  	s26 =	sshrl.u32 s22, $0x3;
	s19 =	simm.s32 $0x4980;
	s20 =	simm.s32 $0x4  }
0x11: {  	s22 =	simm.s32 $0x2710;
	s9 =	sshrl.u32 s9, $0x3;
	[dreg:$0x6] =	wrdreg s0  }
0x12: {  	s25 =	smax.u32 s13, $0x1;
	[dreg:$0xa] =	wrdreg s26;
	s26 =	simm.s32 $0x9880  }
0x13: {  	s0 =	simm.s32 $0x3;
	s4 =	sadd.s32 s9, s4;
	s9 =	sor.u32 $0x1C05, s21  }
0x14: {  	[dreg:$0x9] =	wrdreg s25;
	s21 =	simm.s32 $0x7100;
	s23 =	sadd.s32 $0x188E00, s4  }
0x15: {  	s25 =	simm.s32 $0x13680;
	s24 =	sadd.s32 $0x188E10, s4;
	[dreg:$0x7] =	wrdreg s23  }
0x16: {  	v0 =	vimm.f32 $0.0e+00;
	[dreg:$0x8] =	wrdreg s24;
	s23 =	simm.s32 $0xC000;
	s24 =	simm.s32 $0x1  }
.LBB2_1:
0x17: {  	s4 =	rddreg [dreg:$0x6]  }
0x18: {  	s8 =	rddreg [dreg:$0xa]  }
0x19: {  	[spmem:s8], [sflag:s9] =	dma.local [hbm:s4], $0x310  }
0x1a: {  	_ =	swait.ge [sflag:s17], $0x310  }
0x1b: {  	[sflag:s17] =	ssyncset.done $0x0  }
0x1c: {  	s13 =	simm.s32 $0x0;
	s4 =	simm.s32 $0x40;
	[sflag:s17] =	ssyncadd.s32 $0xFFFFFCF0  }
.LBB2_2:
0x1d: {  	p0 =	sne.s32 s4, $0x61C0;
	[tilespmem:s13+$0x10F00] =	vst v0;
	s13 =	smov.u32 s4;
	s4 =	sadd.s32 $0x40, s4  }
.Ltmp0:
0x1e: {  	(pc) =	sbr.rel @p0 .LBB2_2-.Ltmp0, $2  }
0x1f: {  	_ =	sdelay $0x2  }
0x20: {  	s13 =	sshra.s32 s13, $0x2  }
0x21: {  	[tilespmem:s13+$0x10F00] =	vst v0  }
0x22: {  	[spmem:s10] =	stream.linear.scatter [tilespmem:s18], [sflag:$0x5], $0x1880, $0x38;
	[tilespmem:$0x1AD00] =	vst v63  }
0x23: {  	_ =	swait.ge [sflag:s17], $0x1880  }
0x24: {  	[sflag:s17] =	ssyncset.done $0x0  }
0x25: {  	[sflag:s17] =	ssyncadd.s32 $0xFFFFE780  }
0x26: {  	[spmem:s11] =	stream.linear.scatter [tilespmem:s18], [sflag:$0x5], $0x1880, $0x38;
	[tilespmem:$0x1AD00] =	vst v63  }
0x27: {  	_ =	swait.ge [sflag:s17], $0x1880  }
0x28: {  	[sflag:s17] =	ssyncset.done $0x0  }
0x29: {  	[sflag:s17] =	ssyncadd.s32 $0xFFFFE780  }
0x2a: {  	s13 =	simm.s32 $0x0;
	s14 =	simm.s32 $0x0;
	[bflag:$0x0] =	sbarrier.arrive $0xFFFF  }
.LBB2_4:
0x2b: {  	s4 =	smul.u32 $0xC350, s14;
	_ =	sdelay $0x1  }
0x2c: {  	s4 =	sadd.s32 s12, s4  }
0x2d: {  	s15 =	sshrl.u32 s4, $0x3  }
0x2e: {  	s4 =	sadd.s32 s6, s15  }
0x2f: {  	[tilespmem:s19], [sflag:$0x4] =	stream.linear.gather [hbm4b:s4+s13], $0x2710, $0x38;
	[tilespmem:$0x1AD00] =	vst v63  }
0x30: {  	_ =	swait.ge [sflag:s20], $0x2710  }
0x31: {  	[sflag:s20] =	ssyncset.done $0x0  }
0x32: {  	s16 =	sadd.s32 s7, s15;
	[sflag:s20] =	ssyncadd.s32 $0xFFFFD8F0  }
0x33: {  	[tilespmem:s21], [sflag:$0x4] =	stream.linear.gather [hbm4b:s16+s13], $0x2710, $0x38;
	[tilespmem:$0x1AD00] =	vst v63  }
0x34: {  	_ =	swait.ge [sflag:s20], $0x2710  }
0x35: {  	[sflag:s20] =	ssyncset.done $0x0  }
0x36: {  	[sflag:s20] =	ssyncadd.s32 $0xFFFFD8F0  }
0x37: {  	[tilespmem:s23], [sflag:$0x1] =	stream.indirect.gather [spmem:s1], $0x1, s19, s22, $0xb8;
	[tilespmem:$0x1AD00] =	vst v63  }
0x38: {  	_ =	swait.ge [sflag:s24], $0x2710  }
0x39: {  	[sflag:s24] =	ssyncset.done $0x0  }
0x3a: {  	s16 =	simm.s32 $0x0;
	[sflag:s24] =	ssyncadd.s32 $0xFFFFD8F0  }
0x3b: {  	v1 =	vld [tilespmem:s16+$0xC000]  }
0x3c: {  	s4 =	simm.s32 $0x40  }
.LBB2_5:
0x3d: {  	p0 =	sne.s32 s4, $0x9C00  }
.Ltmp1:
0x3e: {  	_ = 	snop;
	(pc) =	sbr.rel @p0 .LBB2_5-.Ltmp1, $4  }
0x3f: {  	_ = 	snop  }
0x40: {  	s8 =	sshra.s32 s4, $0x2;
	s4 =	sadd.s32 $0x40, s4;
	v2 =	vand.u32 $0xFFFF0000, v1;
	v3 =	vshll.u32 v1, $0x10  }
0x41: {  	v1 =	vld [tilespmem:s8+$0xC000];
	[tilespmem:s16+$0x13680] =	vst v3  }
0x42: {  	[tilespmem:s16+$0x10F00] =	vst v2;
	s16 =	smov.u32 s8  }
0x43: {  	_ =	sdelay $0x2  }
0x44: {  	v2 =	vshll.u32 v1, $0x10  }
0x45: {  	v1 =	vand.u32 $0xFFFF0000, v1;
	[tilespmem:s16+$0x13680] =	vst v2  }
0x46: {  	[tilespmem:s16+$0x10F00] =	vst v1  }
0x47: {  	[spmem:s2] =	stream.indirect.scatter.add.f32 [tilespmem:s18], [sflag:$0x2], $0x1, s21, s22, $0xb8;
	[tilespmem:$0x1AD00] =	vst v63  }
0x48: {  	s4 =	sadd.s32 $0x4E2, s15  }
0x49: {  	[spmem:s3] =	stream.indirect.scatter.add.f32 [tilespmem:s25], [sflag:$0x2], $0x1, s21, s22, $0xb8;
	[tilespmem:$0x1AD00] =	vst v63  }
0x4a: {  	s8 =	sadd.s32 s6, s4;
	s16 =	simm.s32 $0x0  }
0x4b: {  	[tilespmem:s19], [sflag:$0x4] =	stream.linear.gather [hbm4b:s8+s16], $0x2710, $0x38;
	[tilespmem:$0x1AD00] =	vst v63  }
0x4c: {  	_ =	swait.ge [sflag:s20], $0x2710  }
0x4d: {  	[sflag:s20] =	ssyncset.done $0x0  }
0x4e: {  	s4 =	sadd.s32 s7, s4;
	[sflag:s20] =	ssyncadd.s32 $0xFFFFD8F0  }
0x4f: {  	[tilespmem:s26], [sflag:$0x4] =	stream.linear.gather [hbm4b:s4+s16], $0x2710, $0x38;
	[tilespmem:$0x1AD00] =	vst v63  }
0x50: {  	_ =	swait.ge [sflag:s20], $0x2710  }
0x51: {  	[sflag:s20] =	ssyncset.done $0x0  }
0x52: {  	[sflag:s20] =	ssyncadd.s32 $0xFFFFD8F0  }
0x53: {  	[tilespmem:s28], [sflag:$0x1] =	stream.indirect.gather [spmem:s1], $0x1, s19, s22, $0xb8;
	[tilespmem:$0x1AD00] =	vst v63  }
0x54: {  	_ =	swait.ge [sflag:s24], $0x2710  }
0x55: {  	[sflag:s24] =	ssyncset.done $0x0  }
0x56: {  	s16 =	simm.s32 $0x0;
	[sflag:s24] =	ssyncadd.s32 $0xFFFFD8F0  }
0x57: {  	v1 =	vld [tilespmem:s16+$0xE780]  }
0x58: {  	s4 =	simm.s32 $0x40  }
.LBB2_7:
0x59: {  	p0 =	sne.s32 s4, $0x9C00  }
.Ltmp2:
0x5a: {  	_ = 	snop;
	(pc) =	sbr.rel @p0 .LBB2_7-.Ltmp2, $4  }
0x5b: {  	_ = 	snop  }
0x5c: {  	s8 =	sshra.s32 s4, $0x2;
	s4 =	sadd.s32 $0x40, s4;
	v2 =	vand.u32 $0xFFFF0000, v1;
	v3 =	vshll.u32 v1, $0x10  }
0x5d: {  	v1 =	vld [tilespmem:s8+$0xE780];
	[tilespmem:s16+$0x18580] =	vst v3  }
0x5e: {  	[tilespmem:s16+$0x15E00] =	vst v2;
	s16 =	smov.u32 s8  }
0x5f: {  	_ =	sdelay $0x2  }
0x60: {  	v2 =	vshll.u32 v1, $0x10  }
0x61: {  	v1 =	vand.u32 $0xFFFF0000, v1;
	[tilespmem:s16+$0x18580] =	vst v2  }
0x62: {  	[tilespmem:s16+$0x15E00] =	vst v1  }
0x63: {  	[spmem:s2] =	stream.indirect.scatter.add.f32 [tilespmem:s29], [sflag:$0x3], $0x1, s26, s22, $0xb8;
	[tilespmem:$0x1AD00] =	vst v63  }
0x64: {  	s4 =	sadd.s32 $0x9C4, s15  }
0x65: {  	[spmem:s3] =	stream.indirect.scatter.add.f32 [tilespmem:s30], [sflag:$0x3], $0x1, s26, s22, $0xb8;
	[tilespmem:$0x1AD00] =	vst v63  }
0x66: {  	s8 =	sadd.s32 s6, s4;
	s16 =	simm.s32 $0x0  }
0x67: {  	[tilespmem:s19], [sflag:$0x4] =	stream.linear.gather [hbm4b:s8+s16], $0x2710, $0x38;
	[tilespmem:$0x1AD00] =	vst v63  }
0x68: {  	_ =	swait.ge [sflag:s20], $0x2710  }
0x69: {  	[sflag:s20] =	ssyncset.done $0x0  }
0x6a: {  	[sflag:s20] =	ssyncadd.s32 $0xFFFFD8F0  }
0x6b: {  	_ =	swait.ge [sflag:s31], $0x2710  }
0x6c: {  	[sflag:s31] =	ssyncset.done $0x0  }
0x6d: {  	[sflag:s31] =	ssyncadd.s32 $0xFFFFD8F0  }
0x6e: {  	_ =	swait.ge [sflag:s31], $0x2710  }
0x6f: {  	[sflag:s31] =	ssyncset.done $0x0  }
0x70: {  	s4 =	sadd.s32 s7, s4;
	[sflag:s31] =	ssyncadd.s32 $0xFFFFD8F0  }
0x71: {  	[tilespmem:s21], [sflag:$0x4] =	stream.linear.gather [hbm4b:s4+s16], $0x2710, $0x38;
	[tilespmem:$0x1AD00] =	vst v63  }
0x72: {  	_ =	swait.ge [sflag:s20], $0x2710  }
0x73: {  	[sflag:s20] =	ssyncset.done $0x0  }
0x74: {  	[sflag:s20] =	ssyncadd.s32 $0xFFFFD8F0  }
0x75: {  	[tilespmem:s23], [sflag:$0x1] =	stream.indirect.gather [spmem:s1], $0x1, s19, s22, $0xb8;
	[tilespmem:$0x1AD00] =	vst v63  }
0x76: {  	_ =	swait.ge [sflag:s24], $0x2710  }
0x77: {  	[sflag:s24] =	ssyncset.done $0x0  }
0x78: {  	s16 =	simm.s32 $0x0;
	[sflag:s24] =	ssyncadd.s32 $0xFFFFD8F0  }
0x79: {  	v1 =	vld [tilespmem:s16+$0xC000]  }
0x7a: {  	s4 =	simm.s32 $0x40  }
.LBB2_9:
0x7b: {  	p0 =	sne.s32 s4, $0x9C00  }
.Ltmp3:
0x7c: {  	_ = 	snop;
	(pc) =	sbr.rel @p0 .LBB2_9-.Ltmp3, $4  }
0x7d: {  	_ = 	snop  }
0x7e: {  	s8 =	sshra.s32 s4, $0x2;
	s4 =	sadd.s32 $0x40, s4;
	v2 =	vand.u32 $0xFFFF0000, v1;
	v3 =	vshll.u32 v1, $0x10  }
0x7f: {  	v1 =	vld [tilespmem:s8+$0xC000];
	[tilespmem:s16+$0x13680] =	vst v3  }
0x80: {  	[tilespmem:s16+$0x10F00] =	vst v2;
	s16 =	smov.u32 s8  }
0x81: {  	_ =	sdelay $0x2  }
0x82: {  	v2 =	vshll.u32 v1, $0x10  }
0x83: {  	v1 =	vand.u32 $0xFFFF0000, v1;
	[tilespmem:s16+$0x13680] =	vst v2  }
0x84: {  	[tilespmem:s16+$0x10F00] =	vst v1  }
0x85: {  	[spmem:s2] =	stream.indirect.scatter.add.f32 [tilespmem:s18], [sflag:$0x2], $0x1, s21, s22, $0xb8;
	[tilespmem:$0x1AD00] =	vst v63  }
0x86: {  	s4 =	sadd.s32 $0xEA6, s15  }
0x87: {  	[spmem:s3] =	stream.indirect.scatter.add.f32 [tilespmem:s25], [sflag:$0x2], $0x1, s21, s22, $0xb8;
	[tilespmem:$0x1AD00] =	vst v63  }
0x88: {  	s8 =	sadd.s32 s6, s4;
	s16 =	simm.s32 $0x0  }
0x89: {  	[tilespmem:s19], [sflag:$0x4] =	stream.linear.gather [hbm4b:s8+s16], $0x2710, $0x38;
	[tilespmem:$0x1AD00] =	vst v63  }
0x8a: {  	_ =	swait.ge [sflag:s20], $0x2710  }
0x8b: {  	[sflag:s20] =	ssyncset.done $0x0  }
0x8c: {  	[sflag:s20] =	ssyncadd.s32 $0xFFFFD8F0  }
0x8d: {  	_ =	swait.ge [sflag:s0], $0x2710  }
0x8e: {  	[sflag:s0] =	ssyncset.done $0x0  }
0x8f: {  	[sflag:s0] =	ssyncadd.s32 $0xFFFFD8F0  }
0x90: {  	_ =	swait.ge [sflag:s0], $0x2710  }
0x91: {  	[sflag:s0] =	ssyncset.done $0x0  }
0x92: {  	s4 =	sadd.s32 s7, s4;
	[sflag:s0] =	ssyncadd.s32 $0xFFFFD8F0  }
0x93: {  	[tilespmem:s26], [sflag:$0x4] =	stream.linear.gather [hbm4b:s4+s16], $0x2710, $0x38;
	[tilespmem:$0x1AD00] =	vst v63  }
0x94: {  	_ =	swait.ge [sflag:s20], $0x2710  }
0x95: {  	[sflag:s20] =	ssyncset.done $0x0  }
0x96: {  	[sflag:s20] =	ssyncadd.s32 $0xFFFFD8F0  }
0x97: {  	[tilespmem:s28], [sflag:$0x1] =	stream.indirect.gather [spmem:s1], $0x1, s19, s22, $0xb8;
	[tilespmem:$0x1AD00] =	vst v63  }
0x98: {  	_ =	swait.ge [sflag:s24], $0x2710  }
0x99: {  	[sflag:s24] =	ssyncset.done $0x0  }
0x9a: {  	s16 =	simm.s32 $0x0;
	[sflag:s24] =	ssyncadd.s32 $0xFFFFD8F0  }
0x9b: {  	v1 =	vld [tilespmem:s16+$0xE780]  }
0x9c: {  	s4 =	simm.s32 $0x40  }
.LBB2_11:
0x9d: {  	p0 =	sne.s32 s4, $0x9C00  }
.Ltmp4:
0x9e: {  	_ = 	snop;
	(pc) =	sbr.rel @p0 .LBB2_11-.Ltmp4, $4  }
0x9f: {  	_ = 	snop  }
0xa0: {  	s8 =	sshra.s32 s4, $0x2;
	s4 =	sadd.s32 $0x40, s4;
	v2 =	vand.u32 $0xFFFF0000, v1;
	v3 =	vshll.u32 v1, $0x10  }
0xa1: {  	v1 =	vld [tilespmem:s8+$0xE780];
	[tilespmem:s16+$0x18580] =	vst v3  }
0xa2: {  	[tilespmem:s16+$0x15E00] =	vst v2;
	s16 =	smov.u32 s8  }
0xa3: {  	_ =	sdelay $0x2  }
0xa4: {  	v2 =	vshll.u32 v1, $0x10  }
0xa5: {  	v1 =	vand.u32 $0xFFFF0000, v1;
	[tilespmem:s16+$0x18580] =	vst v2  }
0xa6: {  	[tilespmem:s16+$0x15E00] =	vst v1  }
0xa7: {  	[spmem:s2] =	stream.indirect.scatter.add.f32 [tilespmem:s29], [sflag:$0x3], $0x1, s26, s22, $0xb8;
	[tilespmem:$0x1AD00] =	vst v63  }
0xa8: {  	s4 =	sadd.s32 $0x1388, s15  }
0xa9: {  	[spmem:s3] =	stream.indirect.scatter.add.f32 [tilespmem:s30], [sflag:$0x3], $0x1, s26, s22, $0xb8;
	[tilespmem:$0x1AD00] =	vst v63  }
0xaa: {  	s8 =	sadd.s32 s6, s4;
	s16 =	simm.s32 $0x0  }
0xab: {  	[tilespmem:s19], [sflag:$0x4] =	stream.linear.gather [hbm4b:s8+s16], $0x2710, $0x38;
	[tilespmem:$0x1AD00] =	vst v63  }
0xac: {  	_ =	swait.ge [sflag:s20], $0x2710  }
0xad: {  	[sflag:s20] =	ssyncset.done $0x0  }
0xae: {  	[sflag:s20] =	ssyncadd.s32 $0xFFFFD8F0  }
0xaf: {  	_ =	swait.ge [sflag:s31], $0x2710  }
0xb0: {  	[sflag:s31] =	ssyncset.done $0x0  }
0xb1: {  	[sflag:s31] =	ssyncadd.s32 $0xFFFFD8F0  }
0xb2: {  	_ =	swait.ge [sflag:s31], $0x2710  }
0xb3: {  	[sflag:s31] =	ssyncset.done $0x0  }
0xb4: {  	s4 =	sadd.s32 s7, s4;
	[sflag:s31] =	ssyncadd.s32 $0xFFFFD8F0  }
0xb5: {  	[tilespmem:s21], [sflag:$0x4] =	stream.linear.gather [hbm4b:s4+s16], $0x2710, $0x38;
	[tilespmem:$0x1AD00] =	vst v63  }
0xb6: {  	_ =	swait.ge [sflag:s20], $0x2710  }
0xb7: {  	[sflag:s20] =	ssyncset.done $0x0  }
0xb8: {  	[sflag:s20] =	ssyncadd.s32 $0xFFFFD8F0  }
0xb9: {  	[tilespmem:s23], [sflag:$0x1] =	stream.indirect.gather [spmem:s1], $0x1, s19, s22, $0xb8;
	[tilespmem:$0x1AD00] =	vst v63  }
0xba: {  	_ =	swait.ge [sflag:s24], $0x2710  }
0xbb: {  	[sflag:s24] =	ssyncset.done $0x0  }
0xbc: {  	s15 =	simm.s32 $0x0;
	[sflag:s24] =	ssyncadd.s32 $0xFFFFD8F0  }
0xbd: {  	v1 =	vld [tilespmem:s15+$0xC000]  }
0xbe: {  	s4 =	simm.s32 $0x40  }
.LBB2_13:
0xbf: {  	p0 =	sne.s32 s4, $0x9C00  }
.Ltmp5:
0xc0: {  	_ = 	snop;
	(pc) =	sbr.rel @p0 .LBB2_13-.Ltmp5, $4  }
0xc1: {  	_ = 	snop  }
0xc2: {  	s8 =	sshra.s32 s4, $0x2;
	s4 =	sadd.s32 $0x40, s4;
	v2 =	vand.u32 $0xFFFF0000, v1;
	v3 =	vshll.u32 v1, $0x10  }
0xc3: {  	v1 =	vld [tilespmem:s8+$0xC000];
	[tilespmem:s15+$0x13680] =	vst v3  }
0xc4: {  	[tilespmem:s15+$0x10F00] =	vst v2;
	s15 =	smov.u32 s8  }
0xc5: {  	_ =	sdelay $0x2  }
0xc6: {  	v2 =	vshll.u32 v1, $0x10  }
0xc7: {  	v1 =	vand.u32 $0xFFFF0000, v1;
	[tilespmem:s15+$0x13680] =	vst v2  }
0xc8: {  	[tilespmem:s15+$0x10F00] =	vst v1  }
0xc9: {  	[spmem:s2] =	stream.indirect.scatter.add.f32 [tilespmem:s18], [sflag:$0x2], $0x1, s21, s22, $0xb8;
	[tilespmem:$0x1AD00] =	vst v63  }
0xca: {  	_ = 	snop  }
0xcb: {  	[spmem:s3] =	stream.indirect.scatter.add.f32 [tilespmem:s25], [sflag:$0x2], $0x1, s21, s22, $0xb8;
	[tilespmem:$0x1AD00] =	vst v63  }
0xcc: {  	_ =	swait.ge [sflag:s0], $0x2710  }
0xcd: {  	[sflag:s0] =	ssyncset.done $0x0  }
0xce: {  	[sflag:s0] =	ssyncadd.s32 $0xFFFFD8F0  }
0xcf: {  	_ =	swait.ge [sflag:s0], $0x2710  }
0xd0: {  	[sflag:s0] =	ssyncset.done $0x0  }
0xd1: {  	s14 =	sadd.s32 $0x1, s14;
	[sflag:s0] =	ssyncadd.s32 $0xFFFFD8F0  }
0xd2: {  	p0 =	sne.s32 s14, $0x4;
	_ =	swait.ge [sflag:s31], $0x2710  }
.Ltmp6:
0xd3: {  	[sflag:s31] =	ssyncset.done $0x0;
	(pc) =	sbr.rel @p0 .LBB2_4-.Ltmp6, $4  }
0xd4: {  	[sflag:s31] =	ssyncadd.s32 $0xFFFFD8F0  }
0xd5: {  	_ =	swait.ge [sflag:s31], $0x2710  }
0xd6: {  	[sflag:s31] =	ssyncset.done $0x0  }
0xd7: {  	[sflag:s31] =	ssyncadd.s32 $0xFFFFD8F0  }
0xd8: {  	[bflag:$0x0] =	sbarrier.arrive $0xFFFF;
	s4 =	sshrl.u32 s10, $0x3  }
0xd9: {  	s13 =	simm.s32 $0x20;
	s14 =	simm.s32 $0x10;
	s8 =	rddreg [dreg:$0x7]  }
0xda: {  	[hbm:s8@s13], [sflag:s9] =	dma.strided [spmem:s4@s14], $0x310, s24, $0x10   }
0xdb: {  	_ =	swait.ge [sflag:s17], $0x310  }
0xdc: {  	[sflag:s17] =	ssyncset.done $0x0  }
0xdd: {  	s8 =	sshrl.u32 s11, $0x3;
	s15 =	rddreg [dreg:$0x8];
	[sflag:s17] =	ssyncadd.s32 $0xFFFFFCF0  }
0xde: {  	[hbm:s15@s13], [sflag:s9] =	dma.strided [spmem:s8@s14], $0x310, s24, $0x10   }
0xdf: {  	_ =	swait.ge [sflag:s17], $0x310  }
0xe0: {  	s5 =	sadd.s32 $0x1, s5;
	s16 =	rddreg [dreg:$0x9]  }
0xe1: {  	p0 =	sne.s32 s5, s16  }
.Ltmp7:
0xe2: {  	_ = 	snop;
	(pc) =	sbr.rel @p0 .LBB2_1-.Ltmp7, $3  }
0xe3: {  	_ =	sdelay $0x1  }
0xe4: {  	[sflag:s17] =	ssyncset.done $0x0  }
0xe5: {  	[sflag:s17] =	ssyncadd.s32 $0xFFFFFCF0  }
0xe6: {  	_ =	sfence.sel $0x180000  }
0xe7: {  	[bflag:$0x0] =	sbarrier.arrive $0xFFFF  }
0xe8: {  	_ =	strace $0x9000004D  }
0xe9: {  	s0 =	stileid.u32;
	[bflag:$0x2] =	sbarrier.arrive $0xFFFF  }
0xea: {  	p0 =	sne.s32 s0, $0x0;
	s0 =	rddreg [dreg:$0x5]  }
0xeb: {  	s0 =	sadd.s32 @!p0 $0x100000, s0  }
0xec: {  	[sflag:s0] =	ssyncadd.tile.s32 @!p0 $0x1;
	_ =	shalt  }
.Lfunc_end2:
_tile_overlayer_lowered:
.L_overlay_start_2:
0xed: {  	(tag) =	ssettag $0x2  }
0xee: {  	s0 =	rddreg [dreg:$0x0];
	s2 =	stileid.u32  }
0xef: {  	s1 =	rddreg [dreg:$0x1];
	p0 =	sne.s32 s2, $0x0  }
0xf0: {  	s3 =	rddreg [dreg:$0x2];
	[bflag:$0x3] =	sbarrier.arrive $0xFFFF;
	s2 =	simm.s32 @!p0 $0x1C05  }
0xf1: {  	[timem:s3], [sflag:s2] =	dma.local @!p0 [hbm:s0], s1  }
0xf2: {  	s0 =	simm.s32 @!p0 $0x5  }
0xf3: {  	_ =	swait.ge @!p0 [sflag:s0], s1  }
0xf4: {  	s1 =	ssub.s32 @!p0 $0x0, s1;
	[sflag:s0] =	ssyncset.done @!p0 $0x0  }
0xf5: {  	[sflag:s0] =	ssyncadd.s32 @!p0 s1  }
0xf6: {  	[bflag:$0x3] =	sbarrier.arrive $0xFFFF  }
0xf7: {  	_ =	shalt  }

// kernel: kernel.8.cloned.1.call-start
scs
__scs_entry_jumppad:
0x0: {  	(pc) =	sbr.rel $0x88, $3  }
0x1: {  	(tag) =	ssettag $0x0;
	lr =	simm.s32 $0x1  }
0x2: {  	[smem:$0x3F9B] =	sst lr;
	_ =	strace $0xD0000000  }
0x3: {  	_ = 	snop  }
0x4: {  	_ = 	snop  }
0x5: {  	_ = 	snop  }
0x6: {  	_ = 	snop  }
0x7: {  	_ = 	snop  }
__scs_overlays_trampoline_lowered:
0x8: {  	[smem:$0x3FAA] =	sst s0  }
0x9: {  	[smem:$0x3FAB] =	sst s1  }
0xa: {  	[smem:$0x3FAC] =	sst s2  }
0xb: {  	[smem:$0x3FAD] =	sst s3  }
0xc: {  	[smem:$0x3FAE] =	sst s4  }
0xd: {  	[smem:$0x3FAF] =	sst s5  }
0xe: {  	[smem:$0x3FB0] =	sst s6  }
0xf: {  	[smem:$0x3FB1] =	sst s7  }
0x10: {  	[smem:$0x3FB2] =	sst s8  }
0x11: {  	[smem:$0x3FB3] =	sst s9;
	s0 =	simm.s32 @!p0 $0x0  }
0x12: {  	s1 =	sld [smem:$0x3F99];
	s0 =	simm.s32 @p0 $0x1  }
0x13: {  	[smem:$0x3FB4] =	sst s0;
	s0 =	simm.s32 @!p1 $0x0  }
0x14: {  	s2 =	sld [smem:$0x3F98];
	s0 =	simm.s32 @p1 $0x1  }
0x15: {  	[smem:$0x3FB5] =	sst s0;
	s0 =	simm.s32 @!p2 $0x0  }
0x16: {  	s3 =	sld [smem:$0x3FDB];
	s0 =	simm.s32 @p2 $0x1  }
0x17: {  	s4 =	simm.s32 $0x1BF5;
	[smem:$0x3FB7] =	sst s0  }
0x18: {  	s0 =	sld [smem:$0x3F9A];
	_ =	swait.ge [sflag:s4], $0x0  }
0x19: {  	s7 =	sld [smem:$0x3F9B]  }
0x1a: {  	s8 =	sadd.s32 $0xFFFFE003, lr  }
0x1b: {  	s9 =	sadd.s32 $0xFFFFFEF7, lr;
	s5 =	simm.s32 $0xFFFFFFFF;
	p2 =	slt.u32 s8, $0xFFFFF086  }
0x1c: {  	p1 =	slt.u32 s9, $0xF7A;
	s5 =	simm.s32 @!p2 $0x0  }
0x1d: {  	s5 =	simm.s32 @p1 $0x1;
	p0 =	seq.s32 s7, s2  }
0x1e: {  	s7 =	smul.u32 @!p0 $0xF7A, s2;
	p2 =	seq.s32 @!p0 s5, $0x0  }
0x1f: {  	s9 =	smul.u32 $0xF7A, s1;
	s8 =	simm.s32 @!p0 $0x1BF5;
	p2 =	por !p2, p0  }
0x20: {  	[sflag:s8] =	ssyncset.s32 @!p0 $0xFFFFF086;
	s6 =	sadd.s32 @!p0 s3, s7;
	s7 =	simm.s32 @!p0 $0x108  }
0x21: {  	s3 =	sadd.s32 s3, s9;
	s6 =	sadd.s32 @!p0 $0x88, s6;
	s7 =	simm.s32 @p2 $0x1082  }
0x22: {  	[simem:s7], [sflag:s8] =	dma.local @!p0 [hbm:s6], $0xF7A  }
0x23: {  	s9 =	sor.u32 $0xD0000000, s2;
	s6 =	simm.s32 $0x108;
	_ =	swait.ge @!p0 [sflag:s8], $0x0  }
0x24: {  	s3 =	sadd.s32 $0x88, s3;
	s6 =	simm.s32 @!p1 $0x1082;
	[sflag:s4] =	ssyncset.s32 $0xFFFFF086  }
0x25: {  	[simem:s6], [sflag:s4] =	dma.local [hbm:s3], $0xF7A  }
0x26: {  	[smem:$0x3F9B] =	sst s1;
	(tag) =	ssettag s2;
	_ =	strace s9  }
0x27: {  	s1 =	sld [smem:$0x3FAB]  }
0x28: {  	s2 =	sld [smem:$0x3FAC]  }
0x29: {  	s4 =	sld [smem:$0x3FAE]  }
0x2a: {  	p0 =	seq.s32 s5, $0x0;
	s5 =	sld [smem:$0x3FAF]  }
0x2b: {  	s6 =	sld [smem:$0x3FB0]  }
0x2c: {  	s7 =	sld [smem:$0x3FB1]  }
0x2d: {  	s3 =	simm.s32 $0x108;
	s8 =	sld [smem:$0x3FB2]  }
0x2e: {  	s3 =	simm.s32 @!p0 $0x1082;
	s9 =	sld [smem:$0x3FB3]  }
0x2f: {  	lr =	sadd.s32 s0, s3;
	s0 =	sld [smem:$0x3FAA]  }
0x30: {  	s3 =	sld [smem:$0x3FAD]  }
0x31: {  	[smem:$0x3FB6] =	sst s10  }
0x32: {  	s10 =	sld [smem:$0x3FB4];
	_ =	sdelay $0x3  }
0x33: {  	p0 =	seq.s32 s10, $0x1;
	s10 =	sld [smem:$0x3FB6];
	_ =	sdelay $0x3  }
0x34: {  	[smem:$0x3FB6] =	sst s10  }
0x35: {  	s10 =	sld [smem:$0x3FB5];
	_ =	sdelay $0x3  }
0x36: {  	p1 =	seq.s32 s10, $0x1;
	s10 =	sld [smem:$0x3FB6];
	_ =	sdelay $0x3  }
0x37: {  	[smem:$0x3FB6] =	sst s10  }
0x38: {  	s10 =	sld [smem:$0x3FB7]  }
0x39: {  	_ = 	snop;
	(pc) =	sbr.ind lr, $3  }
0x3a: {  	_ = 	snop  }
0x3b: {  	_ = 	snop  }
0x3c: {  	p2 =	seq.s32 s10, $0x1;
	s10 =	sld [smem:$0x3FB6]  }
0x3d: {  	_ =	shalt  }
0x3e: {  	_ =	shalt  }
0x3f: {  	_ =	shalt  }
0x40: {  	_ =	shalt  }
0x41: {  	_ =	shalt  }
0x42: {  	_ =	shalt  }
0x43: {  	_ =	shalt  }
0x44: {  	_ =	shalt  }
0x45: {  	_ =	shalt  }
0x46: {  	_ =	shalt  }
0x47: {  	_ =	shalt  }
0x48: {  	_ =	shalt  }
0x49: {  	_ =	shalt  }
0x4a: {  	_ =	shalt  }
0x4b: {  	_ =	shalt  }
0x4c: {  	_ =	shalt  }
0x4d: {  	_ =	shalt  }
0x4e: {  	_ =	shalt  }
0x4f: {  	_ =	shalt  }
0x50: {  	_ =	shalt  }
0x51: {  	_ =	shalt  }
0x52: {  	_ =	shalt  }
0x53: {  	_ =	shalt  }
0x54: {  	_ =	shalt  }
0x55: {  	_ =	shalt  }
0x56: {  	_ =	shalt  }
0x57: {  	_ =	shalt  }
0x58: {  	_ =	shalt  }
0x59: {  	_ =	shalt  }
0x5a: {  	_ =	shalt  }
0x5b: {  	_ =	shalt  }
0x5c: {  	_ =	shalt  }
0x5d: {  	_ =	shalt  }
0x5e: {  	_ =	shalt  }
0x5f: {  	_ =	shalt  }
0x60: {  	_ =	shalt  }
0x61: {  	_ =	shalt  }
0x62: {  	_ =	shalt  }
0x63: {  	_ =	shalt  }
0x64: {  	_ =	shalt  }
0x65: {  	_ =	shalt  }
0x66: {  	_ =	shalt  }
0x67: {  	_ =	shalt  }
0x68: {  	_ =	shalt  }
0x69: {  	_ =	shalt  }
0x6a: {  	_ =	shalt  }
0x6b: {  	_ =	shalt  }
0x6c: {  	_ =	shalt  }
0x6d: {  	_ =	shalt  }
0x6e: {  	_ =	shalt  }
0x6f: {  	_ =	shalt  }
0x70: {  	_ =	shalt  }
0x71: {  	_ =	shalt  }
0x72: {  	_ =	shalt  }
0x73: {  	_ =	shalt  }
0x74: {  	_ =	shalt  }
0x75: {  	_ =	shalt  }
0x76: {  	_ =	shalt  }
0x77: {  	_ =	shalt  }
0x78: {  	_ =	shalt  }
0x79: {  	_ =	shalt  }
0x7a: {  	_ =	shalt  }
0x7b: {  	_ =	shalt  }
0x7c: {  	_ =	shalt  }
0x7d: {  	_ =	shalt  }
0x7e: {  	_ =	shalt  }
0x7f: {  	_ =	shalt  }
0x80: {  	_ =	shalt  }
0x81: {  	_ =	shalt  }
0x82: {  	_ =	shalt  }
0x83: {  	_ =	shalt  }
0x84: {  	_ =	shalt  }
0x85: {  	_ =	shalt  }
0x86: {  	_ =	shalt  }
0x87: {  	_ =	shalt  }
.Lfunc_end0:
.L_simem_size_0:
called_computation_lowered:
.L_overlay_start_0:
0x88: {  	s2 =	sld [smem:$0x3FD9]  }
0x89: {  	s3 =	sld [smem:$0x3FFE];
	_ =	sdelay $0x1  }
0x8a: {  	s1 =	srdreg.scid  }
0x8b: {  	s0 =	sand.u32 $0x1, s1  }
0x8c: {  	s16 =	sshll.u32 s0, $0xA;
	s2 =	sadd.s32 s3, s2  }
0x8d: {  	s2 =	sadd.s32 s2, s16  }
0x8e: {  	[smem:$0x3FC2] =	sst s2  }
0x8f: {  	_ = 	snop  }
0x90: {  	(tm) =	ssettm $0x1  }
0x91: {  	s17 =	sld [smem:$0x3FFB];
	_ =	sdelay $0x3  }
0x92: {  	_ =	strace s17  }
0x93: {  	s2 =	sld [smem:$0x3FFC];
	_ =	sdelay $0x3  }
0x94: {  	_ =	strace s2  }
0x95: {  	s2 =	sld [smem:$0x3FFD];
	_ =	sdelay $0x3  }
0x96: {  	_ =	strace s2  }
0x97: {  	_ =	strace $0x8FFFFFFF  }
0x98: {  	s18 =	sld [smem:$0x3FDB];
	_ =	sdelay $0x1  }
0x99: {  	s19 =	simm.s32 $_scs_section_size  }
0x9a: {  	s4 =	simm.s32 $_size__tile_overlayer_lowered;
	s5 =	simm.s32 $_tile_overlayer_lowered  }
0x9b: {  	s22 =	simm.s32 $0x1BFF;
	s21 =	sshll.u32 s5, $0x1;
	s2 =	sadd.s32 s19, s18  }
0x9c: {  	s6 =	simm.s32 $0x0;
	s20 =	sshll.u32 s4, $0x1;
	s4 =	sadd.s32 s21, s2  }
0x9d: {  	[timem:s6], [sflag:s22] =	dma.local [hbm:s4], s20  }
0x9e: {  	_ =	swait.ge [sflag:s22], s20  }
0x9f: {  	s3 =	ssub.s32 $0x0, s20;
	[sflag:s22] =	ssyncset.done $0x0  }
0xa0: {  	[sflag:s22] =	ssyncadd.s32 s3;
	_ =	sdelay $0x1  }
0xa1: {  	s23 =	simm.s32 $0x1B8B  }
0xa2: {  	_ =	swait.ge [sflag:s23], $0x1  }
0xa3: {  	[sflag:s23] =	ssyncset.done $0x0  }
0xa4: {  	s25 =	simm.s32 $0x1B8E;
	s24 =	sld [smem:$0x3FFE];
	[sflag:s23] =	ssyncadd.s32 $0xFFFFFFFF  }
0xa5: {  	s26 =	simm.s32 $execute0_lowered;
	[smem:$0x3FD2] =	sst s25  }
0xa6: {  	s4 =	sshll.u32 s26, $0x1;
	_ =	strace $0x80000046;
	[dreg:$0x1] =	wrdreg $0xFFFFFFFF  }
0xa7: {  	s28 =	simm.s32 $_size_execute0_lowered;
	s2 =	sadd.s32 s2, s4;
	[dreg:$0x0] =	wrdreg $0x0  }
0xa8: {  	s4 =	sshll.u32 s28, $0x1;
	[dreg:$0x2] =	wrdreg s2  }
0xa9: {  	[dreg:$0x3] =	wrdreg s4  }
0xaa: {  	[dreg:$0x4] =	wrdreg $0xC0  }
0xab: {  	_ =	task [dreg:s6], $0x5FFFF  }
0xac: {  	[dreg:$0x1] =	wrdreg $0xFFFFFFFF  }
0xad: {  	[dreg:$0x0] =	wrdreg $0x60  }
0xae: {  	[dreg:$0x2] =	wrdreg s24  }
0xaf: {  	[dreg:$0x3] =	wrdreg $0x0  }
0xb0: {  	[dreg:$0x4] =	wrdreg $0x9  }
0xb1: {  	_ =	task.clear_ibuf [dreg:s6], $0x5FFFF;
	_ =	strace $0x90000046  }
0xb2: {  	s29 =	simm.s32 $0x9;
	_ =	strace $0x80000048  }
0xb3: {  	_ =	swait.ge [sflag:s29], $0x1  }
0xb4: {  	[sflag:s29] =	ssyncadd.s32 $0xFFFFFFFF  }
0xb5: {  	_ =	strace $0x90000048  }
0xb6: {  	_ =	sfence  }
0xb7: {  	s30 =	sld [smem:$0x0];
	_ =	sdelay $0x2  }
0xb8: {  	s31 =	sshll.u32 s1, $0xD;
	s1 =	sshrl.u32 s1, $0x2  }
0xb9: {  	s3 =	sand.u32 $0x4000, s31;
	s1 =	sadd.s32 s1, s30  }
0xba: {  	s0 =	sor.u32 s3, s0;
	s1 =	sshll.u32 s1, $0x11  }
0xbb: {  	s0 =	sor.u32 s1, s0  }
0xbc: {  	s0 =	sadd.s32 $0x8F2B, s0  }
0xbd: {  	[sflag:s0] =	ssyncadd.remote.s32 $0x1  }
0xbe: {  	_ =	sfence.sel $0xFFFF  }
0xbf: {  	[dreg:$0x0] =	wrdreg $0xFFFFFFFF;
	(pc) =	sbr.abs _section_cstart, $3  }
0xc0: {  	[dreg:$0x1] =	wrdreg $0xFFFFFFFF  }
0xc1: {  	_ =	task.clear_ibuf [dreg:s6], $0x2FFFF;
	_ =	strace $0x9FFFFFFF  }
0xc2: {  	(tm) =	ssettm $0x7FFFFFFF  }
0xc3: {  	_ =	shalt  }
tec
execute0_lowered:
.L_overlay_start_1:
0x0: {  	(tag) =	ssettag $0x1  }
0x1: {  	s5 =	rddreg [dreg:$0x0]  }
0x2: {  	s0 =	srdreg.scid;
	s2 =	rddreg [dreg:$0x1]  }
0x3: {  	s3 =	simm.s32 $0x0;
	s17 =	simm.s32 $0xB580;
	s18 =	simm.s32 $0x4  }
0x4: {  	s19 =	simm.s32 $0x1880;
	s20 =	simm.s32 $0x3;
	s21 =	simm.s32 $0x4E20  }
0x5: {  	s22 =	simm.s32 $0x6700;
	s23 =	simm.s32 $0x1;
	s24 =	simm.s32 $0x2  }
0x6: {  	s25 =	simm.s32 $0x20;
	s28 =	simm.s32 $0x0;
	s4 =	sand.u32 $0x1, s0  }
0x7: {  	s0 =	stileid.u32;
	[smem:$0x7FF] =	sst s3;
	s1 =	sshll.u32 s4, $0x4  }
0x8: {  	s7 =	smul.u32 $0x3100, s0;
	s8 =	sshll.u32 s4, $0x7;
	s4 =	ssub.s32 $0x2, s4  }
0x9: {  	s26 =	smul.u32 $0x6200, s0;
	s6 =	sor.u32 s0, s1;
	s1 =	rddreg [dreg:$0x2]  }
0xa: {  	_ =	strace $0x80000047;
	s30 =	sshrl.u32 s4, $0x1;
	s6 =	smul.u32 $0x30D40, s6  }
0xb: {  	s7 =	sor.u32 s8, s7;
	s16 =	ssub.s32 s4, s30;
	s31 =	sshrl.u32 s26, $0x2  }
0xc: {  	s26 =	simm.s32 $0x10;
	s29 =	sshrl.u32 s7, $0x3;
	s6 =	sshrl.u32 s6, $0x3  }
0xd: {  	s4 =	sadd.s32 s31, s2;
	s15 =	sadd.s32 s29, s5;
	s14 =	sadd.s32 s6, s5  }
0xe: {  	s16 =	smax.u32 s16, $0x1;
	s15 =	sadd.s32 $0x188E00, s15;
	s5 =	sadd.s32 $0xC5800, s14  }
0xf: {  	s6 =	sadd.s32 $0xC61C4, s14;
	s7 =	sadd.s32 $0xC6B88, s14;
	s8 =	sadd.s32 $0xC754C, s14  }
0x10: {  	s9 =	sadd.s32 $0xC7F10, s14;
	s10 =	sadd.s32 $0xC88D4, s14;
	s11 =	sadd.s32 $0xC9298, s14  }
0x11: {  	v0 =	vimm.f32 $0.0e+00;
	v1 =	vimm.f32 $1.000000000e+00;
	s12 =	sadd.s32 $0xC9C5C, s14;
	s13 =	sadd.s32 $0xCA620, s14;
	s14 =	sadd.s32 $0xCAFE4, s14  }
.LBB2_1:
0x12: {  	s29 =	simm.s32 $0x40;
	s30 =	simm.s32 $0x0  }
.LBB2_2:
0x13: {  	p0 =	sne.s32 s29, $0x61C0;
	[tilespmem:s30+$0xB580] =	vst v0;
	s30 =	smov.u32 s29;
	s29 =	sadd.s32 $0x40, s29  }
.Ltmp0:
0x14: {  	(pc) =	sbr.rel @p0 .LBB2_2-.Ltmp0, $2  }
0x15: {  	_ =	sdelay $0x2  }
0x16: {  	s30 =	sshra.s32 s30, $0x2  }
0x17: {  	[tilespmem:s30+$0xB580] =	vst v0  }
0x18: {  	[spmem:s4] =	stream.linear.scatter [tilespmem:s17], [sflag:$0x4], $0x1880, $0x38;
	[tilespmem:$0x10400] =	vst v63  }
0x19: {  	_ =	swait.ge [sflag:s18], $0x1880  }
0x1a: {  	[sflag:s18] =	ssyncset.done $0x0  }
0x1b: {  	s29 =	simm.s32 $0x40;
	s30 =	simm.s32 $0x0;
	[sflag:s18] =	ssyncadd.s32 $0xFFFFE780  }
.LBB2_4:
0x1c: {  	p0 =	sne.s32 s29, $0x13840;
	[tilespmem:s30+$0xB580] =	vst v1;
	s30 =	smov.u32 s29;
	s29 =	sadd.s32 $0x40, s29  }
.Ltmp1:
0x1d: {  	(pc) =	sbr.rel @p0 .LBB2_4-.Ltmp1, $2  }
0x1e: {  	_ =	sdelay $0x2  }
0x1f: {  	s30 =	sshra.s32 s30, $0x2  }
0x20: {  	[tilespmem:s30+$0xB580] =	vst v1  }
0x21: {  	[bflag:$0x0] =	sbarrier.arrive $0xFFFF  }
0x22: {  	[tilespmem:s19], [sflag:$0x3] =	stream.linear.gather [hbm4b:s5+s3], $0x4E20, $0x38;
	[tilespmem:$0x10400] =	vst v63  }
0x23: {  	_ =	swait.ge [sflag:s20], $0x4E20  }
0x24: {  	[sflag:s20] =	ssyncset.done $0x0  }
0x25: {  	[sflag:s20] =	ssyncadd.s32 $0xFFFFB1E0  }
0x26: {  	[spmem:s2] =	stream.indirect.scatter.add.f32 [tilespmem:s17], [sflag:$0x1], $0x1, s19, s21, $0xb8;
	[tilespmem:$0x10400] =	vst v63  }
0x27: {  	_ = 	snop  }
0x28: {  	[tilespmem:s22], [sflag:$0x3] =	stream.linear.gather [hbm4b:s6+s3], $0x4E20, $0x38;
	[tilespmem:$0x10400] =	vst v63  }
0x29: {  	_ =	swait.ge [sflag:s20], $0x4E20  }
0x2a: {  	[sflag:s20] =	ssyncset.done $0x0  }
0x2b: {  	[sflag:s20] =	ssyncadd.s32 $0xFFFFB1E0  }
0x2c: {  	[spmem:s2] =	stream.indirect.scatter.add.f32 [tilespmem:s17], [sflag:$0x2], $0x1, s22, s21, $0xb8;
	[tilespmem:$0x10400] =	vst v63  }
0x2d: {  	_ =	swait.ge [sflag:s23], $0x4E20  }
0x2e: {  	[sflag:s23] =	ssyncset.done $0x0  }
0x2f: {  	[sflag:s23] =	ssyncadd.s32 $0xFFFFB1E0  }
0x30: {  	[tilespmem:s19], [sflag:$0x3] =	stream.linear.gather [hbm4b:s7+s3], $0x4E20, $0x38;
	[tilespmem:$0x10400] =	vst v63  }
0x31: {  	_ =	swait.ge [sflag:s20], $0x4E20  }
0x32: {  	[sflag:s20] =	ssyncset.done $0x0  }
0x33: {  	[sflag:s20] =	ssyncadd.s32 $0xFFFFB1E0  }
0x34: {  	[spmem:s2] =	stream.indirect.scatter.add.f32 [tilespmem:s17], [sflag:$0x1], $0x1, s19, s21, $0xb8;
	[tilespmem:$0x10400] =	vst v63  }
0x35: {  	_ =	swait.ge [sflag:s24], $0x4E20  }
0x36: {  	[sflag:s24] =	ssyncset.done $0x0  }
0x37: {  	[sflag:s24] =	ssyncadd.s32 $0xFFFFB1E0  }
0x38: {  	[tilespmem:s22], [sflag:$0x3] =	stream.linear.gather [hbm4b:s8+s3], $0x4E20, $0x38;
	[tilespmem:$0x10400] =	vst v63  }
0x39: {  	_ =	swait.ge [sflag:s20], $0x4E20  }
0x3a: {  	[sflag:s20] =	ssyncset.done $0x0  }
0x3b: {  	[sflag:s20] =	ssyncadd.s32 $0xFFFFB1E0  }
0x3c: {  	[spmem:s2] =	stream.indirect.scatter.add.f32 [tilespmem:s17], [sflag:$0x2], $0x1, s22, s21, $0xb8;
	[tilespmem:$0x10400] =	vst v63  }
0x3d: {  	_ =	swait.ge [sflag:s23], $0x4E20  }
0x3e: {  	[sflag:s23] =	ssyncset.done $0x0  }
0x3f: {  	[sflag:s23] =	ssyncadd.s32 $0xFFFFB1E0  }
0x40: {  	[tilespmem:s19], [sflag:$0x3] =	stream.linear.gather [hbm4b:s9+s3], $0x4E20, $0x38;
	[tilespmem:$0x10400] =	vst v63  }
0x41: {  	_ =	swait.ge [sflag:s20], $0x4E20  }
0x42: {  	[sflag:s20] =	ssyncset.done $0x0  }
0x43: {  	[sflag:s20] =	ssyncadd.s32 $0xFFFFB1E0  }
0x44: {  	[spmem:s2] =	stream.indirect.scatter.add.f32 [tilespmem:s17], [sflag:$0x1], $0x1, s19, s21, $0xb8;
	[tilespmem:$0x10400] =	vst v63  }
0x45: {  	_ =	swait.ge [sflag:s24], $0x4E20  }
0x46: {  	[sflag:s24] =	ssyncset.done $0x0  }
0x47: {  	[sflag:s24] =	ssyncadd.s32 $0xFFFFB1E0  }
0x48: {  	[tilespmem:s22], [sflag:$0x3] =	stream.linear.gather [hbm4b:s10+s3], $0x4E20, $0x38;
	[tilespmem:$0x10400] =	vst v63  }
0x49: {  	_ =	swait.ge [sflag:s20], $0x4E20  }
0x4a: {  	[sflag:s20] =	ssyncset.done $0x0  }
0x4b: {  	[sflag:s20] =	ssyncadd.s32 $0xFFFFB1E0  }
0x4c: {  	[spmem:s2] =	stream.indirect.scatter.add.f32 [tilespmem:s17], [sflag:$0x2], $0x1, s22, s21, $0xb8;
	[tilespmem:$0x10400] =	vst v63  }
0x4d: {  	_ =	swait.ge [sflag:s23], $0x4E20  }
0x4e: {  	[sflag:s23] =	ssyncset.done $0x0  }
0x4f: {  	[sflag:s23] =	ssyncadd.s32 $0xFFFFB1E0  }
0x50: {  	[tilespmem:s19], [sflag:$0x3] =	stream.linear.gather [hbm4b:s11+s3], $0x4E20, $0x38;
	[tilespmem:$0x10400] =	vst v63  }
0x51: {  	_ =	swait.ge [sflag:s20], $0x4E20  }
0x52: {  	[sflag:s20] =	ssyncset.done $0x0  }
0x53: {  	[sflag:s20] =	ssyncadd.s32 $0xFFFFB1E0  }
0x54: {  	[spmem:s2] =	stream.indirect.scatter.add.f32 [tilespmem:s17], [sflag:$0x1], $0x1, s19, s21, $0xb8;
	[tilespmem:$0x10400] =	vst v63  }
0x55: {  	_ =	swait.ge [sflag:s24], $0x4E20  }
0x56: {  	[sflag:s24] =	ssyncset.done $0x0  }
0x57: {  	[sflag:s24] =	ssyncadd.s32 $0xFFFFB1E0  }
0x58: {  	[tilespmem:s22], [sflag:$0x3] =	stream.linear.gather [hbm4b:s12+s3], $0x4E20, $0x38;
	[tilespmem:$0x10400] =	vst v63  }
0x59: {  	_ =	swait.ge [sflag:s20], $0x4E20  }
0x5a: {  	[sflag:s20] =	ssyncset.done $0x0  }
0x5b: {  	[sflag:s20] =	ssyncadd.s32 $0xFFFFB1E0  }
0x5c: {  	[spmem:s2] =	stream.indirect.scatter.add.f32 [tilespmem:s17], [sflag:$0x2], $0x1, s22, s21, $0xb8;
	[tilespmem:$0x10400] =	vst v63  }
0x5d: {  	_ =	swait.ge [sflag:s23], $0x4E20  }
0x5e: {  	[sflag:s23] =	ssyncset.done $0x0  }
0x5f: {  	[sflag:s23] =	ssyncadd.s32 $0xFFFFB1E0  }
0x60: {  	[tilespmem:s19], [sflag:$0x3] =	stream.linear.gather [hbm4b:s13+s3], $0x4E20, $0x38;
	[tilespmem:$0x10400] =	vst v63  }
0x61: {  	_ =	swait.ge [sflag:s20], $0x4E20  }
0x62: {  	[sflag:s20] =	ssyncset.done $0x0  }
0x63: {  	[sflag:s20] =	ssyncadd.s32 $0xFFFFB1E0  }
0x64: {  	[spmem:s2] =	stream.indirect.scatter.add.f32 [tilespmem:s17], [sflag:$0x1], $0x1, s19, s21, $0xb8;
	[tilespmem:$0x10400] =	vst v63  }
0x65: {  	_ =	swait.ge [sflag:s24], $0x4E20  }
0x66: {  	[sflag:s24] =	ssyncset.done $0x0  }
0x67: {  	[sflag:s24] =	ssyncadd.s32 $0xFFFFB1E0  }
0x68: {  	[tilespmem:s22], [sflag:$0x3] =	stream.linear.gather [hbm4b:s14+s3], $0x4E20, $0x38;
	[tilespmem:$0x10400] =	vst v63  }
0x69: {  	_ =	swait.ge [sflag:s20], $0x4E20  }
0x6a: {  	[sflag:s20] =	ssyncset.done $0x0  }
0x6b: {  	[sflag:s20] =	ssyncadd.s32 $0xFFFFB1E0  }
0x6c: {  	[spmem:s2] =	stream.indirect.scatter.add.f32 [tilespmem:s17], [sflag:$0x2], $0x1, s22, s21, $0xb8;
	[tilespmem:$0x10400] =	vst v63  }
0x6d: {  	_ =	swait.ge [sflag:s23], $0x4E20  }
0x6e: {  	[sflag:s23] =	ssyncset.done $0x0  }
0x6f: {  	[sflag:s23] =	ssyncadd.s32 $0xFFFFB1E0  }
0x70: {  	_ =	swait.ge [sflag:s24], $0x4E20  }
0x71: {  	s29 =	sshll.u32 s0, $0x6;
	s28 =	sadd.s32 $0x1, s28;
	[sflag:s24] =	ssyncset.done $0x0  }
0x72: {  	s31 =	sshrl.u32 s4, $0x3;
	p0 =	sne.s32 s28, s16;
	[sflag:s24] =	ssyncadd.s32 $0xFFFFB1E0  }
.Ltmp2:
0x73: {  	s29 =	sor.u32 $0x1C04, s29;
	[bflag:$0x0] =	sbarrier.arrive $0xFFFF;
	(pc) =	sbr.rel @p0 .LBB2_1-.Ltmp2, $4  }
0x74: {  	[hbm:s15@s25], [sflag:s29] =	dma.strided [spmem:s31@s26], $0x310, s23, $0x10   }
0x75: {  	_ =	swait.ge [sflag:s18], $0x310  }
0x76: {  	[sflag:s18] =	ssyncset.done $0x0  }
0x77: {  	[sflag:s18] =	ssyncadd.s32 $0xFFFFFCF0  }
0x78: {  	_ =	sfence.sel $0x180000  }
0x79: {  	[bflag:$0x0] =	sbarrier.arrive $0xFFFF  }
0x7a: {  	p0 =	sne.s32 s0, $0x0;
	_ =	strace $0x90000047  }
0x7b: {  	s0 =	sadd.s32 @!p0 $0x100000, s1;
	[bflag:$0x2] =	sbarrier.arrive $0xFFFF  }
0x7c: {  	[sflag:s0] =	ssyncadd.tile.s32 @!p0 $0x1;
	_ =	shalt  }
.Lfunc_end2:
_tile_overlayer_lowered:
.L_overlay_start_2:
0x7d: {  	(tag) =	ssettag $0x2  }
0x7e: {  	s0 =	rddreg [dreg:$0x0];
	s2 =	stileid.u32  }
0x7f: {  	s1 =	rddreg [dreg:$0x1];
	p0 =	sne.s32 s2, $0x0  }
0x80: {  	s3 =	rddreg [dreg:$0x2];
	[bflag:$0x3] =	sbarrier.arrive $0xFFFF;
	s2 =	simm.s32 @!p0 $0x1C04  }
0x81: {  	[timem:s3], [sflag:s2] =	dma.local @!p0 [hbm:s0], s1  }
0x82: {  	s0 =	simm.s32 @!p0 $0x4  }
0x83: {  	_ =	swait.ge @!p0 [sflag:s0], s1  }
0x84: {  	s1 =	ssub.s32 @!p0 $0x0, s1;
	[sflag:s0] =	ssyncset.done @!p0 $0x0  }
0x85: {  	[sflag:s0] =	ssyncadd.s32 @!p0 s1  }
0x86: {  	[bflag:$0x3] =	sbarrier.arrive $0xFFFF  }
0x87: {  	_ =	shalt  }

</sc_bundles>
